<compile_context>
chip_gen: v7x
topology: tpu7x:2x2x1
jax: 0.10.2.dev20260603
libtpu: 0.0.44.dev20260713+nightly
codegen_flags: <defaults>
</compile_context>

<pallas_src>
import functools

import jax
import jax.numpy as jnp
from jax import lax
from jax.experimental import pallas as pl
from jax.experimental.pallas import tpu as pltpu
from jax.experimental.pallas import tpu_sc as plsc

_DEF = lax.Precision.DEFAULT


def _enc_conv(x, w, b, act):
    bsz, ci = x.shape[0], x.shape[1]
    od = x.shape[2] // 2
    co = w.shape[0]
    e = od + 1
    p3 = e ** 3
    offmax = e * e + e + 1
    pt = p3 + offmax

    xp = jnp.pad(x, ((0, 0), (0, 0), (1, 1), (1, 1), (1, 1)))
    xp = xp.reshape(bsz, ci, e, 2, e, 2, e, 2)
    xp = xp.transpose(3, 5, 7, 0, 1, 2, 4, 6).reshape(8, bsz, ci, p3)
    xp = jnp.pad(xp, ((0, 0), (0, 0), (0, 0), (0, pt - p3)))

    wr = w.reshape(co, ci, 2, 2, 2, 2, 2, 2)
    wr = wr.transpose(2, 4, 6, 0, 3, 5, 7, 1).reshape(8, co, 8 * ci)

    def body(x_ref, w_ref, b_ref, o_ref):
        xv = x_ref[...]
        wv = w_ref[...]
        for bi in range(bsz):
            acc = jnp.zeros((co, p3), jnp.float32)
            for ai, (ad, ah, aw) in enumerate(
                    [(i, j, k) for i in (0, 1) for j in (0, 1) for k in (0, 1)]):
                off = ad * e * e + ah * e + aw
                xa = jnp.concatenate(
                    [xv[p, bi, :, off:off + p3] for p in range(8)], axis=0)
                acc = acc + jnp.dot(wv[ai], xa,
                                    preferred_element_type=jnp.float32,
                                    precision=_DEF)
            o_ref[:, bi, :] = act(acc + b_ref[...])

    out = pl.pallas_call(
        body,
        out_shape=jax.ShapeDtypeStruct((co, bsz, p3), jnp.float32),
    )(xp, wr, b.reshape(co, 1))
    out = out.reshape(co, bsz, e, e, e)[:, :, :od, :od, :od]
    return out, od


def _dec_convT(x, w, b, act):
    bsz, ci, m = x.shape[0], x.shape[1], x.shape[2]
    co = w.shape[1]
    e = m + 2
    p3 = e ** 3
    offmax = e * e + e + 1
    pt = p3 + offmax

    xf = jnp.pad(x, ((0, 0), (0, 0), (1, 1), (1, 1), (1, 1)))
    xf = xf.reshape(bsz, ci, p3)
    xf = jnp.pad(xf, ((0, 0), (0, 0), (0, pt - p3)))

    wt = jnp.flip(w, axis=(2, 3, 4)).transpose(1, 0, 2, 3, 4)
    wd = wt.reshape(co, ci, 2, 2, 2, 2, 2, 2)
    wd = wd.transpose(2, 4, 6, 3, 5, 7, 0, 1).reshape(8, 8 * co, ci)

    lv = p3 - offmax

    def body(x_ref, w_ref, b_ref, o_ref):
        xv = x_ref[...]
        wv = w_ref[...]
        for bi in range(bsz):
            acc = jnp.zeros((8 * co, p3), jnp.float32)
            for ui, (ud, uh, uw) in enumerate(
                    [(i, j, k) for i in (0, 1) for j in (0, 1) for k in (0, 1)]):
                off = ud * e * e + uh * e + uw
                acc = acc + jnp.dot(wv[ui], xv[bi, :, off:off + p3],
                                    preferred_element_type=jnp.float32,
                                    precision=_DEF)
            acc = act(acc + b_ref[...])
            shifted = jnp.concatenate(
                [acc[qi * co:(qi + 1) * co,
                     (qd * e * e + qh * e + qw):(qd * e * e + qh * e + qw) + lv]
                 for qi, (qd, qh, qw) in enumerate(
                     [(i, j, k) for i in (0, 1) for j in (0, 1) for k in (0, 1)])],
                axis=0)
            o_ref[:, bi, :] = jnp.pad(shifted, ((0, 0), (0, p3 - lv)))

    out = pl.pallas_call(
        body,
        out_shape=jax.ShapeDtypeStruct((8 * co, bsz, p3), jnp.float32),
    )(xf, wd, jnp.tile(b, 8).reshape(8 * co, 1))
    out = out.reshape(2, 2, 2, co, bsz, e, e, e)[..., :m, :m, :m]
    y = out.transpose(4, 3, 5, 0, 6, 1, 7, 2).reshape(bsz, co, 2 * m, 2 * m, 2 * m)
    return y


def _vq_body(cb_ref, zt_ref, idx_ref):
    cb = cb_ref[...]
    zt = zt_ref[...]
    cross = jnp.dot(cb, zt, preferred_element_type=jnp.float32,
                    precision=_DEF)
    c2 = jnp.sum(cb * cb, axis=1, keepdims=True)
    z2 = jnp.sum(zt * zt, axis=0, keepdims=True)
    dist = jnp.sqrt(jnp.maximum(z2 + c2 - 2.0 * cross, 0.0))
    dmin = jnp.min(dist, axis=0, keepdims=True)
    ks = lax.broadcasted_iota(jnp.int32, dist.shape, 0)
    idx = jnp.min(jnp.where(dist <= dmin, ks, dist.shape[0]), axis=0)
    idx_ref[...] = idx.reshape(1, -1).astype(jnp.int32)


def _vq_indices(codebook, zt):
    n = zt.shape[1]
    return pl.pallas_call(
        _vq_body,
        out_shape=jax.ShapeDtypeStruct((1, n), jnp.int32),
    )(codebook, zt)


def _gather_rows(codebook, idx_flat):
    _, d0 = codebook.shape
    d = 128
    codebook = jnp.pad(codebook, ((0, 0), (0, d - d0)))
    n = idx_flat.shape[0]
    info = plsc.get_sparse_core_info()
    nw = info.num_cores * info.num_subcores
    b_per_w = n // nw
    mesh = plsc.VectorSubcoreMesh(core_axis_name="c", subcore_axis_name="s")

    @functools.partial(
        pl.kernel, mesh=mesh,
        out_type=jax.ShapeDtypeStruct((n, d), jnp.float32),
        scratch_types=[
            pltpu.VMEM((b_per_w,), jnp.int32),
            pltpu.VMEM((b_per_w, d), jnp.float32),
            pltpu.SemaphoreType.DMA,
        ],
    )
    def k(table_hbm, idx_hbm, out_hbm, idx_v, rows_v, sem):
        wid = lax.axis_index("s") * info.num_cores + lax.axis_index("c")
        base = wid * b_per_w
        pltpu.sync_copy(idx_hbm.at[pl.ds(base, b_per_w)], idx_v)
        pltpu.async_copy(table_hbm.at[idx_v], rows_v, sem).wait()
        pltpu.sync_copy(rows_v, out_hbm.at[pl.ds(base, b_per_w)])

    return k(codebook, idx_flat)[:, :d0]


def kernel(x, W1, b1, W2, b2, W3, b3, codebook, D1, db1, D2, db2, D3, db3):
    bsz = x.shape[0]
    relu = jax.nn.relu

    y, od = _enc_conv(x, W1, b1, relu)
    y = y.transpose(1, 0, 2, 3, 4)
    y, od = _enc_conv(y, W2, b2, relu)
    y = y.transpose(1, 0, 2, 3, 4)
    z, od = _enc_conv(y, W3, b3, lambda v: v)
    zt = z.reshape(64, bsz * od ** 3)

    n = zt.shape[1]
    idx = _vq_indices(codebook, zt)
    qrows = _gather_rows(codebook, idx.reshape(n))
    quantized = qrows.reshape(bsz, od ** 3, 64).transpose(0, 2, 1)
    quantized = quantized.reshape(bsz, 64, od, od, od)
    encoding_indices = idx.reshape(bsz, od ** 3)

    h = _dec_convT(quantized, D1, db1, relu)
    h = _dec_convT(h, D2, db2, relu)
    x_hat = _dec_convT(h, D3, db3, jax.nn.sigmoid)
    return (x_hat, quantized, encoding_indices)

# --- scband reference (transcript-rebuilt; emitter-appended) ---
"""Pipeline reference for scband-vqvae3-d-27857157881937 (READ-ONLY COPY).

The authoritative reference and input builder live on the scoring server;
editing this copy changes nothing except your own understanding.
"""

import jax, jax.numpy as jnp
import numpy as np
from jax import lax

DN = ('NCDHW', 'OIDHW', 'NCDHW')


def conv3d(x, w, b, stride=2, pad=1):
    y = lax.conv_general_dilated(x, w, (stride, stride, stride), [(pad, pad)] * 3,
                                 dimension_numbers=DN)
    return y + b.reshape(1, -1, 1, 1, 1)


def convT3d(x, w, b, stride=2, pad=1):
    # w has PyTorch ConvTranspose3d layout (in_ch, out_ch, kD, kH, kW).
    k = w.shape[2]
    wt = jnp.flip(w, axis=(2, 3, 4)).transpose(1, 0, 2, 3, 4)  # (out, in, k, k, k)
    eff = k - 1 - pad
    y = lax.conv_general_dilated(x, wt, (1, 1, 1), [(eff, eff)] * 3,
                                 lhs_dilation=(stride, stride, stride),
                                 dimension_numbers=DN)
    return y + b.reshape(1, -1, 1, 1, 1)


def setup_inputs(seed: int = 0) -> dict:
    key = jax.random.key(seed)
    ks = jax.random.split(key, 10)

    def p(k, shape, fan):
        return jax.random.normal(k, shape, dtype=jnp.float32) * (1.0 / np.sqrt(fan))

    x = jax.random.normal(ks[0], (2, 1, 64, 64, 64), dtype=jnp.float32)
    W1 = p(ks[1], (16, 1, 4, 4, 4), 1 * 64)
    b1 = jnp.zeros((16,), jnp.float32)
    W2 = p(ks[2], (32, 16, 4, 4, 4), 16 * 64)
    b2 = jnp.zeros((32,), jnp.float32)
    W3 = p(ks[3], (64, 32, 4, 4, 4), 32 * 64)
    b3 = jnp.zeros((64,), jnp.float32)
    codebook = jax.random.normal(ks[4], (512, 64), dtype=jnp.float32)
    D1 = p(ks[5], (64, 32, 4, 4, 4), 64 * 64)
    db1 = jnp.zeros((32,), jnp.float32)
    D2 = p(ks[6], (32, 16, 4, 4, 4), 32 * 64)
    db2 = jnp.zeros((16,), jnp.float32)
    D3 = p(ks[7], (16, 1, 4, 4, 4), 16 * 64)
    db3 = jnp.zeros((1,), jnp.float32)
    return {"x": x, "W1": W1, "b1": b1, "W2": W2, "b2": b2, "W3": W3, "b3": b3,
            "codebook": codebook, "D1": D1, "db1": db1, "D2": D2, "db2": db2,
            "D3": D3, "db3": db3}


def reference(x, W1, b1, W2, b2, W3, b3, codebook, D1, db1, D2, db2, D3, db3):
    # Encoder
    z = jax.nn.relu(conv3d(x, W1, b1))
    z = jax.nn.relu(conv3d(z, W2, b2))
    z = conv3d(z, W3, b3)  # [B, 64, 8, 8, 8]

    B, D = z.shape[0], z.shape[1]
    zf = z.reshape(B, D, -1).transpose(0, 2, 1)  # [B, N, D]

    # torch.cdist (euclidean)
    z2 = jnp.sum(zf * zf, axis=-1, keepdims=True)          # [B, N, 1]
    c2 = jnp.sum(codebook * codebook, axis=-1)             # [K]
    cross = jnp.einsum('bnd,kd->bnk', zf, codebook)        # [B, N, K]
    distances = jnp.sqrt(jnp.maximum(z2 + c2[None, None, :] - 2.0 * cross, 0.0))

    encoding_indices = jnp.argmin(distances, axis=-1)      # [B, N] int
    quantized = jnp.take(codebook, encoding_indices, axis=0)  # [B, N, D] gather
    quantized = quantized.transpose(0, 2, 1).reshape(z.shape)

    # Decoder
    h = jax.nn.relu(convT3d(quantized, D1, db1))
    h = jax.nn.relu(convT3d(h, D2, db2))
    x_hat = jax.nn.sigmoid(convT3d(h, D3, db3))
    return (x_hat, quantized, encoding_indices)

if __name__ == "__main__":
    import jax
    _d = setup_inputs()
    print(jax.jit(kernel)(*tuple(_d.values())))

</pallas_src>

<mosaic_0001>
#map = affine_map<(d0, d1) -> (0, 0)>
#map1 = affine_map<(d0, d1) -> (0)>
module attributes {stable_mosaic.version = 14 : i64} {
  func.func @k(%arg0: i32, %arg1: i32, %arg2: memref<512x128xf32, #tpu.memory_space<hbm>>, %arg3: memref<1024xi32, #tpu.memory_space<hbm>>, %arg4: memref<1024x128xf32, #tpu.memory_space<hbm>>, %arg5: memref<32xi32, #tpu.memory_space<vmem>>, %arg6: memref<32x128xf32, #tpu.memory_space<vmem>>, %arg7: memref<!tpu.dma_semaphore, #tpu.memory_space<semaphore_mem>>) attributes {dimension_semantics = [#tpu.dimension_semantics<core_parallel>, #tpu.dimension_semantics<subcore_parallel>], iteration_bounds = array<i64: 2, 16>, scalar_prefetch = 0 : i64, scratch_operands = 3 : i64, tpu.core_type = #tpu.core_type<sc_vector_subcore>, window_params = [{transform_indices = #map}, {transform_indices = #map1}, {transform_indices = #map}]} {
    %mul3A = arith.constant 2 : i32
    %mul3A_0 = arith.muli %arg1, %mul3A : i32
    %add3A = arith.addi %mul3A_0, %arg0 : i32
    %mul3A_1 = arith.constant 32 : i32
    %mul3A_2 = arith.muli %add3A, %mul3A_1 : i32
    "tpu.region"() ({
      %run_scoped3A = tpu.sem_alloc : memref<!tpu.dma_semaphore, #tpu.memory_space<semaphore_mem>>
      %dma_start3A_7 = tpu.memref_slice %arg3[%mul3A_2] : memref<1024xi32, #tpu.memory_space<hbm>> -> memref<32xi32, #tpu.memory_space<hbm>>
      %dma_start3A_8 = tpu.memref_slice %arg3[%mul3A_2] : memref<1024xi32, #tpu.memory_space<hbm>> -> memref<32xi32, #tpu.memory_space<hbm>>
      tpu.enqueue_dma source(%dma_start3A_8 : memref<32xi32, #tpu.memory_space<hbm>>) target(%arg5 : memref<32xi32, #tpu.memory_space<vmem>>) target_semaphore(%run_scoped3A : memref<!tpu.dma_semaphore, #tpu.memory_space<semaphore_mem>>)
      %dma_wait3A_9 = tpu.memref_slice %arg3[%mul3A_2] : memref<1024xi32, #tpu.memory_space<hbm>> -> memref<32xi32, #tpu.memory_space<hbm>>
      %dma_wait3A_10 = tpu.memref_slice %arg3[%mul3A_2] : memref<1024xi32, #tpu.memory_space<hbm>> -> memref<32xi32, #tpu.memory_space<hbm>>
      tpu.wait_dma2 semaphore(%run_scoped3A : memref<!tpu.dma_semaphore, #tpu.memory_space<semaphore_mem>>) src(%dma_wait3A_10 : memref<32xi32, #tpu.memory_space<hbm>>) dst(%arg5 : memref<32xi32, #tpu.memory_space<vmem>>)
      tpu.yield
    }) : () -> ()
    %dma_start3A = arith.constant 0 : i32
    %dma_start3A_3 = arith.constant 0 : i32
    %dma_start3A_4 = tpu.memref_slice %arg2[%dma_start3A, %dma_start3A_3] : memref<512x128xf32, #tpu.memory_space<hbm>> -> memref<512x128xf32, #tpu.memory_space<hbm>>
    tpu.enqueue_indirect_dma source(%dma_start3A_4 : memref<512x128xf32, #tpu.memory_space<hbm>>) target(%arg6 : memref<32x128xf32, #tpu.memory_space<vmem>>) offsets(%arg5 : memref<32xi32, #tpu.memory_space<vmem>>) semaphore(%arg7 : memref<!tpu.dma_semaphore, #tpu.memory_space<semaphore_mem>>)
    %dma_wait3A = arith.constant 0 : i32
    %dma_wait3A_5 = arith.constant 0 : i32
    %dma_wait3A_6 = tpu.memref_slice %arg2[%dma_wait3A, %dma_wait3A_5] : memref<512x128xf32, #tpu.memory_space<hbm>> -> memref<512x128xf32, #tpu.memory_space<hbm>>
    tpu.wait_indirect_dma semaphore(%arg7 : memref<!tpu.dma_semaphore, #tpu.memory_space<semaphore_mem>>) src(%dma_wait3A_6 : memref<512x128xf32, #tpu.memory_space<hbm>>) dst(%arg6 : memref<32x128xf32, #tpu.memory_space<vmem>>)
    "tpu.region"() ({
      %run_scoped3A = tpu.sem_alloc : memref<!tpu.dma_semaphore, #tpu.memory_space<semaphore_mem>>
      %dma_start3A_7 = arith.constant 0 : i32
      %dma_start3A_8 = tpu.memref_slice %arg4[%mul3A_2, %dma_start3A_7] : memref<1024x128xf32, #tpu.memory_space<hbm>> -> memref<32x128xf32, #tpu.memory_space<hbm>>
      %dma_start3A_9 = arith.constant 0 : i32
      %dma_start3A_10 = tpu.memref_slice %arg4[%mul3A_2, %dma_start3A_9] : memref<1024x128xf32, #tpu.memory_space<hbm>> -> memref<32x128xf32, #tpu.memory_space<hbm>>
      tpu.enqueue_dma source(%arg6 : memref<32x128xf32, #tpu.memory_space<vmem>>) target(%dma_start3A_10 : memref<32x128xf32, #tpu.memory_space<hbm>>) target_semaphore(%run_scoped3A : memref<!tpu.dma_semaphore, #tpu.memory_space<semaphore_mem>>)
      %dma_wait3A_11 = arith.constant 0 : i32
      %dma_wait3A_12 = tpu.memref_slice %arg4[%mul3A_2, %dma_wait3A_11] : memref<1024x128xf32, #tpu.memory_space<hbm>> -> memref<32x128xf32, #tpu.memory_space<hbm>>
      %dma_wait3A_13 = arith.constant 0 : i32
      %dma_wait3A_14 = tpu.memref_slice %arg4[%mul3A_2, %dma_wait3A_13] : memref<1024x128xf32, #tpu.memory_space<hbm>> -> memref<32x128xf32, #tpu.memory_space<hbm>>
      tpu.wait_dma2 semaphore(%run_scoped3A : memref<!tpu.dma_semaphore, #tpu.memory_space<semaphore_mem>>) src(%arg6 : memref<32x128xf32, #tpu.memory_space<vmem>>) dst(%dma_wait3A_14 : memref<32x128xf32, #tpu.memory_space<hbm>>)
      tpu.yield
    }) : () -> ()
    return
  }
}

module attributes {stable_mosaic.version = 14 : i64} {
  func.func @body(%arg0: memref<8x2x1x37060xf32, #tpu.memory_space<vmem>>, %arg1: memref<8x16x8xf32, #tpu.memory_space<vmem>>, %arg2: memref<16x1xf32, #tpu.memory_space<vmem>>, %arg3: memref<16x2x35937xf32, #tpu.memory_space<vmem>>) attributes {dimension_semantics = [], scalar_prefetch = 0 : i64, scratch_operands = 0 : i64, tpu.core_type = #tpu.core_type<tc>} {
    %get3A = arith.constant 0 : index
    %get3A_0 = arith.constant 0 : index
    %get3A_1 = arith.constant 0 : index
    %get3A_2 = arith.constant 0 : index
    %get3A_3 = vector.load %arg0[%get3A, %get3A_0, %get3A_1, %get3A_2] : memref<8x2x1x37060xf32, #tpu.memory_space<vmem>>, vector<8x2x1x37060xf32>
    %get3A_4 = arith.constant 0 : index
    %get3A_5 = arith.constant 0 : index
    %get3A_6 = arith.constant 0 : index
    %get3A_7 = vector.load %arg1[%get3A_4, %get3A_5, %get3A_6] : memref<8x16x8xf32, #tpu.memory_space<vmem>>, vector<8x16x8xf32>
    %broadcast_in_dim3A = arith.constant 0.000000e+00 : f32
    %broadcast_in_dim3A_8 = vector.broadcast %broadcast_in_dim3A : f32 to vector<16x35937xf32>
    %slice3A = vector.extract_strided_slice %get3A_3 {offsets = [0, 0, 0, 0], sizes = [1, 1, 1, 35937], strides = [1, 1, 1, 1]} : vector<8x2x1x37060xf32> to vector<1x1x1x35937xf32>
    %squeeze3A = vector.shape_cast %slice3A : vector<1x1x1x35937xf32> to vector<1x35937xf32>
    %slice3A_9 = vector.extract_strided_slice %get3A_3 {offsets = [1, 0, 0, 0], sizes = [1, 1, 1, 35937], strides = [1, 1, 1, 1]} : vector<8x2x1x37060xf32> to vector<1x1x1x35937xf32>
    %squeeze3A_10 = vector.shape_cast %slice3A_9 : vector<1x1x1x35937xf32> to vector<1x35937xf32>
    %slice3A_11 = vector.extract_strided_slice %get3A_3 {offsets = [2, 0, 0, 0], sizes = [1, 1, 1, 35937], strides = [1, 1, 1, 1]} : vector<8x2x1x37060xf32> to vector<1x1x1x35937xf32>
    %squeeze3A_12 = vector.shape_cast %slice3A_11 : vector<1x1x1x35937xf32> to vector<1x35937xf32>
    %slice3A_13 = vector.extract_strided_slice %get3A_3 {offsets = [3, 0, 0, 0], sizes = [1, 1, 1, 35937], strides = [1, 1, 1, 1]} : vector<8x2x1x37060xf32> to vector<1x1x1x35937xf32>
    %squeeze3A_14 = vector.shape_cast %slice3A_13 : vector<1x1x1x35937xf32> to vector<1x35937xf32>
    %slice3A_15 = vector.extract_strided_slice %get3A_3 {offsets = [4, 0, 0, 0], sizes = [1, 1, 1, 35937], strides = [1, 1, 1, 1]} : vector<8x2x1x37060xf32> to vector<1x1x1x35937xf32>
    %squeeze3A_16 = vector.shape_cast %slice3A_15 : vector<1x1x1x35937xf32> to vector<1x35937xf32>
    %slice3A_17 = vector.extract_strided_slice %get3A_3 {offsets = [5, 0, 0, 0], sizes = [1, 1, 1, 35937], strides = [1, 1, 1, 1]} : vector<8x2x1x37060xf32> to vector<1x1x1x35937xf32>
    %squeeze3A_18 = vector.shape_cast %slice3A_17 : vector<1x1x1x35937xf32> to vector<1x35937xf32>
    %slice3A_19 = vector.extract_strided_slice %get3A_3 {offsets = [6, 0, 0, 0], sizes = [1, 1, 1, 35937], strides = [1, 1, 1, 1]} : vector<8x2x1x37060xf32> to vector<1x1x1x35937xf32>
    %squeeze3A_20 = vector.shape_cast %slice3A_19 : vector<1x1x1x35937xf32> to vector<1x35937xf32>
    %slice3A_21 = vector.extract_strided_slice %get3A_3 {offsets = [7, 0, 0, 0], sizes = [1, 1, 1, 35937], strides = [1, 1, 1, 1]} : vector<8x2x1x37060xf32> to vector<1x1x1x35937xf32>
    %squeeze3A_22 = vector.shape_cast %slice3A_21 : vector<1x1x1x35937xf32> to vector<1x35937xf32>
    %concatenate3A = tpu.concatenate %squeeze3A, %squeeze3A_10, %squeeze3A_12, %squeeze3A_14, %squeeze3A_16, %squeeze3A_18, %squeeze3A_20, %squeeze3A_22 in 0 : vector<1x35937xf32>, vector<1x35937xf32>, vector<1x35937xf32>, vector<1x35937xf32>, vector<1x35937xf32>, vector<1x35937xf32>, vector<1x35937xf32>, vector<1x35937xf32> -> vector<8x35937xf32>
    %slice3A_23 = vector.extract_strided_slice %get3A_7 {offsets = [0, 0, 0], sizes = [1, 16, 8], strides = [1, 1, 1]} : vector<8x16x8xf32> to vector<1x16x8xf32>
    %squeeze3A_24 = vector.shape_cast %slice3A_23 : vector<1x16x8xf32> to vector<16x8xf32>
    %dot_general3A = arith.constant dense<0.000000e+00> : vector<16x35937xf32>
    %dot_general3A_25 = tpu.matmul %squeeze3A_24, %concatenate3A, %dot_general3A {dimension_numbers = #tpu.dot_dimension_numbers<[1], [0], [0], [1], [0, 0, 1, 1], [], []>, transpose_lhs_hint = false} : vector<16x8xf32>, vector<8x35937xf32>, vector<16x35937xf32> -> vector<16x35937xf32>
    %add3A = arith.addf %broadcast_in_dim3A_8, %dot_general3A_25 : vector<16x35937xf32>
    %slice3A_26 = vector.extract_strided_slice %get3A_3 {offsets = [0, 0, 0, 1], sizes = [1, 1, 1, 35937], strides = [1, 1, 1, 1]} : vector<8x2x1x37060xf32> to vector<1x1x1x35937xf32>
    %squeeze3A_27 = vector.shape_cast %slice3A_26 : vector<1x1x1x35937xf32> to vector<1x35937xf32>
    %slice3A_28 = vector.extract_strided_slice %get3A_3 {offsets = [1, 0, 0, 1], sizes = [1, 1, 1, 35937], strides = [1, 1, 1, 1]} : vector<8x2x1x37060xf32> to vector<1x1x1x35937xf32>
    %squeeze3A_29 = vector.shape_cast %slice3A_28 : vector<1x1x1x35937xf32> to vector<1x35937xf32>
    %slice3A_30 = vector.extract_strided_slice %get3A_3 {offsets = [2, 0, 0, 1], sizes = [1, 1, 1, 35937], strides = [1, 1, 1, 1]} : vector<8x2x1x37060xf32> to vector<1x1x1x35937xf32>
    %squeeze3A_31 = vector.shape_cast %slice3A_30 : vector<1x1x1x35937xf32> to vector<1x35937xf32>
    %slice3A_32 = vector.extract_strided_slice %get3A_3 {offsets = [3, 0, 0, 1], sizes = [1, 1, 1, 35937], strides = [1, 1, 1, 1]} : vector<8x2x1x37060xf32> to vector<1x1x1x35937xf32>
    %squeeze3A_33 = vector.shape_cast %slice3A_32 : vector<1x1x1x35937xf32> to vector<1x35937xf32>
    %slice3A_34 = vector.extract_strided_slice %get3A_3 {offsets = [4, 0, 0, 1], sizes = [1, 1, 1, 35937], strides = [1, 1, 1, 1]} : vector<8x2x1x37060xf32> to vector<1x1x1x35937xf32>
    %squeeze3A_35 = vector.shape_cast %slice3A_34 : vector<1x1x1x35937xf32> to vector<1x35937xf32>
    %slice3A_36 = vector.extract_strided_slice %get3A_3 {offsets = [5, 0, 0, 1], sizes = [1, 1, 1, 35937], strides = [1, 1, 1, 1]} : vector<8x2x1x37060xf32> to vector<1x1x1x35937xf32>
    %squeeze3A_37 = vector.shape_cast %slice3A_36 : vector<1x1x1x35937xf32> to vector<1x35937xf32>
    %slice3A_38 = vector.extract_strided_slice %get3A_3 {offsets = [6, 0, 0, 1], sizes = [1, 1, 1, 35937], strides = [1, 1, 1, 1]} : vector<8x2x1x37060xf32> to vector<1x1x1x35937xf32>
    %squeeze3A_39 = vector.shape_cast %slice3A_38 : vector<1x1x1x35937xf32> to vector<1x35937xf32>
    %slice3A_40 = vector.extract_strided_slice %get3A_3 {offsets = [7, 0, 0, 1], sizes = [1, 1, 1, 35937], strides = [1, 1, 1, 1]} : vector<8x2x1x37060xf32> to vector<1x1x1x35937xf32>
    %squeeze3A_41 = vector.shape_cast %slice3A_40 : vector<1x1x1x35937xf32> to vector<1x35937xf32>
    %concatenate3A_42 = tpu.concatenate %squeeze3A_27, %squeeze3A_29, %squeeze3A_31, %squeeze3A_33, %squeeze3A_35, %squeeze3A_37, %squeeze3A_39, %squeeze3A_41 in 0 : vector<1x35937xf32>, vector<1x35937xf32>, vector<1x35937xf32>, vector<1x35937xf32>, vector<1x35937xf32>, vector<1x35937xf32>, vector<1x35937xf32>, vector<1x35937xf32> -> vector<8x35937xf32>
    %slice3A_43 = vector.extract_strided_slice %get3A_7 {offsets = [1, 0, 0], sizes = [1, 16, 8], strides = [1, 1, 1]} : vector<8x16x8xf32> to vector<1x16x8xf32>
    %squeeze3A_44 = vector.shape_cast %slice3A_43 : vector<1x16x8xf32> to vector<16x8xf32>
    %dot_general3A_45 = arith.constant dense<0.000000e+00> : vector<16x35937xf32>
    %dot_general3A_46 = tpu.matmul %squeeze3A_44, %concatenate3A_42, %dot_general3A_45 {dimension_numbers = #tpu.dot_dimension_numbers<[1], [0], [0], [1], [0, 0, 1, 1], [], []>, transpose_lhs_hint = false} : vector<16x8xf32>, vector<8x35937xf32>, vector<16x35937xf32> -> vector<16x35937xf32>
    %add3A_47 = arith.addf %add3A, %dot_general3A_46 : vector<16x35937xf32>
    %slice3A_48 = vector.extract_strided_slice %get3A_3 {offsets = [0, 0, 0, 33], sizes = [1, 1, 1, 35937], strides = [1, 1, 1, 1]} : vector<8x2x1x37060xf32> to vector<1x1x1x35937xf32>
    %squeeze3A_49 = vector.shape_cast %slice3A_48 : vector<1x1x1x35937xf32> to vector<1x35937xf32>
    %slice3A_50 = vector.extract_strided_slice %get3A_3 {offsets = [1, 0, 0, 33], sizes = [1, 1, 1, 35937], strides = [1, 1, 1, 1]} : vector<8x2x1x37060xf32> to vector<1x1x1x35937xf32>
    %squeeze3A_51 = vector.shape_cast %slice3A_50 : vector<1x1x1x35937xf32> to vector<1x35937xf32>
    %slice3A_52 = vector.extract_strided_slice %get3A_3 {offsets = [2, 0, 0, 33], sizes = [1, 1, 1, 35937], strides = [1, 1, 1, 1]} : vector<8x2x1x37060xf32> to vector<1x1x1x35937xf32>
    %squeeze3A_53 = vector.shape_cast %slice3A_52 : vector<1x1x1x35937xf32> to vector<1x35937xf32>
    %slice3A_54 = vector.extract_strided_slice %get3A_3 {offsets = [3, 0, 0, 33], sizes = [1, 1, 1, 35937], strides = [1, 1, 1, 1]} : vector<8x2x1x37060xf32> to vector<1x1x1x35937xf32>
    %squeeze3A_55 = vector.shape_cast %slice3A_54 : vector<1x1x1x35937xf32> to vector<1x35937xf32>
    %slice3A_56 = vector.extract_strided_slice %get3A_3 {offsets = [4, 0, 0, 33], sizes = [1, 1, 1, 35937], strides = [1, 1, 1, 1]} : vector<8x2x1x37060xf32> to vector<1x1x1x35937xf32>
    %squeeze3A_57 = vector.shape_cast %slice3A_56 : vector<1x1x1x35937xf32> to vector<1x35937xf32>
    %slice3A_58 = vector.extract_strided_slice %get3A_3 {offsets = [5, 0, 0, 33], sizes = [1, 1, 1, 35937], strides = [1, 1, 1, 1]} : vector<8x2x1x37060xf32> to vector<1x1x1x35937xf32>
    %squeeze3A_59 = vector.shape_cast %slice3A_58 : vector<1x1x1x35937xf32> to vector<1x35937xf32>
    %slice3A_60 = vector.extract_strided_slice %get3A_3 {offsets = [6, 0, 0, 33], sizes = [1, 1, 1, 35937], strides = [1, 1, 1, 1]} : vector<8x2x1x37060xf32> to vector<1x1x1x35937xf32>
    %squeeze3A_61 = vector.shape_cast %slice3A_60 : vector<1x1x1x35937xf32> to vector<1x35937xf32>
    %slice3A_62 = vector.extract_strided_slice %get3A_3 {offsets = [7, 0, 0, 33], sizes = [1, 1, 1, 35937], strides = [1, 1, 1, 1]} : vector<8x2x1x37060xf32> to vector<1x1x1x35937xf32>
    %squeeze3A_63 = vector.shape_cast %slice3A_62 : vector<1x1x1x35937xf32> to vector<1x35937xf32>
    %concatenate3A_64 = tpu.concatenate %squeeze3A_49, %squeeze3A_51, %squeeze3A_53, %squeeze3A_55, %squeeze3A_57, %squeeze3A_59, %squeeze3A_61, %squeeze3A_63 in 0 : vector<1x35937xf32>, vector<1x35937xf32>, vector<1x35937xf32>, vector<1x35937xf32>, vector<1x35937xf32>, vector<1x35937xf32>, vector<1x35937xf32>, vector<1x35937xf32> -> vector<8x35937xf32>
    %slice3A_65 = vector.extract_strided_slice %get3A_7 {offsets = [2, 0, 0], sizes = [1, 16, 8], strides = [1, 1, 1]} : vector<8x16x8xf32> to vector<1x16x8xf32>
    %squeeze3A_66 = vector.shape_cast %slice3A_65 : vector<1x16x8xf32> to vector<16x8xf32>
    %dot_general3A_67 = arith.constant dense<0.000000e+00> : vector<16x35937xf32>
    %dot_general3A_68 = tpu.matmul %squeeze3A_66, %concatenate3A_64, %dot_general3A_67 {dimension_numbers = #tpu.dot_dimension_numbers<[1], [0], [0], [1], [0, 0, 1, 1], [], []>, transpose_lhs_hint = false} : vector<16x8xf32>, vector<8x35937xf32>, vector<16x35937xf32> -> vector<16x35937xf32>
    %add3A_69 = arith.addf %add3A_47, %dot_general3A_68 : vector<16x35937xf32>
    %slice3A_70 = vector.extract_strided_slice %get3A_3 {offsets = [0, 0, 0, 34], sizes = [1, 1, 1, 35937], strides = [1, 1, 1, 1]} : vector<8x2x1x37060xf32> to vector<1x1x1x35937xf32>
    %squeeze3A_71 = vector.shape_cast %slice3A_70 : vector<1x1x1x35937xf32> to vector<1x35937xf32>
    %slice3A_72 = vector.extract_strided_slice %get3A_3 {offsets = [1, 0, 0, 34], sizes = [1, 1, 1, 35937], strides = [1, 1, 1, 1]} : vector<8x2x1x37060xf32> to vector<1x1x1x35937xf32>
    %squeeze3A_73 = vector.shape_cast %slice3A_72 : vector<1x1x1x35937xf32> to vector<1x35937xf32>
    %slice3A_74 = vector.extract_strided_slice %get3A_3 {offsets = [2, 0, 0, 34], sizes = [1, 1, 1, 35937], strides = [1, 1, 1, 1]} : vector<8x2x1x37060xf32> to vector<1x1x1x35937xf32>
    %squeeze3A_75 = vector.shape_cast %slice3A_74 : vector<1x1x1x35937xf32> to vector<1x35937xf32>
    %slice3A_76 = vector.extract_strided_slice %get3A_3 {offsets = [3, 0, 0, 34], sizes = [1, 1, 1, 35937], strides = [1, 1, 1, 1]} : vector<8x2x1x37060xf32> to vector<1x1x1x35937xf32>
    %squeeze3A_77 = vector.shape_cast %slice3A_76 : vector<1x1x1x35937xf32> to vector<1x35937xf32>
    %slice3A_78 = vector.extract_strided_slice %get3A_3 {offsets = [4, 0, 0, 34], sizes = [1, 1, 1, 35937], strides = [1, 1, 1, 1]} : vector<8x2x1x37060xf32> to vector<1x1x1x35937xf32>
    %squeeze3A_79 = vector.shape_cast %slice3A_78 : vector<1x1x1x35937xf32> to vector<1x35937xf32>
    %slice3A_80 = vector.extract_strided_slice %get3A_3 {offsets = [5, 0, 0, 34], sizes = [1, 1, 1, 35937], strides = [1, 1, 1, 1]} : vector<8x2x1x37060xf32> to vector<1x1x1x35937xf32>
    %squeeze3A_81 = vector.shape_cast %slice3A_80 : vector<1x1x1x35937xf32> to vector<1x35937xf32>
    %slice3A_82 = vector.extract_strided_slice %get3A_3 {offsets = [6, 0, 0, 34], sizes = [1, 1, 1, 35937], strides = [1, 1, 1, 1]} : vector<8x2x1x37060xf32> to vector<1x1x1x35937xf32>
    %squeeze3A_83 = vector.shape_cast %slice3A_82 : vector<1x1x1x35937xf32> to vector<1x35937xf32>
    %slice3A_84 = vector.extract_strided_slice %get3A_3 {offsets = [7, 0, 0, 34], sizes = [1, 1, 1, 35937], strides = [1, 1, 1, 1]} : vector<8x2x1x37060xf32> to vector<1x1x1x35937xf32>
    %squeeze3A_85 = vector.shape_cast %slice3A_84 : vector<1x1x1x35937xf32> to vector<1x35937xf32>
    %concatenate3A_86 = tpu.concatenate %squeeze3A_71, %squeeze3A_73, %squeeze3A_75, %squeeze3A_77, %squeeze3A_79, %squeeze3A_81, %squeeze3A_83, %squeeze3A_85 in 0 : vector<1x35937xf32>, vector<1x35937xf32>, vector<1x35937xf32>, vector<1x35937xf32>, vector<1x35937xf32>, vector<1x35937xf32>, vector<1x35937xf32>, vector<1x35937xf32> -> vector<8x35937xf32>
    %slice3A_87 = vector.extract_strided_slice %get3A_7 {offsets = [3, 0, 0], sizes = [1, 16, 8], strides = [1, 1, 1]} : vector<8x16x8xf32> to vector<1x16x8xf32>
    %squeeze3A_88 = vector.shape_cast %slice3A_87 : vector<1x16x8xf32> to vector<16x8xf32>
    %dot_general3A_89 = arith.constant dense<0.000000e+00> : vector<16x35937xf32>
    %dot_general3A_90 = tpu.matmul %squeeze3A_88, %concatenate3A_86, %dot_general3A_89 {dimension_numbers = #tpu.dot_dimension_numbers<[1], [0], [0], [1], [0, 0, 1, 1], [], []>, transpose_lhs_hint = false} : vector<16x8xf32>, vector<8x35937xf32>, vector<16x35937xf32> -> vector<16x35937xf32>
    %add3A_91 = arith.addf %add3A_69, %dot_general3A_90 : vector<16x35937xf32>
    %slice3A_92 = vector.extract_strided_slice %get3A_3 {offsets = [0, 0, 0, 1089], sizes = [1, 1, 1, 35937], strides = [1, 1, 1, 1]} : vector<8x2x1x37060xf32> to vector<1x1x1x35937xf32>
    %squeeze3A_93 = vector.shape_cast %slice3A_92 : vector<1x1x1x35937xf32> to vector<1x35937xf32>
    %slice3A_94 = vector.extract_strided_slice %get3A_3 {offsets = [1, 0, 0, 1089], sizes = [1, 1, 1, 35937], strides = [1, 1, 1, 1]} : vector<8x2x1x37060xf32> to vector<1x1x1x35937xf32>
    %squeeze3A_95 = vector.shape_cast %slice3A_94 : vector<1x1x1x35937xf32> to vector<1x35937xf32>
    %slice3A_96 = vector.extract_strided_slice %get3A_3 {offsets = [2, 0, 0, 1089], sizes = [1, 1, 1, 35937], strides = [1, 1, 1, 1]} : vector<8x2x1x37060xf32> to vector<1x1x1x35937xf32>
    %squeeze3A_97 = vector.shape_cast %slice3A_96 : vector<1x1x1x35937xf32> to vector<1x35937xf32>
    %slice3A_98 = vector.extract_strided_slice %get3A_3 {offsets = [3, 0, 0, 1089], sizes = [1, 1, 1, 35937], strides = [1, 1, 1, 1]} : vector<8x2x1x37060xf32> to vector<1x1x1x35937xf32>
    %squeeze3A_99 = vector.shape_cast %slice3A_98 : vector<1x1x1x35937xf32> to vector<1x35937xf32>
    %slice3A_100 = vector.extract_strided_slice %get3A_3 {offsets = [4, 0, 0, 1089], sizes = [1, 1, 1, 35937], strides = [1, 1, 1, 1]} : vector<8x2x1x37060xf32> to vector<1x1x1x35937xf32>
    %squeeze3A_101 = vector.shape_cast %slice3A_100 : vector<1x1x1x35937xf32> to vector<1x35937xf32>
    %slice3A_102 = vector.extract_strided_slice %get3A_3 {offsets = [5, 0, 0, 1089], sizes = [1, 1, 1, 35937], strides = [1, 1, 1, 1]} : vector<8x2x1x37060xf32> to vector<1x1x1x35937xf32>
    %squeeze3A_103 = vector.shape_cast %slice3A_102 : vector<1x1x1x35937xf32> to vector<1x35937xf32>
    %slice3A_104 = vector.extract_strided_slice %get3A_3 {offsets = [6, 0, 0, 1089], sizes = [1, 1, 1, 35937], strides = [1, 1, 1, 1]} : vector<8x2x1x37060xf32> to vector<1x1x1x35937xf32>
    %squeeze3A_105 = vector.shape_cast %slice3A_104 : vector<1x1x1x35937xf32> to vector<1x35937xf32>
    %slice3A_106 = vector.extract_strided_slice %get3A_3 {offsets = [7, 0, 0, 1089], sizes = [1, 1, 1, 35937], strides = [1, 1, 1, 1]} : vector<8x2x1x37060xf32> to vector<1x1x1x35937xf32>
    %squeeze3A_107 = vector.shape_cast %slice3A_106 : vector<1x1x1x35937xf32> to vector<1x35937xf32>
    %concatenate3A_108 = tpu.concatenate %squeeze3A_93, %squeeze3A_95, %squeeze3A_97, %squeeze3A_99, %squeeze3A_101, %squeeze3A_103, %squeeze3A_105, %squeeze3A_107 in 0 : vector<1x35937xf32>, vector<1x35937xf32>, vector<1x35937xf32>, vector<1x35937xf32>, vector<1x35937xf32>, vector<1x35937xf32>, vector<1x35937xf32>, vector<1x35937xf32> -> vector<8x35937xf32>
    %slice3A_109 = vector.extract_strided_slice %get3A_7 {offsets = [4, 0, 0], sizes = [1, 16, 8], strides = [1, 1, 1]} : vector<8x16x8xf32> to vector<1x16x8xf32>
    %squeeze3A_110 = vector.shape_cast %slice3A_109 : vector<1x16x8xf32> to vector<16x8xf32>
    %dot_general3A_111 = arith.constant dense<0.000000e+00> : vector<16x35937xf32>
    %dot_general3A_112 = tpu.matmul %squeeze3A_110, %concatenate3A_108, %dot_general3A_111 {dimension_numbers = #tpu.dot_dimension_numbers<[1], [0], [0], [1], [0, 0, 1, 1], [], []>, transpose_lhs_hint = false} : vector<16x8xf32>, vector<8x35937xf32>, vector<16x35937xf32> -> vector<16x35937xf32>
    %add3A_113 = arith.addf %add3A_91, %dot_general3A_112 : vector<16x35937xf32>
    %slice3A_114 = vector.extract_strided_slice %get3A_3 {offsets = [0, 0, 0, 1090], sizes = [1, 1, 1, 35937], strides = [1, 1, 1, 1]} : vector<8x2x1x37060xf32> to vector<1x1x1x35937xf32>
    %squeeze3A_115 = vector.shape_cast %slice3A_114 : vector<1x1x1x35937xf32> to vector<1x35937xf32>
    %slice3A_116 = vector.extract_strided_slice %get3A_3 {offsets = [1, 0, 0, 1090], sizes = [1, 1, 1, 35937], strides = [1, 1, 1, 1]} : vector<8x2x1x37060xf32> to vector<1x1x1x35937xf32>
    %squeeze3A_117 = vector.shape_cast %slice3A_116 : vector<1x1x1x35937xf32> to vector<1x35937xf32>
    %slice3A_118 = vector.extract_strided_slice %get3A_3 {offsets = [2, 0, 0, 1090], sizes = [1, 1, 1, 35937], strides = [1, 1, 1, 1]} : vector<8x2x1x37060xf32> to vector<1x1x1x35937xf32>
    %squeeze3A_119 = vector.shape_cast %slice3A_118 : vector<1x1x1x35937xf32> to vector<1x35937xf32>
    %slice3A_120 = vector.extract_strided_slice %get3A_3 {offsets = [3, 0, 0, 1090], sizes = [1, 1, 1, 35937], strides = [1, 1, 1, 1]} : vector<8x2x1x37060xf32> to vector<1x1x1x35937xf32>
    %squeeze3A_121 = vector.shape_cast %slice3A_120 : vector<1x1x1x35937xf32> to vector<1x35937xf32>
    %slice3A_122 = vector.extract_strided_slice %get3A_3 {offsets = [4, 0, 0, 1090], sizes = [1, 1, 1, 35937], strides = [1, 1, 1, 1]} : vector<8x2x1x37060xf32> to vector<1x1x1x35937xf32>
    %squeeze3A_123 = vector.shape_cast %slice3A_122 : vector<1x1x1x35937xf32> to vector<1x35937xf32>
    %slice3A_124 = vector.extract_strided_slice %get3A_3 {offsets = [5, 0, 0, 1090], sizes = [1, 1, 1, 35937], strides = [1, 1, 1, 1]} : vector<8x2x1x37060xf32> to vector<1x1x1x35937xf32>
    %squeeze3A_125 = vector.shape_cast %slice3A_124 : vector<1x1x1x35937xf32> to vector<1x35937xf32>
    %slice3A_126 = vector.extract_strided_slice %get3A_3 {offsets = [6, 0, 0, 1090], sizes = [1, 1, 1, 35937], strides = [1, 1, 1, 1]} : vector<8x2x1x37060xf32> to vector<1x1x1x35937xf32>
    %squeeze3A_127 = vector.shape_cast %slice3A_126 : vector<1x1x1x35937xf32> to vector<1x35937xf32>
    %slice3A_128 = vector.extract_strided_slice %get3A_3 {offsets = [7, 0, 0, 1090], sizes = [1, 1, 1, 35937], strides = [1, 1, 1, 1]} : vector<8x2x1x37060xf32> to vector<1x1x1x35937xf32>
    %squeeze3A_129 = vector.shape_cast %slice3A_128 : vector<1x1x1x35937xf32> to vector<1x35937xf32>
    %concatenate3A_130 = tpu.concatenate %squeeze3A_115, %squeeze3A_117, %squeeze3A_119, %squeeze3A_121, %squeeze3A_123, %squeeze3A_125, %squeeze3A_127, %squeeze3A_129 in 0 : vector<1x35937xf32>, vector<1x35937xf32>, vector<1x35937xf32>, vector<1x35937xf32>, vector<1x35937xf32>, vector<1x35937xf32>, vector<1x35937xf32>, vector<1x35937xf32> -> vector<8x35937xf32>
    %slice3A_131 = vector.extract_strided_slice %get3A_7 {offsets = [5, 0, 0], sizes = [1, 16, 8], strides = [1, 1, 1]} : vector<8x16x8xf32> to vector<1x16x8xf32>
    %squeeze3A_132 = vector.shape_cast %slice3A_131 : vector<1x16x8xf32> to vector<16x8xf32>
    %dot_general3A_133 = arith.constant dense<0.000000e+00> : vector<16x35937xf32>
    %dot_general3A_134 = tpu.matmul %squeeze3A_132, %concatenate3A_130, %dot_general3A_133 {dimension_numbers = #tpu.dot_dimension_numbers<[1], [0], [0], [1], [0, 0, 1, 1], [], []>, transpose_lhs_hint = false} : vector<16x8xf32>, vector<8x35937xf32>, vector<16x35937xf32> -> vector<16x35937xf32>
    %add3A_135 = arith.addf %add3A_113, %dot_general3A_134 : vector<16x35937xf32>
    %slice3A_136 = vector.extract_strided_slice %get3A_3 {offsets = [0, 0, 0, 1122], sizes = [1, 1, 1, 35937], strides = [1, 1, 1, 1]} : vector<8x2x1x37060xf32> to vector<1x1x1x35937xf32>
    %squeeze3A_137 = vector.shape_cast %slice3A_136 : vector<1x1x1x35937xf32> to vector<1x35937xf32>
    %slice3A_138 = vector.extract_strided_slice %get3A_3 {offsets = [1, 0, 0, 1122], sizes = [1, 1, 1, 35937], strides = [1, 1, 1, 1]} : vector<8x2x1x37060xf32> to vector<1x1x1x35937xf32>
    %squeeze3A_139 = vector.shape_cast %slice3A_138 : vector<1x1x1x35937xf32> to vector<1x35937xf32>
    %slice3A_140 = vector.extract_strided_slice %get3A_3 {offsets = [2, 0, 0, 1122], sizes = [1, 1, 1, 35937], strides = [1, 1, 1, 1]} : vector<8x2x1x37060xf32> to vector<1x1x1x35937xf32>
    %squeeze3A_141 = vector.shape_cast %slice3A_140 : vector<1x1x1x35937xf32> to vector<1x35937xf32>
    %slice3A_142 = vector.extract_strided_slice %get3A_3 {offsets = [3, 0, 0, 1122], sizes = [1, 1, 1, 35937], strides = [1, 1, 1, 1]} : vector<8x2x1x37060xf32> to vector<1x1x1x35937xf32>
    %squeeze3A_143 = vector.shape_cast %slice3A_142 : vector<1x1x1x35937xf32> to vector<1x35937xf32>
    %slice3A_144 = vector.extract_strided_slice %get3A_3 {offsets = [4, 0, 0, 1122], sizes = [1, 1, 1, 35937], strides = [1, 1, 1, 1]} : vector<8x2x1x37060xf32> to vector<1x1x1x35937xf32>
    %squeeze3A_145 = vector.shape_cast %slice3A_144 : vector<1x1x1x35937xf32> to vector<1x35937xf32>
    %slice3A_146 = vector.extract_strided_slice %get3A_3 {offsets = [5, 0, 0, 1122], sizes = [1, 1, 1, 35937], strides = [1, 1, 1, 1]} : vector<8x2x1x37060xf32> to vector<1x1x1x35937xf32>
    %squeeze3A_147 = vector.shape_cast %slice3A_146 : vector<1x1x1x35937xf32> to vector<1x35937xf32>
    %slice3A_148 = vector.extract_strided_slice %get3A_3 {offsets = [6, 0, 0, 1122], sizes = [1, 1, 1, 35937], strides = [1, 1, 1, 1]} : vector<8x2x1x37060xf32> to vector<1x1x1x35937xf32>
    %squeeze3A_149 = vector.shape_cast %slice3A_148 : vector<1x1x1x35937xf32> to vector<1x35937xf32>
    %slice3A_150 = vector.extract_strided_slice %get3A_3 {offsets = [7, 0, 0, 1122], sizes = [1, 1, 1, 35937], strides = [1, 1, 1, 1]} : vector<8x2x1x37060xf32> to vector<1x1x1x35937xf32>
    %squeeze3A_151 = vector.shape_cast %slice3A_150 : vector<1x1x1x35937xf32> to vector<1x35937xf32>
    %concatenate3A_152 = tpu.concatenate %squeeze3A_137, %squeeze3A_139, %squeeze3A_141, %squeeze3A_143, %squeeze3A_145, %squeeze3A_147, %squeeze3A_149, %squeeze3A_151 in 0 : vector<1x35937xf32>, vector<1x35937xf32>, vector<1x35937xf32>, vector<1x35937xf32>, vector<1x35937xf32>, vector<1x35937xf32>, vector<1x35937xf32>, vector<1x35937xf32> -> vector<8x35937xf32>
    %slice3A_153 = vector.extract_strided_slice %get3A_7 {offsets = [6, 0, 0], sizes = [1, 16, 8], strides = [1, 1, 1]} : vector<8x16x8xf32> to vector<1x16x8xf32>
    %squeeze3A_154 = vector.shape_cast %slice3A_153 : vector<1x16x8xf32> to vector<16x8xf32>
    %dot_general3A_155 = arith.constant dense<0.000000e+00> : vector<16x35937xf32>
    %dot_general3A_156 = tpu.matmul %squeeze3A_154, %concatenate3A_152, %dot_general3A_155 {dimension_numbers = #tpu.dot_dimension_numbers<[1], [0], [0], [1], [0, 0, 1, 1], [], []>, transpose_lhs_hint = false} : vector<16x8xf32>, vector<8x35937xf32>, vector<16x35937xf32> -> vector<16x35937xf32>
    %add3A_157 = arith.addf %add3A_135, %dot_general3A_156 : vector<16x35937xf32>
    %slice3A_158 = vector.extract_strided_slice %get3A_3 {offsets = [0, 0, 0, 1123], sizes = [1, 1, 1, 35937], strides = [1, 1, 1, 1]} : vector<8x2x1x37060xf32> to vector<1x1x1x35937xf32>
    %squeeze3A_159 = vector.shape_cast %slice3A_158 : vector<1x1x1x35937xf32> to vector<1x35937xf32>
    %slice3A_160 = vector.extract_strided_slice %get3A_3 {offsets = [1, 0, 0, 1123], sizes = [1, 1, 1, 35937], strides = [1, 1, 1, 1]} : vector<8x2x1x37060xf32> to vector<1x1x1x35937xf32>
    %squeeze3A_161 = vector.shape_cast %slice3A_160 : vector<1x1x1x35937xf32> to vector<1x35937xf32>
    %slice3A_162 = vector.extract_strided_slice %get3A_3 {offsets = [2, 0, 0, 1123], sizes = [1, 1, 1, 35937], strides = [1, 1, 1, 1]} : vector<8x2x1x37060xf32> to vector<1x1x1x35937xf32>
    %squeeze3A_163 = vector.shape_cast %slice3A_162 : vector<1x1x1x35937xf32> to vector<1x35937xf32>
    %slice3A_164 = vector.extract_strided_slice %get3A_3 {offsets = [3, 0, 0, 1123], sizes = [1, 1, 1, 35937], strides = [1, 1, 1, 1]} : vector<8x2x1x37060xf32> to vector<1x1x1x35937xf32>
    %squeeze3A_165 = vector.shape_cast %slice3A_164 : vector<1x1x1x35937xf32> to vector<1x35937xf32>
    %slice3A_166 = vector.extract_strided_slice %get3A_3 {offsets = [4, 0, 0, 1123], sizes = [1, 1, 1, 35937], strides = [1, 1, 1, 1]} : vector<8x2x1x37060xf32> to vector<1x1x1x35937xf32>
    %squeeze3A_167 = vector.shape_cast %slice3A_166 : vector<1x1x1x35937xf32> to vector<1x35937xf32>
    %slice3A_168 = vector.extract_strided_slice %get3A_3 {offsets = [5, 0, 0, 1123], sizes = [1, 1, 1, 35937], strides = [1, 1, 1, 1]} : vector<8x2x1x37060xf32> to vector<1x1x1x35937xf32>
    %squeeze3A_169 = vector.shape_cast %slice3A_168 : vector<1x1x1x35937xf32> to vector<1x35937xf32>
    %slice3A_170 = vector.extract_strided_slice %get3A_3 {offsets = [6, 0, 0, 1123], sizes = [1, 1, 1, 35937], strides = [1, 1, 1, 1]} : vector<8x2x1x37060xf32> to vector<1x1x1x35937xf32>
    %squeeze3A_171 = vector.shape_cast %slice3A_170 : vector<1x1x1x35937xf32> to vector<1x35937xf32>
    %slice3A_172 = vector.extract_strided_slice %get3A_3 {offsets = [7, 0, 0, 1123], sizes = [1, 1, 1, 35937], strides = [1, 1, 1, 1]} : vector<8x2x1x37060xf32> to vector<1x1x1x35937xf32>
    %squeeze3A_173 = vector.shape_cast %slice3A_172 : vector<1x1x1x35937xf32> to vector<1x35937xf32>
    %concatenate3A_174 = tpu.concatenate %squeeze3A_159, %squeeze3A_161, %squeeze3A_163, %squeeze3A_165, %squeeze3A_167, %squeeze3A_169, %squeeze3A_171, %squeeze3A_173 in 0 : vector<1x35937xf32>, vector<1x35937xf32>, vector<1x35937xf32>, vector<1x35937xf32>, vector<1x35937xf32>, vector<1x35937xf32>, vector<1x35937xf32>, vector<1x35937xf32> -> vector<8x35937xf32>
    %slice3A_175 = vector.extract_strided_slice %get3A_7 {offsets = [7, 0, 0], sizes = [1, 16, 8], strides = [1, 1, 1]} : vector<8x16x8xf32> to vector<1x16x8xf32>
    %squeeze3A_176 = vector.shape_cast %slice3A_175 : vector<1x16x8xf32> to vector<16x8xf32>
    %dot_general3A_177 = arith.constant dense<0.000000e+00> : vector<16x35937xf32>
    %dot_general3A_178 = tpu.matmul %squeeze3A_176, %concatenate3A_174, %dot_general3A_177 {dimension_numbers = #tpu.dot_dimension_numbers<[1], [0], [0], [1], [0, 0, 1, 1], [], []>, transpose_lhs_hint = false} : vector<16x8xf32>, vector<8x35937xf32>, vector<16x35937xf32> -> vector<16x35937xf32>
    %add3A_179 = arith.addf %add3A_157, %dot_general3A_178 : vector<16x35937xf32>
    %get3A_180 = arith.constant 0 : index
    %get3A_181 = arith.constant 0 : index
    %get3A_182 = vector.load %arg2[%get3A_180, %get3A_181] : memref<16x1xf32, #tpu.memory_space<vmem>>, vector<16x1xf32>
    %add3A_183 = vector.broadcast %get3A_182 : vector<16x1xf32> to vector<16x35937xf32>
    %add3A_184 = arith.addf %add3A_179, %add3A_183 : vector<16x35937xf32>
    %max3A = arith.constant 0.000000e+00 : f32
    %max3A_185 = vector.broadcast %max3A : f32 to vector<16x35937xf32>
    %max3A_186 = arith.maximumf %add3A_184, %max3A_185 : vector<16x35937xf32>
    %swap3A = arith.constant 0 : index
    %swap3A_187 = arith.constant 0 : index
    %swap3A_188 = arith.constant 0 : index
    %swap3A_189 = vector.load %arg3[%swap3A, %swap3A_187, %swap3A_188] : memref<16x2x35937xf32, #tpu.memory_space<vmem>>, vector<16x1x35937xf32>
    %swap3A_190 = vector.shape_cast %swap3A_189 : vector<16x1x35937xf32> to vector<16x35937xf32>
    %swap3A_191 = vector.shape_cast %max3A_186 : vector<16x35937xf32> to vector<16x1x35937xf32>
    tpu.vector_store %arg3[%swap3A, %swap3A_187, %swap3A_188], %swap3A_191 {strides = array<i32>} : memref<16x2x35937xf32, #tpu.memory_space<vmem>>, vector<16x1x35937xf32>,
    %broadcast_in_dim3A_192 = arith.constant 0.000000e+00 : f32
    %broadcast_in_dim3A_193 = vector.broadcast %broadcast_in_dim3A_192 : f32 to vector<16x35937xf32>
    %slice3A_194 = vector.extract_strided_slice %get3A_3 {offsets = [0, 1, 0, 0], sizes = [1, 1, 1, 35937], strides = [1, 1, 1, 1]} : vector<8x2x1x37060xf32> to vector<1x1x1x35937xf32>
    %squeeze3A_195 = vector.shape_cast %slice3A_194 : vector<1x1x1x35937xf32> to vector<1x35937xf32>
    %slice3A_196 = vector.extract_strided_slice %get3A_3 {offsets = [1, 1, 0, 0], sizes = [1, 1, 1, 35937], strides = [1, 1, 1, 1]} : vector<8x2x1x37060xf32> to vector<1x1x1x35937xf32>
    %squeeze3A_197 = vector.shape_cast %slice3A_196 : vector<1x1x1x35937xf32> to vector<1x35937xf32>
    %slice3A_198 = vector.extract_strided_slice %get3A_3 {offsets = [2, 1, 0, 0], sizes = [1, 1, 1, 35937], strides = [1, 1, 1, 1]} : vector<8x2x1x37060xf32> to vector<1x1x1x35937xf32>
    %squeeze3A_199 = vector.shape_cast %slice3A_198 : vector<1x1x1x35937xf32> to vector<1x35937xf32>
    %slice3A_200 = vector.extract_strided_slice %get3A_3 {offsets = [3, 1, 0, 0], sizes = [1, 1, 1, 35937], strides = [1, 1, 1, 1]} : vector<8x2x1x37060xf32> to vector<1x1x1x35937xf32>
    %squeeze3A_201 = vector.shape_cast %slice3A_200 : vector<1x1x1x35937xf32> to vector<1x35937xf32>
    %slice3A_202 = vector.extract_strided_slice %get3A_3 {offsets = [4, 1, 0, 0], sizes = [1, 1, 1, 35937], strides = [1, 1, 1, 1]} : vector<8x2x1x37060xf32> to vector<1x1x1x35937xf32>
    %squeeze3A_203 = vector.shape_cast %slice3A_202 : vector<1x1x1x35937xf32> to vector<1x35937xf32>
    %slice3A_204 = vector.extract_strided_slice %get3A_3 {offsets = [5, 1, 0, 0], sizes = [1, 1, 1, 35937], strides = [1, 1, 1, 1]} : vector<8x2x1x37060xf32> to vector<1x1x1x35937xf32>
    %squeeze3A_205 = vector.shape_cast %slice3A_204 : vector<1x1x1x35937xf32> to vector<1x35937xf32>
    %slice3A_206 = vector.extract_strided_slice %get3A_3 {offsets = [6, 1, 0, 0], sizes = [1, 1, 1, 35937], strides = [1, 1, 1, 1]} : vector<8x2x1x37060xf32> to vector<1x1x1x35937xf32>
    %squeeze3A_207 = vector.shape_cast %slice3A_206 : vector<1x1x1x35937xf32> to vector<1x35937xf32>
    %slice3A_208 = vector.extract_strided_slice %get3A_3 {offsets = [7, 1, 0, 0], sizes = [1, 1, 1, 35937], strides = [1, 1, 1, 1]} : vector<8x2x1x37060xf32> to vector<1x1x1x35937xf32>
    %squeeze3A_209 = vector.shape_cast %slice3A_208 : vector<1x1x1x35937xf32> to vector<1x35937xf32>
    %concatenate3A_210 = tpu.concatenate %squeeze3A_195, %squeeze3A_197, %squeeze3A_199, %squeeze3A_201, %squeeze3A_203, %squeeze3A_205, %squeeze3A_207, %squeeze3A_209 in 0 : vector<1x35937xf32>, vector<1x35937xf32>, vector<1x35937xf32>, vector<1x35937xf32>, vector<1x35937xf32>, vector<1x35937xf32>, vector<1x35937xf32>, vector<1x35937xf32> -> vector<8x35937xf32>
    %slice3A_211 = vector.extract_strided_slice %get3A_7 {offsets = [0, 0, 0], sizes = [1, 16, 8], strides = [1, 1, 1]} : vector<8x16x8xf32> to vector<1x16x8xf32>
    %squeeze3A_212 = vector.shape_cast %slice3A_211 : vector<1x16x8xf32> to vector<16x8xf32>
    %dot_general3A_213 = arith.constant dense<0.000000e+00> : vector<16x35937xf32>
    %dot_general3A_214 = tpu.matmul %squeeze3A_212, %concatenate3A_210, %dot_general3A_213 {dimension_numbers = #tpu.dot_dimension_numbers<[1], [0], [0], [1], [0, 0, 1, 1], [], []>, transpose_lhs_hint = false} : vector<16x8xf32>, vector<8x35937xf32>, vector<16x35937xf32> -> vector<16x35937xf32>
    %add3A_215 = arith.addf %broadcast_in_dim3A_193, %dot_general3A_214 : vector<16x35937xf32>
    %slice3A_216 = vector.extract_strided_slice %get3A_3 {offsets = [0, 1, 0, 1], sizes = [1, 1, 1, 35937], strides = [1, 1, 1, 1]} : vector<8x2x1x37060xf32> to vector<1x1x1x35937xf32>
    %squeeze3A_217 = vector.shape_cast %slice3A_216 : vector<1x1x1x35937xf32> to vector<1x35937xf32>
    %slice3A_218 = vector.extract_strided_slice %get3A_3 {offsets = [1, 1, 0, 1], sizes = [1, 1, 1, 35937], strides = [1, 1, 1, 1]} : vector<8x2x1x37060xf32> to vector<1x1x1x35937xf32>
    %squeeze3A_219 = vector.shape_cast %slice3A_218 : vector<1x1x1x35937xf32> to vector<1x35937xf32>
    %slice3A_220 = vector.extract_strided_slice %get3A_3 {offsets = [2, 1, 0, 1], sizes = [1, 1, 1, 35937], strides = [1, 1, 1, 1]} : vector<8x2x1x37060xf32> to vector<1x1x1x35937xf32>
    %squeeze3A_221 = vector.shape_cast %slice3A_220 : vector<1x1x1x35937xf32> to vector<1x35937xf32>
    %slice3A_222 = vector.extract_strided_slice %get3A_3 {offsets = [3, 1, 0, 1], sizes = [1, 1, 1, 35937], strides = [1, 1, 1, 1]} : vector<8x2x1x37060xf32> to vector<1x1x1x35937xf32>
    %squeeze3A_223 = vector.shape_cast %slice3A_222 : vector<1x1x1x35937xf32> to vector<1x35937xf32>
    %slice3A_224 = vector.extract_strided_slice %get3A_3 {offsets = [4, 1, 0, 1], sizes = [1, 1, 1, 35937], strides = [1, 1, 1, 1]} : vector<8x2x1x37060xf32> to vector<1x1x1x35937xf32>
    %squeeze3A_225 = vector.shape_cast %slice3A_224 : vector<1x1x1x35937xf32> to vector<1x35937xf32>
    %slice3A_226 = vector.extract_strided_slice %get3A_3 {offsets = [5, 1, 0, 1], sizes = [1, 1, 1, 35937], strides = [1, 1, 1, 1]} : vector<8x2x1x37060xf32> to vector<1x1x1x35937xf32>
    %squeeze3A_227 = vector.shape_cast %slice3A_226 : vector<1x1x1x35937xf32> to vector<1x35937xf32>
    %slice3A_228 = vector.extract_strided_slice %get3A_3 {offsets = [6, 1, 0, 1], sizes = [1, 1, 1, 35937], strides = [1, 1, 1, 1]} : vector<8x2x1x37060xf32> to vector<1x1x1x35937xf32>
    %squeeze3A_229 = vector.shape_cast %slice3A_228 : vector<1x1x1x35937xf32> to vector<1x35937xf32>
    %slice3A_230 = vector.extract_strided_slice %get3A_3 {offsets = [7, 1, 0, 1], sizes = [1, 1, 1, 35937], strides = [1, 1, 1, 1]} : vector<8x2x1x37060xf32> to vector<1x1x1x35937xf32>
    %squeeze3A_231 = vector.shape_cast %slice3A_230 : vector<1x1x1x35937xf32> to vector<1x35937xf32>
    %concatenate3A_232 = tpu.concatenate %squeeze3A_217, %squeeze3A_219, %squeeze3A_221, %squeeze3A_223, %squeeze3A_225, %squeeze3A_227, %squeeze3A_229, %squeeze3A_231 in 0 : vector<1x35937xf32>, vector<1x35937xf32>, vector<1x35937xf32>, vector<1x35937xf32>, vector<1x35937xf32>, vector<1x35937xf32>, vector<1x35937xf32>, vector<1x35937xf32> -> vector<8x35937xf32>
    %slice3A_233 = vector.extract_strided_slice %get3A_7 {offsets = [1, 0, 0], sizes = [1, 16, 8], strides = [1, 1, 1]} : vector<8x16x8xf32> to vector<1x16x8xf32>
    %squeeze3A_234 = vector.shape_cast %slice3A_233 : vector<1x16x8xf32> to vector<16x8xf32>
    %dot_general3A_235 = arith.constant dense<0.000000e+00> : vector<16x35937xf32>
    %dot_general3A_236 = tpu.matmul %squeeze3A_234, %concatenate3A_232, %dot_general3A_235 {dimension_numbers = #tpu.dot_dimension_numbers<[1], [0], [0], [1], [0, 0, 1, 1], [], []>, transpose_lhs_hint = false} : vector<16x8xf32>, vector<8x35937xf32>, vector<16x35937xf32> -> vector<16x35937xf32>
    %add3A_237 = arith.addf %add3A_215, %dot_general3A_236 : vector<16x35937xf32>
    %slice3A_238 = vector.extract_strided_slice %get3A_3 {offsets = [0, 1, 0, 33], sizes = [1, 1, 1, 35937], strides = [1, 1, 1, 1]} : vector<8x2x1x37060xf32> to vector<1x1x1x35937xf32>
    %squeeze3A_239 = vector.shape_cast %slice3A_238 : vector<1x1x1x35937xf32> to vector<1x35937xf32>
    %slice3A_240 = vector.extract_strided_slice %get3A_3 {offsets = [1, 1, 0, 33], sizes = [1, 1, 1, 35937], strides = [1, 1, 1, 1]} : vector<8x2x1x37060xf32> to vector<1x1x1x35937xf32>
    %squeeze3A_241 = vector.shape_cast %slice3A_240 : vector<1x1x1x35937xf32> to vector<1x35937xf32>
    %slice3A_242 = vector.extract_strided_slice %get3A_3 {offsets = [2, 1, 0, 33], sizes = [1, 1, 1, 35937], strides = [1, 1, 1, 1]} : vector<8x2x1x37060xf32> to vector<1x1x1x35937xf32>
    %squeeze3A_243 = vector.shape_cast %slice3A_242 : vector<1x1x1x35937xf32> to vector<1x35937xf32>
    %slice3A_244 = vector.extract_strided_slice %get3A_3 {offsets = [3, 1, 0, 33], sizes = [1, 1, 1, 35937], strides = [1, 1, 1, 1]} : vector<8x2x1x37060xf32> to vector<1x1x1x35937xf32>
    %squeeze3A_245 = vector.shape_cast %slice3A_244 : vector<1x1x1x35937xf32> to vector<1x35937xf32>
    %slice3A_246 = vector.extract_strided_slice %get3A_3 {offsets = [4, 1, 0, 33], sizes = [1, 1, 1, 35937], strides = [1, 1, 1, 1]} : vector<8x2x1x37060xf32> to vector<1x1x1x35937xf32>
    %squeeze3A_247 = vector.shape_cast %slice3A_246 : vector<1x1x1x35937xf32> to vector<1x35937xf32>
    %slice3A_248 = vector.extract_strided_slice %get3A_3 {offsets = [5, 1, 0, 33], sizes = [1, 1, 1, 35937], strides = [1, 1, 1, 1]} : vector<8x2x1x37060xf32> to vector<1x1x1x35937xf32>
    %squeeze3A_249 = vector.shape_cast %slice3A_248 : vector<1x1x1x35937xf32> to vector<1x35937xf32>
    %slice3A_250 = vector.extract_strided_slice %get3A_3 {offsets = [6, 1, 0, 33], sizes = [1, 1, 1, 35937], strides = [1, 1, 1, 1]} : vector<8x2x1x37060xf32> to vector<1x1x1x35937xf32>
    %squeeze3A_251 = vector.shape_cast %slice3A_250 : vector<1x1x1x35937xf32> to vector<1x35937xf32>
    %slice3A_252 = vector.extract_strided_slice %get3A_3 {offsets = [7, 1, 0, 33], sizes = [1, 1, 1, 35937], strides = [1, 1, 1, 1]} : vector<8x2x1x37060xf32> to vector<1x1x1x35937xf32>
    %squeeze3A_253 = vector.shape_cast %slice3A_252 : vector<1x1x1x35937xf32> to vector<1x35937xf32>
    %concatenate3A_254 = tpu.concatenate %squeeze3A_239, %squeeze3A_241, %squeeze3A_243, %squeeze3A_245, %squeeze3A_247, %squeeze3A_249, %squeeze3A_251, %squeeze3A_253 in 0 : vector<1x35937xf32>, vector<1x35937xf32>, vector<1x35937xf32>, vector<1x35937xf32>, vector<1x35937xf32>, vector<1x35937xf32>, vector<1x35937xf32>, vector<1x35937xf32> -> vector<8x35937xf32>
    %slice3A_255 = vector.extract_strided_slice %get3A_7 {offsets = [2, 0, 0], sizes = [1, 16, 8], strides = [1, 1, 1]} : vector<8x16x8xf32> to vector<1x16x8xf32>
    %squeeze3A_256 = vector.shape_cast %slice3A_255 : vector<1x16x8xf32> to vector<16x8xf32>
    %dot_general3A_257 = arith.constant dense<0.000000e+00> : vector<16x35937xf32>
    %dot_general3A_258 = tpu.matmul %squeeze3A_256, %concatenate3A_254, %dot_general3A_257 {dimension_numbers = #tpu.dot_dimension_numbers<[1], [0], [0], [1], [0, 0, 1, 1], [], []>, transpose_lhs_hint = false} : vector<16x8xf32>, vector<8x35937xf32>, vector<16x35937xf32> -> vector<16x35937xf32>
    %add3A_259 = arith.addf %add3A_237, %dot_general3A_258 : vector<16x35937xf32>
    %slice3A_260 = vector.extract_strided_slice %get3A_3 {offsets = [0, 1, 0, 34], sizes = [1, 1, 1, 35937], strides = [1, 1, 1, 1]} : vector<8x2x1x37060xf32> to vector<1x1x1x35937xf32>
    %squeeze3A_261 = vector.shape_cast %slice3A_260 : vector<1x1x1x35937xf32> to vector<1x35937xf32>
    %slice3A_262 = vector.extract_strided_slice %get3A_3 {offsets = [1, 1, 0, 34], sizes = [1, 1, 1, 35937], strides = [1, 1, 1, 1]} : vector<8x2x1x37060xf32> to vector<1x1x1x35937xf32>
    %squeeze3A_263 = vector.shape_cast %slice3A_262 : vector<1x1x1x35937xf32> to vector<1x35937xf32>
    %slice3A_264 = vector.extract_strided_slice %get3A_3 {offsets = [2, 1, 0, 34], sizes = [1, 1, 1, 35937], strides = [1, 1, 1, 1]} : vector<8x2x1x37060xf32> to vector<1x1x1x35937xf32>
    %squeeze3A_265 = vector.shape_cast %slice3A_264 : vector<1x1x1x35937xf32> to vector<1x35937xf32>
    %slice3A_266 = vector.extract_strided_slice %get3A_3 {offsets = [3, 1, 0, 34], sizes = [1, 1, 1, 35937], strides = [1, 1, 1, 1]} : vector<8x2x1x37060xf32> to vector<1x1x1x35937xf32>
    %squeeze3A_267 = vector.shape_cast %slice3A_266 : vector<1x1x1x35937xf32> to vector<1x35937xf32>
    %slice3A_268 = vector.extract_strided_slice %get3A_3 {offsets = [4, 1, 0, 34], sizes = [1, 1, 1, 35937], strides = [1, 1, 1, 1]} : vector<8x2x1x37060xf32> to vector<1x1x1x35937xf32>
    %squeeze3A_269 = vector.shape_cast %slice3A_268 : vector<1x1x1x35937xf32> to vector<1x35937xf32>
    %slice3A_270 = vector.extract_strided_slice %get3A_3 {offsets = [5, 1, 0, 34], sizes = [1, 1, 1, 35937], strides = [1, 1, 1, 1]} : vector<8x2x1x37060xf32> to vector<1x1x1x35937xf32>
    %squeeze3A_271 = vector.shape_cast %slice3A_270 : vector<1x1x1x35937xf32> to vector<1x35937xf32>
    %slice3A_272 = vector.extract_strided_slice %get3A_3 {offsets = [6, 1, 0, 34], sizes = [1, 1, 1, 35937], strides = [1, 1, 1, 1]} : vector<8x2x1x37060xf32> to vector<1x1x1x35937xf32>
    %squeeze3A_273 = vector.shape_cast %slice3A_272 : vector<1x1x1x35937xf32> to vector<1x35937xf32>
    %slice3A_274 = vector.extract_strided_slice %get3A_3 {offsets = [7, 1, 0, 34], sizes = [1, 1, 1, 35937], strides = [1, 1, 1, 1]} : vector<8x2x1x37060xf32> to vector<1x1x1x35937xf32>
    %squeeze3A_275 = vector.shape_cast %slice3A_274 : vector<1x1x1x35937xf32> to vector<1x35937xf32>
    %concatenate3A_276 = tpu.concatenate %squeeze3A_261, %squeeze3A_263, %squeeze3A_265, %squeeze3A_267, %squeeze3A_269, %squeeze3A_271, %squeeze3A_273, %squeeze3A_275 in 0 : vector<1x35937xf32>, vector<1x35937xf32>, vector<1x35937xf32>, vector<1x35937xf32>, vector<1x35937xf32>, vector<1x35937xf32>, vector<1x35937xf32>, vector<1x35937xf32> -> vector<8x35937xf32>
    %slice3A_277 = vector.extract_strided_slice %get3A_7 {offsets = [3, 0, 0], sizes = [1, 16, 8], strides = [1, 1, 1]} : vector<8x16x8xf32> to vector<1x16x8xf32>
    %squeeze3A_278 = vector.shape_cast %slice3A_277 : vector<1x16x8xf32> to vector<16x8xf32>
    %dot_general3A_279 = arith.constant dense<0.000000e+00> : vector<16x35937xf32>
    %dot_general3A_280 = tpu.matmul %squeeze3A_278, %concatenate3A_276, %dot_general3A_279 {dimension_numbers = #tpu.dot_dimension_numbers<[1], [0], [0], [1], [0, 0, 1, 1], [], []>, transpose_lhs_hint = false} : vector<16x8xf32>, vector<8x35937xf32>, vector<16x35937xf32> -> vector<16x35937xf32>
    %add3A_281 = arith.addf %add3A_259, %dot_general3A_280 : vector<16x35937xf32>
    %slice3A_282 = vector.extract_strided_slice %get3A_3 {offsets = [0, 1, 0, 1089], sizes = [1, 1, 1, 35937], strides = [1, 1, 1, 1]} : vector<8x2x1x37060xf32> to vector<1x1x1x35937xf32>
    %squeeze3A_283 = vector.shape_cast %slice3A_282 : vector<1x1x1x35937xf32> to vector<1x35937xf32>
    %slice3A_284 = vector.extract_strided_slice %get3A_3 {offsets = [1, 1, 0, 1089], sizes = [1, 1, 1, 35937], strides = [1, 1, 1, 1]} : vector<8x2x1x37060xf32> to vector<1x1x1x35937xf32>
    %squeeze3A_285 = vector.shape_cast %slice3A_284 : vector<1x1x1x35937xf32> to vector<1x35937xf32>
    %slice3A_286 = vector.extract_strided_slice %get3A_3 {offsets = [2, 1, 0, 1089], sizes = [1, 1, 1, 35937], strides = [1, 1, 1, 1]} : vector<8x2x1x37060xf32> to vector<1x1x1x35937xf32>
    %squeeze3A_287 = vector.shape_cast %slice3A_286 : vector<1x1x1x35937xf32> to vector<1x35937xf32>
    %slice3A_288 = vector.extract_strided_slice %get3A_3 {offsets = [3, 1, 0, 1089], sizes = [1, 1, 1, 35937], strides = [1, 1, 1, 1]} : vector<8x2x1x37060xf32> to vector<1x1x1x35937xf32>
    %squeeze3A_289 = vector.shape_cast %slice3A_288 : vector<1x1x1x35937xf32> to vector<1x35937xf32>
    %slice3A_290 = vector.extract_strided_slice %get3A_3 {offsets = [4, 1, 0, 1089], sizes = [1, 1, 1, 35937], strides = [1, 1, 1, 1]} : vector<8x2x1x37060xf32> to vector<1x1x1x35937xf32>
    %squeeze3A_291 = vector.shape_cast %slice3A_290 : vector<1x1x1x35937xf32> to vector<1x35937xf32>
    %slice3A_292 = vector.extract_strided_slice %get3A_3 {offsets = [5, 1, 0, 1089], sizes = [1, 1, 1, 35937], strides = [1, 1, 1, 1]} : vector<8x2x1x37060xf32> to vector<1x1x1x35937xf32>
    %squeeze3A_293 = vector.shape_cast %slice3A_292 : vector<1x1x1x35937xf32> to vector<1x35937xf32>
    %slice3A_294 = vector.extract_strided_slice %get3A_3 {offsets = [6, 1, 0, 1089], sizes = [1, 1, 1, 35937], strides = [1, 1, 1, 1]} : vector<8x2x1x37060xf32> to vector<1x1x1x35937xf32>
    %squeeze3A_295 = vector.shape_cast %slice3A_294 : vector<1x1x1x35937xf32> to vector<1x35937xf32>
    %slice3A_296 = vector.extract_strided_slice %get3A_3 {offsets = [7, 1, 0, 1089], sizes = [1, 1, 1, 35937], strides = [1, 1, 1, 1]} : vector<8x2x1x37060xf32> to vector<1x1x1x35937xf32>
    %squeeze3A_297 = vector.shape_cast %slice3A_296 : vector<1x1x1x35937xf32> to vector<1x35937xf32>
    %concatenate3A_298 = tpu.concatenate %squeeze3A_283, %squeeze3A_285, %squeeze3A_287, %squeeze3A_289, %squeeze3A_291, %squeeze3A_293, %squeeze3A_295, %squeeze3A_297 in 0 : vector<1x35937xf32>, vector<1x35937xf32>, vector<1x35937xf32>, vector<1x35937xf32>, vector<1x35937xf32>, vector<1x35937xf32>, vector<1x35937xf32>, vector<1x35937xf32> -> vector<8x35937xf32>
    %slice3A_299 = vector.extract_strided_slice %get3A_7 {offsets = [4, 0, 0], sizes = [1, 16, 8], strides = [1, 1, 1]} : vector<8x16x8xf32> to vector<1x16x8xf32>
    %squeeze3A_300 = vector.shape_cast %slice3A_299 : vector<1x16x8xf32> to vector<16x8xf32>
    %dot_general3A_301 = arith.constant dense<0.000000e+00> : vector<16x35937xf32>
    %dot_general3A_302 = tpu.matmul %squeeze3A_300, %concatenate3A_298, %dot_general3A_301 {dimension_numbers = #tpu.dot_dimension_numbers<[1], [0], [0], [1], [0, 0, 1, 1], [], []>, transpose_lhs_hint = false} : vector<16x8xf32>, vector<8x35937xf32>, vector<16x35937xf32> -> vector<16x35937xf32>
    %add3A_303 = arith.addf %add3A_281, %dot_general3A_302 : vector<16x35937xf32>
    %slice3A_304 = vector.extract_strided_slice %get3A_3 {offsets = [0, 1, 0, 1090], sizes = [1, 1, 1, 35937], strides = [1, 1, 1, 1]} : vector<8x2x1x37060xf32> to vector<1x1x1x35937xf32>
    %squeeze3A_305 = vector.shape_cast %slice3A_304 : vector<1x1x1x35937xf32> to vector<1x35937xf32>
    %slice3A_306 = vector.extract_strided_slice %get3A_3 {offsets = [1, 1, 0, 1090], sizes = [1, 1, 1, 35937], strides = [1, 1, 1, 1]} : vector<8x2x1x37060xf32> to vector<1x1x1x35937xf32>
    %squeeze3A_307 = vector.shape_cast %slice3A_306 : vector<1x1x1x35937xf32> to vector<1x35937xf32>
    %slice3A_308 = vector.extract_strided_slice %get3A_3 {offsets = [2, 1, 0, 1090], sizes = [1, 1, 1, 35937], strides = [1, 1, 1, 1]} : vector<8x2x1x37060xf32> to vector<1x1x1x35937xf32>
    %squeeze3A_309 = vector.shape_cast %slice3A_308 : vector<1x1x1x35937xf32> to vector<1x35937xf32>
    %slice3A_310 = vector.extract_strided_slice %get3A_3 {offsets = [3, 1, 0, 1090], sizes = [1, 1, 1, 35937], strides = [1, 1, 1, 1]} : vector<8x2x1x37060xf32> to vector<1x1x1x35937xf32>
    %squeeze3A_311 = vector.shape_cast %slice3A_310 : vector<1x1x1x35937xf32> to vector<1x35937xf32>
    %slice3A_312 = vector.extract_strided_slice %get3A_3 {offsets = [4, 1, 0, 1090], sizes = [1, 1, 1, 35937], strides = [1, 1, 1, 1]} : vector<8x2x1x37060xf32> to vector<1x1x1x35937xf32>
    %squeeze3A_313 = vector.shape_cast %slice3A_312 : vector<1x1x1x35937xf32> to vector<1x35937xf32>
    %slice3A_314 = vector.extract_strided_slice %get3A_3 {offsets = [5, 1, 0, 1090], sizes = [1, 1, 1, 35937], strides = [1, 1, 1, 1]} : vector<8x2x1x37060xf32> to vector<1x1x1x35937xf32>
    %squeeze3A_315 = vector.shape_cast %slice3A_314 : vector<1x1x1x35937xf32> to vector<1x35937xf32>
    %slice3A_316 = vector.extract_strided_slice %get3A_3 {offsets = [6, 1, 0, 1090], sizes = [1, 1, 1, 35937], strides = [1, 1, 1, 1]} : vector<8x2x1x37060xf32> to vector<1x1x1x35937xf32>
    %squeeze3A_317 = vector.shape_cast %slice3A_316 : vector<1x1x1x35937xf32> to vector<1x35937xf32>
    %slice3A_318 = vector.extract_strided_slice %get3A_3 {offsets = [7, 1, 0, 1090], sizes = [1, 1, 1, 35937], strides = [1, 1, 1, 1]} : vector<8x2x1x37060xf32> to vector<1x1x1x35937xf32>
    %squeeze3A_319 = vector.shape_cast %slice3A_318 : vector<1x1x1x35937xf32> to vector<1x35937xf32>
    %concatenate3A_320 = tpu.concatenate %squeeze3A_305, %squeeze3A_307, %squeeze3A_309, %squeeze3A_311, %squeeze3A_313, %squeeze3A_315, %squeeze3A_317, %squeeze3A_319 in 0 : vector<1x35937xf32>, vector<1x35937xf32>, vector<1x35937xf32>, vector<1x35937xf32>, vector<1x35937xf32>, vector<1x35937xf32>, vector<1x35937xf32>, vector<1x35937xf32> -> vector<8x35937xf32>
    %slice3A_321 = vector.extract_strided_slice %get3A_7 {offsets = [5, 0, 0], sizes = [1, 16, 8], strides = [1, 1, 1]} : vector<8x16x8xf32> to vector<1x16x8xf32>
    %squeeze3A_322 = vector.shape_cast %slice3A_321 : vector<1x16x8xf32> to vector<16x8xf32>
    %dot_general3A_323 = arith.constant dense<0.000000e+00> : vector<16x35937xf32>
    %dot_general3A_324 = tpu.matmul %squeeze3A_322, %concatenate3A_320, %dot_general3A_323 {dimension_numbers = #tpu.dot_dimension_numbers<[1], [0], [0], [1], [0, 0, 1, 1], [], []>, transpose_lhs_hint = false} : vector<16x8xf32>, vector<8x35937xf32>, vector<16x35937xf32> -> vector<16x35937xf32>
    %add3A_325 = arith.addf %add3A_303, %dot_general3A_324 : vector<16x35937xf32>
    %slice3A_326 = vector.extract_strided_slice %get3A_3 {offsets = [0, 1, 0, 1122], sizes = [1, 1, 1, 35937], strides = [1, 1, 1, 1]} : vector<8x2x1x37060xf32> to vector<1x1x1x35937xf32>
    %squeeze3A_327 = vector.shape_cast %slice3A_326 : vector<1x1x1x35937xf32> to vector<1x35937xf32>
    %slice3A_328 = vector.extract_strided_slice %get3A_3 {offsets = [1, 1, 0, 1122], sizes = [1, 1, 1, 35937], strides = [1, 1, 1, 1]} : vector<8x2x1x37060xf32> to vector<1x1x1x35937xf32>
    %squeeze3A_329 = vector.shape_cast %slice3A_328 : vector<1x1x1x35937xf32> to vector<1x35937xf32>
    %slice3A_330 = vector.extract_strided_slice %get3A_3 {offsets = [2, 1, 0, 1122], sizes = [1, 1, 1, 35937], strides = [1, 1, 1, 1]} : vector<8x2x1x37060xf32> to vector<1x1x1x35937xf32>
    %squeeze3A_331 = vector.shape_cast %slice3A_330 : vector<1x1x1x35937xf32> to vector<1x35937xf32>
    %slice3A_332 = vector.extract_strided_slice %get3A_3 {offsets = [3, 1, 0, 1122], sizes = [1, 1, 1, 35937], strides = [1, 1, 1, 1]} : vector<8x2x1x37060xf32> to vector<1x1x1x35937xf32>
    %squeeze3A_333 = vector.shape_cast %slice3A_332 : vector<1x1x1x35937xf32> to vector<1x35937xf32>
    %slice3A_334 = vector.extract_strided_slice %get3A_3 {offsets = [4, 1, 0, 1122], sizes = [1, 1, 1, 35937], strides = [1, 1, 1, 1]} : vector<8x2x1x37060xf32> to vector<1x1x1x35937xf32>
    %squeeze3A_335 = vector.shape_cast %slice3A_334 : vector<1x1x1x35937xf32> to vector<1x35937xf32>
    %slice3A_336 = vector.extract_strided_slice %get3A_3 {offsets = [5, 1, 0, 1122], sizes = [1, 1, 1, 35937], strides = [1, 1, 1, 1]} : vector<8x2x1x37060xf32> to vector<1x1x1x35937xf32>
    %squeeze3A_337 = vector.shape_cast %slice3A_336 : vector<1x1x1x35937xf32> to vector<1x35937xf32>
    %slice3A_338 = vector.extract_strided_slice %get3A_3 {offsets = [6, 1, 0, 1122], sizes = [1, 1, 1, 35937], strides = [1, 1, 1, 1]} : vector<8x2x1x37060xf32> to vector<1x1x1x35937xf32>
    %squeeze3A_339 = vector.shape_cast %slice3A_338 : vector<1x1x1x35937xf32> to vector<1x35937xf32>
    %slice3A_340 = vector.extract_strided_slice %get3A_3 {offsets = [7, 1, 0, 1122], sizes = [1, 1, 1, 35937], strides = [1, 1, 1, 1]} : vector<8x2x1x37060xf32> to vector<1x1x1x35937xf32>
    %squeeze3A_341 = vector.shape_cast %slice3A_340 : vector<1x1x1x35937xf32> to vector<1x35937xf32>
    %concatenate3A_342 = tpu.concatenate %squeeze3A_327, %squeeze3A_329, %squeeze3A_331, %squeeze3A_333, %squeeze3A_335, %squeeze3A_337, %squeeze3A_339, %squeeze3A_341 in 0 : vector<1x35937xf32>, vector<1x35937xf32>, vector<1x35937xf32>, vector<1x35937xf32>, vector<1x35937xf32>, vector<1x35937xf32>, vector<1x35937xf32>, vector<1x35937xf32> -> vector<8x35937xf32>
    %slice3A_343 = vector.extract_strided_slice %get3A_7 {offsets = [6, 0, 0], sizes = [1, 16, 8], strides = [1, 1, 1]} : vector<8x16x8xf32> to vector<1x16x8xf32>
    %squeeze3A_344 = vector.shape_cast %slice3A_343 : vector<1x16x8xf32> to vector<16x8xf32>
    %dot_general3A_345 = arith.constant dense<0.000000e+00> : vector<16x35937xf32>
    %dot_general3A_346 = tpu.matmul %squeeze3A_344, %concatenate3A_342, %dot_general3A_345 {dimension_numbers = #tpu.dot_dimension_numbers<[1], [0], [0], [1], [0, 0, 1, 1], [], []>, transpose_lhs_hint = false} : vector<16x8xf32>, vector<8x35937xf32>, vector<16x35937xf32> -> vector<16x35937xf32>
    %add3A_347 = arith.addf %add3A_325, %dot_general3A_346 : vector<16x35937xf32>
    %slice3A_348 = vector.extract_strided_slice %get3A_3 {offsets = [0, 1, 0, 1123], sizes = [1, 1, 1, 35937], strides = [1, 1, 1, 1]} : vector<8x2x1x37060xf32> to vector<1x1x1x35937xf32>
    %squeeze3A_349 = vector.shape_cast %slice3A_348 : vector<1x1x1x35937xf32> to vector<1x35937xf32>
    %slice3A_350 = vector.extract_strided_slice %get3A_3 {offsets = [1, 1, 0, 1123], sizes = [1, 1, 1, 35937], strides = [1, 1, 1, 1]} : vector<8x2x1x37060xf32> to vector<1x1x1x35937xf32>
    %squeeze3A_351 = vector.shape_cast %slice3A_350 : vector<1x1x1x35937xf32> to vector<1x35937xf32>
    %slice3A_352 = vector.extract_strided_slice %get3A_3 {offsets = [2, 1, 0, 1123], sizes = [1, 1, 1, 35937], strides = [1, 1, 1, 1]} : vector<8x2x1x37060xf32> to vector<1x1x1x35937xf32>
    %squeeze3A_353 = vector.shape_cast %slice3A_352 : vector<1x1x1x35937xf32> to vector<1x35937xf32>
    %slice3A_354 = vector.extract_strided_slice %get3A_3 {offsets = [3, 1, 0, 1123], sizes = [1, 1, 1, 35937], strides = [1, 1, 1, 1]} : vector<8x2x1x37060xf32> to vector<1x1x1x35937xf32>
    %squeeze3A_355 = vector.shape_cast %slice3A_354 : vector<1x1x1x35937xf32> to vector<1x35937xf32>
    %slice3A_356 = vector.extract_strided_slice %get3A_3 {offsets = [4, 1, 0, 1123], sizes = [1, 1, 1, 35937], strides = [1, 1, 1, 1]} : vector<8x2x1x37060xf32> to vector<1x1x1x35937xf32>
    %squeeze3A_357 = vector.shape_cast %slice3A_356 : vector<1x1x1x35937xf32> to vector<1x35937xf32>
    %slice3A_358 = vector.extract_strided_slice %get3A_3 {offsets = [5, 1, 0, 1123], sizes = [1, 1, 1, 35937], strides = [1, 1, 1, 1]} : vector<8x2x1x37060xf32> to vector<1x1x1x35937xf32>
    %squeeze3A_359 = vector.shape_cast %slice3A_358 : vector<1x1x1x35937xf32> to vector<1x35937xf32>
    %slice3A_360 = vector.extract_strided_slice %get3A_3 {offsets = [6, 1, 0, 1123], sizes = [1, 1, 1, 35937], strides = [1, 1, 1, 1]} : vector<8x2x1x37060xf32> to vector<1x1x1x35937xf32>
    %squeeze3A_361 = vector.shape_cast %slice3A_360 : vector<1x1x1x35937xf32> to vector<1x35937xf32>
    %slice3A_362 = vector.extract_strided_slice %get3A_3 {offsets = [7, 1, 0, 1123], sizes = [1, 1, 1, 35937], strides = [1, 1, 1, 1]} : vector<8x2x1x37060xf32> to vector<1x1x1x35937xf32>
    %squeeze3A_363 = vector.shape_cast %slice3A_362 : vector<1x1x1x35937xf32> to vector<1x35937xf32>
    %concatenate3A_364 = tpu.concatenate %squeeze3A_349, %squeeze3A_351, %squeeze3A_353, %squeeze3A_355, %squeeze3A_357, %squeeze3A_359, %squeeze3A_361, %squeeze3A_363 in 0 : vector<1x35937xf32>, vector<1x35937xf32>, vector<1x35937xf32>, vector<1x35937xf32>, vector<1x35937xf32>, vector<1x35937xf32>, vector<1x35937xf32>, vector<1x35937xf32> -> vector<8x35937xf32>
    %slice3A_365 = vector.extract_strided_slice %get3A_7 {offsets = [7, 0, 0], sizes = [1, 16, 8], strides = [1, 1, 1]} : vector<8x16x8xf32> to vector<1x16x8xf32>
    %squeeze3A_366 = vector.shape_cast %slice3A_365 : vector<1x16x8xf32> to vector<16x8xf32>
    %dot_general3A_367 = arith.constant dense<0.000000e+00> : vector<16x35937xf32>
    %dot_general3A_368 = tpu.matmul %squeeze3A_366, %concatenate3A_364, %dot_general3A_367 {dimension_numbers = #tpu.dot_dimension_numbers<[1], [0], [0], [1], [0, 0, 1, 1], [], []>, transpose_lhs_hint = false} : vector<16x8xf32>, vector<8x35937xf32>, vector<16x35937xf32> -> vector<16x35937xf32>
    %add3A_369 = arith.addf %add3A_347, %dot_general3A_368 : vector<16x35937xf32>
    %get3A_370 = arith.constant 0 : index
    %get3A_371 = arith.constant 0 : index
    %get3A_372 = vector.load %arg2[%get3A_370, %get3A_371] : memref<16x1xf32, #tpu.memory_space<vmem>>, vector<16x1xf32>
    %add3A_373 = vector.broadcast %get3A_372 : vector<16x1xf32> to vector<16x35937xf32>
    %add3A_374 = arith.addf %add3A_369, %add3A_373 : vector<16x35937xf32>
    %max3A_375 = arith.constant 0.000000e+00 : f32
    %max3A_376 = vector.broadcast %max3A_375 : f32 to vector<16x35937xf32>
    %max3A_377 = arith.maximumf %add3A_374, %max3A_376 : vector<16x35937xf32>
    %swap3A_378 = arith.constant 0 : index
    %swap3A_379 = arith.constant 1 : index
    %swap3A_380 = arith.constant 0 : index
    %swap3A_381 = vector.load %arg3[%swap3A_378, %swap3A_379, %swap3A_380] : memref<16x2x35937xf32, #tpu.memory_space<vmem>>, vector<16x1x35937xf32>
    %swap3A_382 = vector.shape_cast %swap3A_381 : vector<16x1x35937xf32> to vector<16x35937xf32>
    %swap3A_383 = vector.shape_cast %max3A_377 : vector<16x35937xf32> to vector<16x1x35937xf32>
    tpu.vector_store %arg3[%swap3A_378, %swap3A_379, %swap3A_380], %swap3A_383 {strides = array<i32>} : memref<16x2x35937xf32, #tpu.memory_space<vmem>>, vector<16x1x35937xf32>,
    return
  }
}

module attributes {stable_mosaic.version = 14 : i64} {
  func.func @body(%arg0: memref<8x2x16x5220xf32, #tpu.memory_space<vmem>>, %arg1: memref<8x32x128xf32, #tpu.memory_space<vmem>>, %arg2: memref<32x1xf32, #tpu.memory_space<vmem>>, %arg3: memref<32x2x4913xf32, #tpu.memory_space<vmem>>) attributes {dimension_semantics = [], scalar_prefetch = 0 : i64, scratch_operands = 0 : i64, tpu.core_type = #tpu.core_type<tc>} {
    %get3A = arith.constant 0 : index
    %get3A_0 = arith.constant 0 : index
    %get3A_1 = arith.constant 0 : index
    %get3A_2 = arith.constant 0 : index
    %get3A_3 = vector.load %arg0[%get3A, %get3A_0, %get3A_1, %get3A_2] : memref<8x2x16x5220xf32, #tpu.memory_space<vmem>>, vector<8x2x16x5220xf32>
    %get3A_4 = arith.constant 0 : index
    %get3A_5 = arith.constant 0 : index
    %get3A_6 = arith.constant 0 : index
    %get3A_7 = vector.load %arg1[%get3A_4, %get3A_5, %get3A_6] : memref<8x32x128xf32, #tpu.memory_space<vmem>>, vector<8x32x128xf32>
    %broadcast_in_dim3A = arith.constant 0.000000e+00 : f32
    %broadcast_in_dim3A_8 = vector.broadcast %broadcast_in_dim3A : f32 to vector<32x4913xf32>
    %slice3A = vector.extract_strided_slice %get3A_3 {offsets = [0, 0, 0, 0], sizes = [1, 1, 16, 4913], strides = [1, 1, 1, 1]} : vector<8x2x16x5220xf32> to vector<1x1x16x4913xf32>
    %squeeze3A = vector.shape_cast %slice3A : vector<1x1x16x4913xf32> to vector<16x4913xf32>
    %slice3A_9 = vector.extract_strided_slice %get3A_3 {offsets = [1, 0, 0, 0], sizes = [1, 1, 16, 4913], strides = [1, 1, 1, 1]} : vector<8x2x16x5220xf32> to vector<1x1x16x4913xf32>
    %squeeze3A_10 = vector.shape_cast %slice3A_9 : vector<1x1x16x4913xf32> to vector<16x4913xf32>
    %slice3A_11 = vector.extract_strided_slice %get3A_3 {offsets = [2, 0, 0, 0], sizes = [1, 1, 16, 4913], strides = [1, 1, 1, 1]} : vector<8x2x16x5220xf32> to vector<1x1x16x4913xf32>
    %squeeze3A_12 = vector.shape_cast %slice3A_11 : vector<1x1x16x4913xf32> to vector<16x4913xf32>
    %slice3A_13 = vector.extract_strided_slice %get3A_3 {offsets = [3, 0, 0, 0], sizes = [1, 1, 16, 4913], strides = [1, 1, 1, 1]} : vector<8x2x16x5220xf32> to vector<1x1x16x4913xf32>
    %squeeze3A_14 = vector.shape_cast %slice3A_13 : vector<1x1x16x4913xf32> to vector<16x4913xf32>
    %slice3A_15 = vector.extract_strided_slice %get3A_3 {offsets = [4, 0, 0, 0], sizes = [1, 1, 16, 4913], strides = [1, 1, 1, 1]} : vector<8x2x16x5220xf32> to vector<1x1x16x4913xf32>
    %squeeze3A_16 = vector.shape_cast %slice3A_15 : vector<1x1x16x4913xf32> to vector<16x4913xf32>
    %slice3A_17 = vector.extract_strided_slice %get3A_3 {offsets = [5, 0, 0, 0], sizes = [1, 1, 16, 4913], strides = [1, 1, 1, 1]} : vector<8x2x16x5220xf32> to vector<1x1x16x4913xf32>
    %squeeze3A_18 = vector.shape_cast %slice3A_17 : vector<1x1x16x4913xf32> to vector<16x4913xf32>
    %slice3A_19 = vector.extract_strided_slice %get3A_3 {offsets = [6, 0, 0, 0], sizes = [1, 1, 16, 4913], strides = [1, 1, 1, 1]} : vector<8x2x16x5220xf32> to vector<1x1x16x4913xf32>
    %squeeze3A_20 = vector.shape_cast %slice3A_19 : vector<1x1x16x4913xf32> to vector<16x4913xf32>
    %slice3A_21 = vector.extract_strided_slice %get3A_3 {offsets = [7, 0, 0, 0], sizes = [1, 1, 16, 4913], strides = [1, 1, 1, 1]} : vector<8x2x16x5220xf32> to vector<1x1x16x4913xf32>
    %squeeze3A_22 = vector.shape_cast %slice3A_21 : vector<1x1x16x4913xf32> to vector<16x4913xf32>
    %concatenate3A = tpu.concatenate %squeeze3A, %squeeze3A_10, %squeeze3A_12, %squeeze3A_14, %squeeze3A_16, %squeeze3A_18, %squeeze3A_20, %squeeze3A_22 in 0 : vector<16x4913xf32>, vector<16x4913xf32>, vector<16x4913xf32>, vector<16x4913xf32>, vector<16x4913xf32>, vector<16x4913xf32>, vector<16x4913xf32>, vector<16x4913xf32> -> vector<128x4913xf32>
    %slice3A_23 = vector.extract_strided_slice %get3A_7 {offsets = [0, 0, 0], sizes = [1, 32, 128], strides = [1, 1, 1]} : vector<8x32x128xf32> to vector<1x32x128xf32>
    %squeeze3A_24 = vector.shape_cast %slice3A_23 : vector<1x32x128xf32> to vector<32x128xf32>
    %dot_general3A = arith.constant dense<0.000000e+00> : vector<32x4913xf32>
    %dot_general3A_25 = tpu.matmul %squeeze3A_24, %concatenate3A, %dot_general3A {dimension_numbers = #tpu.dot_dimension_numbers<[1], [0], [0], [1], [0, 0, 1, 1], [], []>, transpose_lhs_hint = false} : vector<32x128xf32>, vector<128x4913xf32>, vector<32x4913xf32> -> vector<32x4913xf32>
    %add3A = arith.addf %broadcast_in_dim3A_8, %dot_general3A_25 : vector<32x4913xf32>
    %slice3A_26 = vector.extract_strided_slice %get3A_3 {offsets = [0, 0, 0, 1], sizes = [1, 1, 16, 4913], strides = [1, 1, 1, 1]} : vector<8x2x16x5220xf32> to vector<1x1x16x4913xf32>
    %squeeze3A_27 = vector.shape_cast %slice3A_26 : vector<1x1x16x4913xf32> to vector<16x4913xf32>
    %slice3A_28 = vector.extract_strided_slice %get3A_3 {offsets = [1, 0, 0, 1], sizes = [1, 1, 16, 4913], strides = [1, 1, 1, 1]} : vector<8x2x16x5220xf32> to vector<1x1x16x4913xf32>
    %squeeze3A_29 = vector.shape_cast %slice3A_28 : vector<1x1x16x4913xf32> to vector<16x4913xf32>
    %slice3A_30 = vector.extract_strided_slice %get3A_3 {offsets = [2, 0, 0, 1], sizes = [1, 1, 16, 4913], strides = [1, 1, 1, 1]} : vector<8x2x16x5220xf32> to vector<1x1x16x4913xf32>
    %squeeze3A_31 = vector.shape_cast %slice3A_30 : vector<1x1x16x4913xf32> to vector<16x4913xf32>
    %slice3A_32 = vector.extract_strided_slice %get3A_3 {offsets = [3, 0, 0, 1], sizes = [1, 1, 16, 4913], strides = [1, 1, 1, 1]} : vector<8x2x16x5220xf32> to vector<1x1x16x4913xf32>
    %squeeze3A_33 = vector.shape_cast %slice3A_32 : vector<1x1x16x4913xf32> to vector<16x4913xf32>
    %slice3A_34 = vector.extract_strided_slice %get3A_3 {offsets = [4, 0, 0, 1], sizes = [1, 1, 16, 4913], strides = [1, 1, 1, 1]} : vector<8x2x16x5220xf32> to vector<1x1x16x4913xf32>
    %squeeze3A_35 = vector.shape_cast %slice3A_34 : vector<1x1x16x4913xf32> to vector<16x4913xf32>
    %slice3A_36 = vector.extract_strided_slice %get3A_3 {offsets = [5, 0, 0, 1], sizes = [1, 1, 16, 4913], strides = [1, 1, 1, 1]} : vector<8x2x16x5220xf32> to vector<1x1x16x4913xf32>
    %squeeze3A_37 = vector.shape_cast %slice3A_36 : vector<1x1x16x4913xf32> to vector<16x4913xf32>
    %slice3A_38 = vector.extract_strided_slice %get3A_3 {offsets = [6, 0, 0, 1], sizes = [1, 1, 16, 4913], strides = [1, 1, 1, 1]} : vector<8x2x16x5220xf32> to vector<1x1x16x4913xf32>
    %squeeze3A_39 = vector.shape_cast %slice3A_38 : vector<1x1x16x4913xf32> to vector<16x4913xf32>
    %slice3A_40 = vector.extract_strided_slice %get3A_3 {offsets = [7, 0, 0, 1], sizes = [1, 1, 16, 4913], strides = [1, 1, 1, 1]} : vector<8x2x16x5220xf32> to vector<1x1x16x4913xf32>
    %squeeze3A_41 = vector.shape_cast %slice3A_40 : vector<1x1x16x4913xf32> to vector<16x4913xf32>
    %concatenate3A_42 = tpu.concatenate %squeeze3A_27, %squeeze3A_29, %squeeze3A_31, %squeeze3A_33, %squeeze3A_35, %squeeze3A_37, %squeeze3A_39, %squeeze3A_41 in 0 : vector<16x4913xf32>, vector<16x4913xf32>, vector<16x4913xf32>, vector<16x4913xf32>, vector<16x4913xf32>, vector<16x4913xf32>, vector<16x4913xf32>, vector<16x4913xf32> -> vector<128x4913xf32>
    %slice3A_43 = vector.extract_strided_slice %get3A_7 {offsets = [1, 0, 0], sizes = [1, 32, 128], strides = [1, 1, 1]} : vector<8x32x128xf32> to vector<1x32x128xf32>
    %squeeze3A_44 = vector.shape_cast %slice3A_43 : vector<1x32x128xf32> to vector<32x128xf32>
    %dot_general3A_45 = arith.constant dense<0.000000e+00> : vector<32x4913xf32>
    %dot_general3A_46 = tpu.matmul %squeeze3A_44, %concatenate3A_42, %dot_general3A_45 {dimension_numbers = #tpu.dot_dimension_numbers<[1], [0], [0], [1], [0, 0, 1, 1], [], []>, transpose_lhs_hint = false} : vector<32x128xf32>, vector<128x4913xf32>, vector<32x4913xf32> -> vector<32x4913xf32>
    %add3A_47 = arith.addf %add3A, %dot_general3A_46 : vector<32x4913xf32>
    %slice3A_48 = vector.extract_strided_slice %get3A_3 {offsets = [0, 0, 0, 17], sizes = [1, 1, 16, 4913], strides = [1, 1, 1, 1]} : vector<8x2x16x5220xf32> to vector<1x1x16x4913xf32>
    %squeeze3A_49 = vector.shape_cast %slice3A_48 : vector<1x1x16x4913xf32> to vector<16x4913xf32>
    %slice3A_50 = vector.extract_strided_slice %get3A_3 {offsets = [1, 0, 0, 17], sizes = [1, 1, 16, 4913], strides = [1, 1, 1, 1]} : vector<8x2x16x5220xf32> to vector<1x1x16x4913xf32>
    %squeeze3A_51 = vector.shape_cast %slice3A_50 : vector<1x1x16x4913xf32> to vector<16x4913xf32>
    %slice3A_52 = vector.extract_strided_slice %get3A_3 {offsets = [2, 0, 0, 17], sizes = [1, 1, 16, 4913], strides = [1, 1, 1, 1]} : vector<8x2x16x5220xf32> to vector<1x1x16x4913xf32>
    %squeeze3A_53 = vector.shape_cast %slice3A_52 : vector<1x1x16x4913xf32> to vector<16x4913xf32>
    %slice3A_54 = vector.extract_strided_slice %get3A_3 {offsets = [3, 0, 0, 17], sizes = [1, 1, 16, 4913], strides = [1, 1, 1, 1]} : vector<8x2x16x5220xf32> to vector<1x1x16x4913xf32>
    %squeeze3A_55 = vector.shape_cast %slice3A_54 : vector<1x1x16x4913xf32> to vector<16x4913xf32>
    %slice3A_56 = vector.extract_strided_slice %get3A_3 {offsets = [4, 0, 0, 17], sizes = [1, 1, 16, 4913], strides = [1, 1, 1, 1]} : vector<8x2x16x5220xf32> to vector<1x1x16x4913xf32>
    %squeeze3A_57 = vector.shape_cast %slice3A_56 : vector<1x1x16x4913xf32> to vector<16x4913xf32>
    %slice3A_58 = vector.extract_strided_slice %get3A_3 {offsets = [5, 0, 0, 17], sizes = [1, 1, 16, 4913], strides = [1, 1, 1, 1]} : vector<8x2x16x5220xf32> to vector<1x1x16x4913xf32>
    %squeeze3A_59 = vector.shape_cast %slice3A_58 : vector<1x1x16x4913xf32> to vector<16x4913xf32>
    %slice3A_60 = vector.extract_strided_slice %get3A_3 {offsets = [6, 0, 0, 17], sizes = [1, 1, 16, 4913], strides = [1, 1, 1, 1]} : vector<8x2x16x5220xf32> to vector<1x1x16x4913xf32>
    %squeeze3A_61 = vector.shape_cast %slice3A_60 : vector<1x1x16x4913xf32> to vector<16x4913xf32>
    %slice3A_62 = vector.extract_strided_slice %get3A_3 {offsets = [7, 0, 0, 17], sizes = [1, 1, 16, 4913], strides = [1, 1, 1, 1]} : vector<8x2x16x5220xf32> to vector<1x1x16x4913xf32>
    %squeeze3A_63 = vector.shape_cast %slice3A_62 : vector<1x1x16x4913xf32> to vector<16x4913xf32>
    %concatenate3A_64 = tpu.concatenate %squeeze3A_49, %squeeze3A_51, %squeeze3A_53, %squeeze3A_55, %squeeze3A_57, %squeeze3A_59, %squeeze3A_61, %squeeze3A_63 in 0 : vector<16x4913xf32>, vector<16x4913xf32>, vector<16x4913xf32>, vector<16x4913xf32>, vector<16x4913xf32>, vector<16x4913xf32>, vector<16x4913xf32>, vector<16x4913xf32> -> vector<128x4913xf32>
    %slice3A_65 = vector.extract_strided_slice %get3A_7 {offsets = [2, 0, 0], sizes = [1, 32, 128], strides = [1, 1, 1]} : vector<8x32x128xf32> to vector<1x32x128xf32>
    %squeeze3A_66 = vector.shape_cast %slice3A_65 : vector<1x32x128xf32> to vector<32x128xf32>
    %dot_general3A_67 = arith.constant dense<0.000000e+00> : vector<32x4913xf32>
    %dot_general3A_68 = tpu.matmul %squeeze3A_66, %concatenate3A_64, %dot_general3A_67 {dimension_numbers = #tpu.dot_dimension_numbers<[1], [0], [0], [1], [0, 0, 1, 1], [], []>, transpose_lhs_hint = false} : vector<32x128xf32>, vector<128x4913xf32>, vector<32x4913xf32> -> vector<32x4913xf32>
    %add3A_69 = arith.addf %add3A_47, %dot_general3A_68 : vector<32x4913xf32>
    %slice3A_70 = vector.extract_strided_slice %get3A_3 {offsets = [0, 0, 0, 18], sizes = [1, 1, 16, 4913], strides = [1, 1, 1, 1]} : vector<8x2x16x5220xf32> to vector<1x1x16x4913xf32>
    %squeeze3A_71 = vector.shape_cast %slice3A_70 : vector<1x1x16x4913xf32> to vector<16x4913xf32>
    %slice3A_72 = vector.extract_strided_slice %get3A_3 {offsets = [1, 0, 0, 18], sizes = [1, 1, 16, 4913], strides = [1, 1, 1, 1]} : vector<8x2x16x5220xf32> to vector<1x1x16x4913xf32>
    %squeeze3A_73 = vector.shape_cast %slice3A_72 : vector<1x1x16x4913xf32> to vector<16x4913xf32>
    %slice3A_74 = vector.extract_strided_slice %get3A_3 {offsets = [2, 0, 0, 18], sizes = [1, 1, 16, 4913], strides = [1, 1, 1, 1]} : vector<8x2x16x5220xf32> to vector<1x1x16x4913xf32>
    %squeeze3A_75 = vector.shape_cast %slice3A_74 : vector<1x1x16x4913xf32> to vector<16x4913xf32>
    %slice3A_76 = vector.extract_strided_slice %get3A_3 {offsets = [3, 0, 0, 18], sizes = [1, 1, 16, 4913], strides = [1, 1, 1, 1]} : vector<8x2x16x5220xf32> to vector<1x1x16x4913xf32>
    %squeeze3A_77 = vector.shape_cast %slice3A_76 : vector<1x1x16x4913xf32> to vector<16x4913xf32>
    %slice3A_78 = vector.extract_strided_slice %get3A_3 {offsets = [4, 0, 0, 18], sizes = [1, 1, 16, 4913], strides = [1, 1, 1, 1]} : vector<8x2x16x5220xf32> to vector<1x1x16x4913xf32>
    %squeeze3A_79 = vector.shape_cast %slice3A_78 : vector<1x1x16x4913xf32> to vector<16x4913xf32>
    %slice3A_80 = vector.extract_strided_slice %get3A_3 {offsets = [5, 0, 0, 18], sizes = [1, 1, 16, 4913], strides = [1, 1, 1, 1]} : vector<8x2x16x5220xf32> to vector<1x1x16x4913xf32>
    %squeeze3A_81 = vector.shape_cast %slice3A_80 : vector<1x1x16x4913xf32> to vector<16x4913xf32>
    %slice3A_82 = vector.extract_strided_slice %get3A_3 {offsets = [6, 0, 0, 18], sizes = [1, 1, 16, 4913], strides = [1, 1, 1, 1]} : vector<8x2x16x5220xf32> to vector<1x1x16x4913xf32>
    %squeeze3A_83 = vector.shape_cast %slice3A_82 : vector<1x1x16x4913xf32> to vector<16x4913xf32>
    %slice3A_84 = vector.extract_strided_slice %get3A_3 {offsets = [7, 0, 0, 18], sizes = [1, 1, 16, 4913], strides = [1, 1, 1, 1]} : vector<8x2x16x5220xf32> to vector<1x1x16x4913xf32>
    %squeeze3A_85 = vector.shape_cast %slice3A_84 : vector<1x1x16x4913xf32> to vector<16x4913xf32>
    %concatenate3A_86 = tpu.concatenate %squeeze3A_71, %squeeze3A_73, %squeeze3A_75, %squeeze3A_77, %squeeze3A_79, %squeeze3A_81, %squeeze3A_83, %squeeze3A_85 in 0 : vector<16x4913xf32>, vector<16x4913xf32>, vector<16x4913xf32>, vector<16x4913xf32>, vector<16x4913xf32>, vector<16x4913xf32>, vector<16x4913xf32>, vector<16x4913xf32> -> vector<128x4913xf32>
    %slice3A_87 = vector.extract_strided_slice %get3A_7 {offsets = [3, 0, 0], sizes = [1, 32, 128], strides = [1, 1, 1]} : vector<8x32x128xf32> to vector<1x32x128xf32>
    %squeeze3A_88 = vector.shape_cast %slice3A_87 : vector<1x32x128xf32> to vector<32x128xf32>
    %dot_general3A_89 = arith.constant dense<0.000000e+00> : vector<32x4913xf32>
    %dot_general3A_90 = tpu.matmul %squeeze3A_88, %concatenate3A_86, %dot_general3A_89 {dimension_numbers = #tpu.dot_dimension_numbers<[1], [0], [0], [1], [0, 0, 1, 1], [], []>, transpose_lhs_hint = false} : vector<32x128xf32>, vector<128x4913xf32>, vector<32x4913xf32> -> vector<32x4913xf32>
    %add3A_91 = arith.addf %add3A_69, %dot_general3A_90 : vector<32x4913xf32>
    %slice3A_92 = vector.extract_strided_slice %get3A_3 {offsets = [0, 0, 0, 289], sizes = [1, 1, 16, 4913], strides = [1, 1, 1, 1]} : vector<8x2x16x5220xf32> to vector<1x1x16x4913xf32>
    %squeeze3A_93 = vector.shape_cast %slice3A_92 : vector<1x1x16x4913xf32> to vector<16x4913xf32>
    %slice3A_94 = vector.extract_strided_slice %get3A_3 {offsets = [1, 0, 0, 289], sizes = [1, 1, 16, 4913], strides = [1, 1, 1, 1]} : vector<8x2x16x5220xf32> to vector<1x1x16x4913xf32>
    %squeeze3A_95 = vector.shape_cast %slice3A_94 : vector<1x1x16x4913xf32> to vector<16x4913xf32>
    %slice3A_96 = vector.extract_strided_slice %get3A_3 {offsets = [2, 0, 0, 289], sizes = [1, 1, 16, 4913], strides = [1, 1, 1, 1]} : vector<8x2x16x5220xf32> to vector<1x1x16x4913xf32>
    %squeeze3A_97 = vector.shape_cast %slice3A_96 : vector<1x1x16x4913xf32> to vector<16x4913xf32>
    %slice3A_98 = vector.extract_strided_slice %get3A_3 {offsets = [3, 0, 0, 289], sizes = [1, 1, 16, 4913], strides = [1, 1, 1, 1]} : vector<8x2x16x5220xf32> to vector<1x1x16x4913xf32>
    %squeeze3A_99 = vector.shape_cast %slice3A_98 : vector<1x1x16x4913xf32> to vector<16x4913xf32>
    %slice3A_100 = vector.extract_strided_slice %get3A_3 {offsets = [4, 0, 0, 289], sizes = [1, 1, 16, 4913], strides = [1, 1, 1, 1]} : vector<8x2x16x5220xf32> to vector<1x1x16x4913xf32>
    %squeeze3A_101 = vector.shape_cast %slice3A_100 : vector<1x1x16x4913xf32> to vector<16x4913xf32>
    %slice3A_102 = vector.extract_strided_slice %get3A_3 {offsets = [5, 0, 0, 289], sizes = [1, 1, 16, 4913], strides = [1, 1, 1, 1]} : vector<8x2x16x5220xf32> to vector<1x1x16x4913xf32>
    %squeeze3A_103 = vector.shape_cast %slice3A_102 : vector<1x1x16x4913xf32> to vector<16x4913xf32>
    %slice3A_104 = vector.extract_strided_slice %get3A_3 {offsets = [6, 0, 0, 289], sizes = [1, 1, 16, 4913], strides = [1, 1, 1, 1]} : vector<8x2x16x5220xf32> to vector<1x1x16x4913xf32>
    %squeeze3A_105 = vector.shape_cast %slice3A_104 : vector<1x1x16x4913xf32> to vector<16x4913xf32>
    %slice3A_106 = vector.extract_strided_slice %get3A_3 {offsets = [7, 0, 0, 289], sizes = [1, 1, 16, 4913], strides = [1, 1, 1, 1]} : vector<8x2x16x5220xf32> to vector<1x1x16x4913xf32>
    %squeeze3A_107 = vector.shape_cast %slice3A_106 : vector<1x1x16x4913xf32> to vector<16x4913xf32>
    %concatenate3A_108 = tpu.concatenate %squeeze3A_93, %squeeze3A_95, %squeeze3A_97, %squeeze3A_99, %squeeze3A_101, %squeeze3A_103, %squeeze3A_105, %squeeze3A_107 in 0 : vector<16x4913xf32>, vector<16x4913xf32>, vector<16x4913xf32>, vector<16x4913xf32>, vector<16x4913xf32>, vector<16x4913xf32>, vector<16x4913xf32>, vector<16x4913xf32> -> vector<128x4913xf32>
    %slice3A_109 = vector.extract_strided_slice %get3A_7 {offsets = [4, 0, 0], sizes = [1, 32, 128], strides = [1, 1, 1]} : vector<8x32x128xf32> to vector<1x32x128xf32>
    %squeeze3A_110 = vector.shape_cast %slice3A_109 : vector<1x32x128xf32> to vector<32x128xf32>
    %dot_general3A_111 = arith.constant dense<0.000000e+00> : vector<32x4913xf32>
    %dot_general3A_112 = tpu.matmul %squeeze3A_110, %concatenate3A_108, %dot_general3A_111 {dimension_numbers = #tpu.dot_dimension_numbers<[1], [0], [0], [1], [0, 0, 1, 1], [], []>, transpose_lhs_hint = false} : vector<32x128xf32>, vector<128x4913xf32>, vector<32x4913xf32> -> vector<32x4913xf32>
    %add3A_113 = arith.addf %add3A_91, %dot_general3A_112 : vector<32x4913xf32>
    %slice3A_114 = vector.extract_strided_slice %get3A_3 {offsets = [0, 0, 0, 290], sizes = [1, 1, 16, 4913], strides = [1, 1, 1, 1]} : vector<8x2x16x5220xf32> to vector<1x1x16x4913xf32>
    %squeeze3A_115 = vector.shape_cast %slice3A_114 : vector<1x1x16x4913xf32> to vector<16x4913xf32>
    %slice3A_116 = vector.extract_strided_slice %get3A_3 {offsets = [1, 0, 0, 290], sizes = [1, 1, 16, 4913], strides = [1, 1, 1, 1]} : vector<8x2x16x5220xf32> to vector<1x1x16x4913xf32>
    %squeeze3A_117 = vector.shape_cast %slice3A_116 : vector<1x1x16x4913xf32> to vector<16x4913xf32>
    %slice3A_118 = vector.extract_strided_slice %get3A_3 {offsets = [2, 0, 0, 290], sizes = [1, 1, 16, 4913], strides = [1, 1, 1, 1]} : vector<8x2x16x5220xf32> to vector<1x1x16x4913xf32>
    %squeeze3A_119 = vector.shape_cast %slice3A_118 : vector<1x1x16x4913xf32> to vector<16x4913xf32>
    %slice3A_120 = vector.extract_strided_slice %get3A_3 {offsets = [3, 0, 0, 290], sizes = [1, 1, 16, 4913], strides = [1, 1, 1, 1]} : vector<8x2x16x5220xf32> to vector<1x1x16x4913xf32>
    %squeeze3A_121 = vector.shape_cast %slice3A_120 : vector<1x1x16x4913xf32> to vector<16x4913xf32>
    %slice3A_122 = vector.extract_strided_slice %get3A_3 {offsets = [4, 0, 0, 290], sizes = [1, 1, 16, 4913], strides = [1, 1, 1, 1]} : vector<8x2x16x5220xf32> to vector<1x1x16x4913xf32>
    %squeeze3A_123 = vector.shape_cast %slice3A_122 : vector<1x1x16x4913xf32> to vector<16x4913xf32>
    %slice3A_124 = vector.extract_strided_slice %get3A_3 {offsets = [5, 0, 0, 290], sizes = [1, 1, 16, 4913], strides = [1, 1, 1, 1]} : vector<8x2x16x5220xf32> to vector<1x1x16x4913xf32>
    %squeeze3A_125 = vector.shape_cast %slice3A_124 : vector<1x1x16x4913xf32> to vector<16x4913xf32>
    %slice3A_126 = vector.extract_strided_slice %get3A_3 {offsets = [6, 0, 0, 290], sizes = [1, 1, 16, 4913], strides = [1, 1, 1, 1]} : vector<8x2x16x5220xf32> to vector<1x1x16x4913xf32>
    %squeeze3A_127 = vector.shape_cast %slice3A_126 : vector<1x1x16x4913xf32> to vector<16x4913xf32>
    %slice3A_128 = vector.extract_strided_slice %get3A_3 {offsets = [7, 0, 0, 290], sizes = [1, 1, 16, 4913], strides = [1, 1, 1, 1]} : vector<8x2x16x5220xf32> to vector<1x1x16x4913xf32>
    %squeeze3A_129 = vector.shape_cast %slice3A_128 : vector<1x1x16x4913xf32> to vector<16x4913xf32>
    %concatenate3A_130 = tpu.concatenate %squeeze3A_115, %squeeze3A_117, %squeeze3A_119, %squeeze3A_121, %squeeze3A_123, %squeeze3A_125, %squeeze3A_127, %squeeze3A_129 in 0 : vector<16x4913xf32>, vector<16x4913xf32>, vector<16x4913xf32>, vector<16x4913xf32>, vector<16x4913xf32>, vector<16x4913xf32>, vector<16x4913xf32>, vector<16x4913xf32> -> vector<128x4913xf32>
    %slice3A_131 = vector.extract_strided_slice %get3A_7 {offsets = [5, 0, 0], sizes = [1, 32, 128], strides = [1, 1, 1]} : vector<8x32x128xf32> to vector<1x32x128xf32>
    %squeeze3A_132 = vector.shape_cast %slice3A_131 : vector<1x32x128xf32> to vector<32x128xf32>
    %dot_general3A_133 = arith.constant dense<0.000000e+00> : vector<32x4913xf32>
    %dot_general3A_134 = tpu.matmul %squeeze3A_132, %concatenate3A_130, %dot_general3A_133 {dimension_numbers = #tpu.dot_dimension_numbers<[1], [0], [0], [1], [0, 0, 1, 1], [], []>, transpose_lhs_hint = false} : vector<32x128xf32>, vector<128x4913xf32>, vector<32x4913xf32> -> vector<32x4913xf32>
    %add3A_135 = arith.addf %add3A_113, %dot_general3A_134 : vector<32x4913xf32>
    %slice3A_136 = vector.extract_strided_slice %get3A_3 {offsets = [0, 0, 0, 306], sizes = [1, 1, 16, 4913], strides = [1, 1, 1, 1]} : vector<8x2x16x5220xf32> to vector<1x1x16x4913xf32>
    %squeeze3A_137 = vector.shape_cast %slice3A_136 : vector<1x1x16x4913xf32> to vector<16x4913xf32>
    %slice3A_138 = vector.extract_strided_slice %get3A_3 {offsets = [1, 0, 0, 306], sizes = [1, 1, 16, 4913], strides = [1, 1, 1, 1]} : vector<8x2x16x5220xf32> to vector<1x1x16x4913xf32>
    %squeeze3A_139 = vector.shape_cast %slice3A_138 : vector<1x1x16x4913xf32> to vector<16x4913xf32>
    %slice3A_140 = vector.extract_strided_slice %get3A_3 {offsets = [2, 0, 0, 306], sizes = [1, 1, 16, 4913], strides = [1, 1, 1, 1]} : vector<8x2x16x5220xf32> to vector<1x1x16x4913xf32>
    %squeeze3A_141 = vector.shape_cast %slice3A_140 : vector<1x1x16x4913xf32> to vector<16x4913xf32>
    %slice3A_142 = vector.extract_strided_slice %get3A_3 {offsets = [3, 0, 0, 306], sizes = [1, 1, 16, 4913], strides = [1, 1, 1, 1]} : vector<8x2x16x5220xf32> to vector<1x1x16x4913xf32>
    %squeeze3A_143 = vector.shape_cast %slice3A_142 : vector<1x1x16x4913xf32> to vector<16x4913xf32>
    %slice3A_144 = vector.extract_strided_slice %get3A_3 {offsets = [4, 0, 0, 306], sizes = [1, 1, 16, 4913], strides = [1, 1, 1, 1]} : vector<8x2x16x5220xf32> to vector<1x1x16x4913xf32>
    %squeeze3A_145 = vector.shape_cast %slice3A_144 : vector<1x1x16x4913xf32> to vector<16x4913xf32>
    %slice3A_146 = vector.extract_strided_slice %get3A_3 {offsets = [5, 0, 0, 306], sizes = [1, 1, 16, 4913], strides = [1, 1, 1, 1]} : vector<8x2x16x5220xf32> to vector<1x1x16x4913xf32>
    %squeeze3A_147 = vector.shape_cast %slice3A_146 : vector<1x1x16x4913xf32> to vector<16x4913xf32>
    %slice3A_148 = vector.extract_strided_slice %get3A_3 {offsets = [6, 0, 0, 306], sizes = [1, 1, 16, 4913], strides = [1, 1, 1, 1]} : vector<8x2x16x5220xf32> to vector<1x1x16x4913xf32>
    %squeeze3A_149 = vector.shape_cast %slice3A_148 : vector<1x1x16x4913xf32> to vector<16x4913xf32>
    %slice3A_150 = vector.extract_strided_slice %get3A_3 {offsets = [7, 0, 0, 306], sizes = [1, 1, 16, 4913], strides = [1, 1, 1, 1]} : vector<8x2x16x5220xf32> to vector<1x1x16x4913xf32>
    %squeeze3A_151 = vector.shape_cast %slice3A_150 : vector<1x1x16x4913xf32> to vector<16x4913xf32>
    %concatenate3A_152 = tpu.concatenate %squeeze3A_137, %squeeze3A_139, %squeeze3A_141, %squeeze3A_143, %squeeze3A_145, %squeeze3A_147, %squeeze3A_149, %squeeze3A_151 in 0 : vector<16x4913xf32>, vector<16x4913xf32>, vector<16x4913xf32>, vector<16x4913xf32>, vector<16x4913xf32>, vector<16x4913xf32>, vector<16x4913xf32>, vector<16x4913xf32> -> vector<128x4913xf32>
    %slice3A_153 = vector.extract_strided_slice %get3A_7 {offsets = [6, 0, 0], sizes = [1, 32, 128], strides = [1, 1, 1]} : vector<8x32x128xf32> to vector<1x32x128xf32>
    %squeeze3A_154 = vector.shape_cast %slice3A_153 : vector<1x32x128xf32> to vector<32x128xf32>
    %dot_general3A_155 = arith.constant dense<0.000000e+00> : vector<32x4913xf32>
    %dot_general3A_156 = tpu.matmul %squeeze3A_154, %concatenate3A_152, %dot_general3A_155 {dimension_numbers = #tpu.dot_dimension_numbers<[1], [0], [0], [1], [0, 0, 1, 1], [], []>, transpose_lhs_hint = false} : vector<32x128xf32>, vector<128x4913xf32>, vector<32x4913xf32> -> vector<32x4913xf32>
    %add3A_157 = arith.addf %add3A_135, %dot_general3A_156 : vector<32x4913xf32>
    %slice3A_158 = vector.extract_strided_slice %get3A_3 {offsets = [0, 0, 0, 307], sizes = [1, 1, 16, 4913], strides = [1, 1, 1, 1]} : vector<8x2x16x5220xf32> to vector<1x1x16x4913xf32>
    %squeeze3A_159 = vector.shape_cast %slice3A_158 : vector<1x1x16x4913xf32> to vector<16x4913xf32>
    %slice3A_160 = vector.extract_strided_slice %get3A_3 {offsets = [1, 0, 0, 307], sizes = [1, 1, 16, 4913], strides = [1, 1, 1, 1]} : vector<8x2x16x5220xf32> to vector<1x1x16x4913xf32>
    %squeeze3A_161 = vector.shape_cast %slice3A_160 : vector<1x1x16x4913xf32> to vector<16x4913xf32>
    %slice3A_162 = vector.extract_strided_slice %get3A_3 {offsets = [2, 0, 0, 307], sizes = [1, 1, 16, 4913], strides = [1, 1, 1, 1]} : vector<8x2x16x5220xf32> to vector<1x1x16x4913xf32>
    %squeeze3A_163 = vector.shape_cast %slice3A_162 : vector<1x1x16x4913xf32> to vector<16x4913xf32>
    %slice3A_164 = vector.extract_strided_slice %get3A_3 {offsets = [3, 0, 0, 307], sizes = [1, 1, 16, 4913], strides = [1, 1, 1, 1]} : vector<8x2x16x5220xf32> to vector<1x1x16x4913xf32>
    %squeeze3A_165 = vector.shape_cast %slice3A_164 : vector<1x1x16x4913xf32> to vector<16x4913xf32>
    %slice3A_166 = vector.extract_strided_slice %get3A_3 {offsets = [4, 0, 0, 307], sizes = [1, 1, 16, 4913], strides = [1, 1, 1, 1]} : vector<8x2x16x5220xf32> to vector<1x1x16x4913xf32>
    %squeeze3A_167 = vector.shape_cast %slice3A_166 : vector<1x1x16x4913xf32> to vector<16x4913xf32>
    %slice3A_168 = vector.extract_strided_slice %get3A_3 {offsets = [5, 0, 0, 307], sizes = [1, 1, 16, 4913], strides = [1, 1, 1, 1]} : vector<8x2x16x5220xf32> to vector<1x1x16x4913xf32>
    %squeeze3A_169 = vector.shape_cast %slice3A_168 : vector<1x1x16x4913xf32> to vector<16x4913xf32>
    %slice3A_170 = vector.extract_strided_slice %get3A_3 {offsets = [6, 0, 0, 307], sizes = [1, 1, 16, 4913], strides = [1, 1, 1, 1]} : vector<8x2x16x5220xf32> to vector<1x1x16x4913xf32>
    %squeeze3A_171 = vector.shape_cast %slice3A_170 : vector<1x1x16x4913xf32> to vector<16x4913xf32>
    %slice3A_172 = vector.extract_strided_slice %get3A_3 {offsets = [7, 0, 0, 307], sizes = [1, 1, 16, 4913], strides = [1, 1, 1, 1]} : vector<8x2x16x5220xf32> to vector<1x1x16x4913xf32>
    %squeeze3A_173 = vector.shape_cast %slice3A_172 : vector<1x1x16x4913xf32> to vector<16x4913xf32>
    %concatenate3A_174 = tpu.concatenate %squeeze3A_159, %squeeze3A_161, %squeeze3A_163, %squeeze3A_165, %squeeze3A_167, %squeeze3A_169, %squeeze3A_171, %squeeze3A_173 in 0 : vector<16x4913xf32>, vector<16x4913xf32>, vector<16x4913xf32>, vector<16x4913xf32>, vector<16x4913xf32>, vector<16x4913xf32>, vector<16x4913xf32>, vector<16x4913xf32> -> vector<128x4913xf32>
    %slice3A_175 = vector.extract_strided_slice %get3A_7 {offsets = [7, 0, 0], sizes = [1, 32, 128], strides = [1, 1, 1]} : vector<8x32x128xf32> to vector<1x32x128xf32>
    %squeeze3A_176 = vector.shape_cast %slice3A_175 : vector<1x32x128xf32> to vector<32x128xf32>
    %dot_general3A_177 = arith.constant dense<0.000000e+00> : vector<32x4913xf32>
    %dot_general3A_178 = tpu.matmul %squeeze3A_176, %concatenate3A_174, %dot_general3A_177 {dimension_numbers = #tpu.dot_dimension_numbers<[1], [0], [0], [1], [0, 0, 1, 1], [], []>, transpose_lhs_hint = false} : vector<32x128xf32>, vector<128x4913xf32>, vector<32x4913xf32> -> vector<32x4913xf32>
    %add3A_179 = arith.addf %add3A_157, %dot_general3A_178 : vector<32x4913xf32>
    %get3A_180 = arith.constant 0 : index
    %get3A_181 = arith.constant 0 : index
    %get3A_182 = vector.load %arg2[%get3A_180, %get3A_181] : memref<32x1xf32, #tpu.memory_space<vmem>>, vector<32x1xf32>
    %add3A_183 = vector.broadcast %get3A_182 : vector<32x1xf32> to vector<32x4913xf32>
    %add3A_184 = arith.addf %add3A_179, %add3A_183 : vector<32x4913xf32>
    %max3A = arith.constant 0.000000e+00 : f32
    %max3A_185 = vector.broadcast %max3A : f32 to vector<32x4913xf32>
    %max3A_186 = arith.maximumf %add3A_184, %max3A_185 : vector<32x4913xf32>
    %swap3A = arith.constant 0 : index
    %swap3A_187 = arith.constant 0 : index
    %swap3A_188 = arith.constant 0 : index
    %swap3A_189 = vector.load %arg3[%swap3A, %swap3A_187, %swap3A_188] : memref<32x2x4913xf32, #tpu.memory_space<vmem>>, vector<32x1x4913xf32>
    %swap3A_190 = vector.shape_cast %swap3A_189 : vector<32x1x4913xf32> to vector<32x4913xf32>
    %swap3A_191 = vector.shape_cast %max3A_186 : vector<32x4913xf32> to vector<32x1x4913xf32>
    tpu.vector_store %arg3[%swap3A, %swap3A_187, %swap3A_188], %swap3A_191 {strides = array<i32>} : memref<32x2x4913xf32, #tpu.memory_space<vmem>>, vector<32x1x4913xf32>,
    %broadcast_in_dim3A_192 = arith.constant 0.000000e+00 : f32
    %broadcast_in_dim3A_193 = vector.broadcast %broadcast_in_dim3A_192 : f32 to vector<32x4913xf32>
    %slice3A_194 = vector.extract_strided_slice %get3A_3 {offsets = [0, 1, 0, 0], sizes = [1, 1, 16, 4913], strides = [1, 1, 1, 1]} : vector<8x2x16x5220xf32> to vector<1x1x16x4913xf32>
    %squeeze3A_195 = vector.shape_cast %slice3A_194 : vector<1x1x16x4913xf32> to vector<16x4913xf32>
    %slice3A_196 = vector.extract_strided_slice %get3A_3 {offsets = [1, 1, 0, 0], sizes = [1, 1, 16, 4913], strides = [1, 1, 1, 1]} : vector<8x2x16x5220xf32> to vector<1x1x16x4913xf32>
    %squeeze3A_197 = vector.shape_cast %slice3A_196 : vector<1x1x16x4913xf32> to vector<16x4913xf32>
    %slice3A_198 = vector.extract_strided_slice %get3A_3 {offsets = [2, 1, 0, 0], sizes = [1, 1, 16, 4913], strides = [1, 1, 1, 1]} : vector<8x2x16x5220xf32> to vector<1x1x16x4913xf32>
    %squeeze3A_199 = vector.shape_cast %slice3A_198 : vector<1x1x16x4913xf32> to vector<16x4913xf32>
    %slice3A_200 = vector.extract_strided_slice %get3A_3 {offsets = [3, 1, 0, 0], sizes = [1, 1, 16, 4913], strides = [1, 1, 1, 1]} : vector<8x2x16x5220xf32> to vector<1x1x16x4913xf32>
    %squeeze3A_201 = vector.shape_cast %slice3A_200 : vector<1x1x16x4913xf32> to vector<16x4913xf32>
    %slice3A_202 = vector.extract_strided_slice %get3A_3 {offsets = [4, 1, 0, 0], sizes = [1, 1, 16, 4913], strides = [1, 1, 1, 1]} : vector<8x2x16x5220xf32> to vector<1x1x16x4913xf32>
    %squeeze3A_203 = vector.shape_cast %slice3A_202 : vector<1x1x16x4913xf32> to vector<16x4913xf32>
    %slice3A_204 = vector.extract_strided_slice %get3A_3 {offsets = [5, 1, 0, 0], sizes = [1, 1, 16, 4913], strides = [1, 1, 1, 1]} : vector<8x2x16x5220xf32> to vector<1x1x16x4913xf32>
    %squeeze3A_205 = vector.shape_cast %slice3A_204 : vector<1x1x16x4913xf32> to vector<16x4913xf32>
    %slice3A_206 = vector.extract_strided_slice %get3A_3 {offsets = [6, 1, 0, 0], sizes = [1, 1, 16, 4913], strides = [1, 1, 1, 1]} : vector<8x2x16x5220xf32> to vector<1x1x16x4913xf32>
    %squeeze3A_207 = vector.shape_cast %slice3A_206 : vector<1x1x16x4913xf32> to vector<16x4913xf32>
    %slice3A_208 = vector.extract_strided_slice %get3A_3 {offsets = [7, 1, 0, 0], sizes = [1, 1, 16, 4913], strides = [1, 1, 1, 1]} : vector<8x2x16x5220xf32> to vector<1x1x16x4913xf32>
    %squeeze3A_209 = vector.shape_cast %slice3A_208 : vector<1x1x16x4913xf32> to vector<16x4913xf32>
    %concatenate3A_210 = tpu.concatenate %squeeze3A_195, %squeeze3A_197, %squeeze3A_199, %squeeze3A_201, %squeeze3A_203, %squeeze3A_205, %squeeze3A_207, %squeeze3A_209 in 0 : vector<16x4913xf32>, vector<16x4913xf32>, vector<16x4913xf32>, vector<16x4913xf32>, vector<16x4913xf32>, vector<16x4913xf32>, vector<16x4913xf32>, vector<16x4913xf32> -> vector<128x4913xf32>
    %slice3A_211 = vector.extract_strided_slice %get3A_7 {offsets = [0, 0, 0], sizes = [1, 32, 128], strides = [1, 1, 1]} : vector<8x32x128xf32> to vector<1x32x128xf32>
    %squeeze3A_212 = vector.shape_cast %slice3A_211 : vector<1x32x128xf32> to vector<32x128xf32>
    %dot_general3A_213 = arith.constant dense<0.000000e+00> : vector<32x4913xf32>
    %dot_general3A_214 = tpu.matmul %squeeze3A_212, %concatenate3A_210, %dot_general3A_213 {dimension_numbers = #tpu.dot_dimension_numbers<[1], [0], [0], [1], [0, 0, 1, 1], [], []>, transpose_lhs_hint = false} : vector<32x128xf32>, vector<128x4913xf32>, vector<32x4913xf32> -> vector<32x4913xf32>
    %add3A_215 = arith.addf %broadcast_in_dim3A_193, %dot_general3A_214 : vector<32x4913xf32>
    %slice3A_216 = vector.extract_strided_slice %get3A_3 {offsets = [0, 1, 0, 1], sizes = [1, 1, 16, 4913], strides = [1, 1, 1, 1]} : vector<8x2x16x5220xf32> to vector<1x1x16x4913xf32>
    %squeeze3A_217 = vector.shape_cast %slice3A_216 : vector<1x1x16x4913xf32> to vector<16x4913xf32>
    %slice3A_218 = vector.extract_strided_slice %get3A_3 {offsets = [1, 1, 0, 1], sizes = [1, 1, 16, 4913], strides = [1, 1, 1, 1]} : vector<8x2x16x5220xf32> to vector<1x1x16x4913xf32>
    %squeeze3A_219 = vector.shape_cast %slice3A_218 : vector<1x1x16x4913xf32> to vector<16x4913xf32>
    %slice3A_220 = vector.extract_strided_slice %get3A_3 {offsets = [2, 1, 0, 1], sizes = [1, 1, 16, 4913], strides = [1, 1, 1, 1]} : vector<8x2x16x5220xf32> to vector<1x1x16x4913xf32>
    %squeeze3A_221 = vector.shape_cast %slice3A_220 : vector<1x1x16x4913xf32> to vector<16x4913xf32>
    %slice3A_222 = vector.extract_strided_slice %get3A_3 {offsets = [3, 1, 0, 1], sizes = [1, 1, 16, 4913], strides = [1, 1, 1, 1]} : vector<8x2x16x5220xf32> to vector<1x1x16x4913xf32>
    %squeeze3A_223 = vector.shape_cast %slice3A_222 : vector<1x1x16x4913xf32> to vector<16x4913xf32>
    %slice3A_224 = vector.extract_strided_slice %get3A_3 {offsets = [4, 1, 0, 1], sizes = [1, 1, 16, 4913], strides = [1, 1, 1, 1]} : vector<8x2x16x5220xf32> to vector<1x1x16x4913xf32>
    %squeeze3A_225 = vector.shape_cast %slice3A_224 : vector<1x1x16x4913xf32> to vector<16x4913xf32>
    %slice3A_226 = vector.extract_strided_slice %get3A_3 {offsets = [5, 1, 0, 1], sizes = [1, 1, 16, 4913], strides = [1, 1, 1, 1]} : vector<8x2x16x5220xf32> to vector<1x1x16x4913xf32>
    %squeeze3A_227 = vector.shape_cast %slice3A_226 : vector<1x1x16x4913xf32> to vector<16x4913xf32>
    %slice3A_228 = vector.extract_strided_slice %get3A_3 {offsets = [6, 1, 0, 1], sizes = [1, 1, 16, 4913], strides = [1, 1, 1, 1]} : vector<8x2x16x5220xf32> to vector<1x1x16x4913xf32>
    %squeeze3A_229 = vector.shape_cast %slice3A_228 : vector<1x1x16x4913xf32> to vector<16x4913xf32>
    %slice3A_230 = vector.extract_strided_slice %get3A_3 {offsets = [7, 1, 0, 1], sizes = [1, 1, 16, 4913], strides = [1, 1, 1, 1]} : vector<8x2x16x5220xf32> to vector<1x1x16x4913xf32>
    %squeeze3A_231 = vector.shape_cast %slice3A_230 : vector<1x1x16x4913xf32> to vector<16x4913xf32>
    %concatenate3A_232 = tpu.concatenate %squeeze3A_217, %squeeze3A_219, %squeeze3A_221, %squeeze3A_223, %squeeze3A_225, %squeeze3A_227, %squeeze3A_229, %squeeze3A_231 in 0 : vector<16x4913xf32>, vector<16x4913xf32>, vector<16x4913xf32>, vector<16x4913xf32>, vector<16x4913xf32>, vector<16x4913xf32>, vector<16x4913xf32>, vector<16x4913xf32> -> vector<128x4913xf32>
    %slice3A_233 = vector.extract_strided_slice %get3A_7 {offsets = [1, 0, 0], sizes = [1, 32, 128], strides = [1, 1, 1]} : vector<8x32x128xf32> to vector<1x32x128xf32>
    %squeeze3A_234 = vector.shape_cast %slice3A_233 : vector<1x32x128xf32> to vector<32x128xf32>
    %dot_general3A_235 = arith.constant dense<0.000000e+00> : vector<32x4913xf32>
    %dot_general3A_236 = tpu.matmul %squeeze3A_234, %concatenate3A_232, %dot_general3A_235 {dimension_numbers = #tpu.dot_dimension_numbers<[1], [0], [0], [1], [0, 0, 1, 1], [], []>, transpose_lhs_hint = false} : vector<32x128xf32>, vector<128x4913xf32>, vector<32x4913xf32> -> vector<32x4913xf32>
    %add3A_237 = arith.addf %add3A_215, %dot_general3A_236 : vector<32x4913xf32>
    %slice3A_238 = vector.extract_strided_slice %get3A_3 {offsets = [0, 1, 0, 17], sizes = [1, 1, 16, 4913], strides = [1, 1, 1, 1]} : vector<8x2x16x5220xf32> to vector<1x1x16x4913xf32>
    %squeeze3A_239 = vector.shape_cast %slice3A_238 : vector<1x1x16x4913xf32> to vector<16x4913xf32>
    %slice3A_240 = vector.extract_strided_slice %get3A_3 {offsets = [1, 1, 0, 17], sizes = [1, 1, 16, 4913], strides = [1, 1, 1, 1]} : vector<8x2x16x5220xf32> to vector<1x1x16x4913xf32>
    %squeeze3A_241 = vector.shape_cast %slice3A_240 : vector<1x1x16x4913xf32> to vector<16x4913xf32>
    %slice3A_242 = vector.extract_strided_slice %get3A_3 {offsets = [2, 1, 0, 17], sizes = [1, 1, 16, 4913], strides = [1, 1, 1, 1]} : vector<8x2x16x5220xf32> to vector<1x1x16x4913xf32>
    %squeeze3A_243 = vector.shape_cast %slice3A_242 : vector<1x1x16x4913xf32> to vector<16x4913xf32>
    %slice3A_244 = vector.extract_strided_slice %get3A_3 {offsets = [3, 1, 0, 17], sizes = [1, 1, 16, 4913], strides = [1, 1, 1, 1]} : vector<8x2x16x5220xf32> to vector<1x1x16x4913xf32>
    %squeeze3A_245 = vector.shape_cast %slice3A_244 : vector<1x1x16x4913xf32> to vector<16x4913xf32>
    %slice3A_246 = vector.extract_strided_slice %get3A_3 {offsets = [4, 1, 0, 17], sizes = [1, 1, 16, 4913], strides = [1, 1, 1, 1]} : vector<8x2x16x5220xf32> to vector<1x1x16x4913xf32>
    %squeeze3A_247 = vector.shape_cast %slice3A_246 : vector<1x1x16x4913xf32> to vector<16x4913xf32>
    %slice3A_248 = vector.extract_strided_slice %get3A_3 {offsets = [5, 1, 0, 17], sizes = [1, 1, 16, 4913], strides = [1, 1, 1, 1]} : vector<8x2x16x5220xf32> to vector<1x1x16x4913xf32>
    %squeeze3A_249 = vector.shape_cast %slice3A_248 : vector<1x1x16x4913xf32> to vector<16x4913xf32>
    %slice3A_250 = vector.extract_strided_slice %get3A_3 {offsets = [6, 1, 0, 17], sizes = [1, 1, 16, 4913], strides = [1, 1, 1, 1]} : vector<8x2x16x5220xf32> to vector<1x1x16x4913xf32>
    %squeeze3A_251 = vector.shape_cast %slice3A_250 : vector<1x1x16x4913xf32> to vector<16x4913xf32>
    %slice3A_252 = vector.extract_strided_slice %get3A_3 {offsets = [7, 1, 0, 17], sizes = [1, 1, 16, 4913], strides = [1, 1, 1, 1]} : vector<8x2x16x5220xf32> to vector<1x1x16x4913xf32>
    %squeeze3A_253 = vector.shape_cast %slice3A_252 : vector<1x1x16x4913xf32> to vector<16x4913xf32>
    %concatenate3A_254 = tpu.concatenate %squeeze3A_239, %squeeze3A_241, %squeeze3A_243, %squeeze3A_245, %squeeze3A_247, %squeeze3A_249, %squeeze3A_251, %squeeze3A_253 in 0 : vector<16x4913xf32>, vector<16x4913xf32>, vector<16x4913xf32>, vector<16x4913xf32>, vector<16x4913xf32>, vector<16x4913xf32>, vector<16x4913xf32>, vector<16x4913xf32> -> vector<128x4913xf32>
    %slice3A_255 = vector.extract_strided_slice %get3A_7 {offsets = [2, 0, 0], sizes = [1, 32, 128], strides = [1, 1, 1]} : vector<8x32x128xf32> to vector<1x32x128xf32>
    %squeeze3A_256 = vector.shape_cast %slice3A_255 : vector<1x32x128xf32> to vector<32x128xf32>
    %dot_general3A_257 = arith.constant dense<0.000000e+00> : vector<32x4913xf32>
    %dot_general3A_258 = tpu.matmul %squeeze3A_256, %concatenate3A_254, %dot_general3A_257 {dimension_numbers = #tpu.dot_dimension_numbers<[1], [0], [0], [1], [0, 0, 1, 1], [], []>, transpose_lhs_hint = false} : vector<32x128xf32>, vector<128x4913xf32>, vector<32x4913xf32> -> vector<32x4913xf32>
    %add3A_259 = arith.addf %add3A_237, %dot_general3A_258 : vector<32x4913xf32>
    %slice3A_260 = vector.extract_strided_slice %get3A_3 {offsets = [0, 1, 0, 18], sizes = [1, 1, 16, 4913], strides = [1, 1, 1, 1]} : vector<8x2x16x5220xf32> to vector<1x1x16x4913xf32>
    %squeeze3A_261 = vector.shape_cast %slice3A_260 : vector<1x1x16x4913xf32> to vector<16x4913xf32>
    %slice3A_262 = vector.extract_strided_slice %get3A_3 {offsets = [1, 1, 0, 18], sizes = [1, 1, 16, 4913], strides = [1, 1, 1, 1]} : vector<8x2x16x5220xf32> to vector<1x1x16x4913xf32>
    %squeeze3A_263 = vector.shape_cast %slice3A_262 : vector<1x1x16x4913xf32> to vector<16x4913xf32>
    %slice3A_264 = vector.extract_strided_slice %get3A_3 {offsets = [2, 1, 0, 18], sizes = [1, 1, 16, 4913], strides = [1, 1, 1, 1]} : vector<8x2x16x5220xf32> to vector<1x1x16x4913xf32>
    %squeeze3A_265 = vector.shape_cast %slice3A_264 : vector<1x1x16x4913xf32> to vector<16x4913xf32>
    %slice3A_266 = vector.extract_strided_slice %get3A_3 {offsets = [3, 1, 0, 18], sizes = [1, 1, 16, 4913], strides = [1, 1, 1, 1]} : vector<8x2x16x5220xf32> to vector<1x1x16x4913xf32>
    %squeeze3A_267 = vector.shape_cast %slice3A_266 : vector<1x1x16x4913xf32> to vector<16x4913xf32>
    %slice3A_268 = vector.extract_strided_slice %get3A_3 {offsets = [4, 1, 0, 18], sizes = [1, 1, 16, 4913], strides = [1, 1, 1, 1]} : vector<8x2x16x5220xf32> to vector<1x1x16x4913xf32>
    %squeeze3A_269 = vector.shape_cast %slice3A_268 : vector<1x1x16x4913xf32> to vector<16x4913xf32>
    %slice3A_270 = vector.extract_strided_slice %get3A_3 {offsets = [5, 1, 0, 18], sizes = [1, 1, 16, 4913], strides = [1, 1, 1, 1]} : vector<8x2x16x5220xf32> to vector<1x1x16x4913xf32>
    %squeeze3A_271 = vector.shape_cast %slice3A_270 : vector<1x1x16x4913xf32> to vector<16x4913xf32>
    %slice3A_272 = vector.extract_strided_slice %get3A_3 {offsets = [6, 1, 0, 18], sizes = [1, 1, 16, 4913], strides = [1, 1, 1, 1]} : vector<8x2x16x5220xf32> to vector<1x1x16x4913xf32>
    %squeeze3A_273 = vector.shape_cast %slice3A_272 : vector<1x1x16x4913xf32> to vector<16x4913xf32>
    %slice3A_274 = vector.extract_strided_slice %get3A_3 {offsets = [7, 1, 0, 18], sizes = [1, 1, 16, 4913], strides = [1, 1, 1, 1]} : vector<8x2x16x5220xf32> to vector<1x1x16x4913xf32>
    %squeeze3A_275 = vector.shape_cast %slice3A_274 : vector<1x1x16x4913xf32> to vector<16x4913xf32>
    %concatenate3A_276 = tpu.concatenate %squeeze3A_261, %squeeze3A_263, %squeeze3A_265, %squeeze3A_267, %squeeze3A_269, %squeeze3A_271, %squeeze3A_273, %squeeze3A_275 in 0 : vector<16x4913xf32>, vector<16x4913xf32>, vector<16x4913xf32>, vector<16x4913xf32>, vector<16x4913xf32>, vector<16x4913xf32>, vector<16x4913xf32>, vector<16x4913xf32> -> vector<128x4913xf32>
    %slice3A_277 = vector.extract_strided_slice %get3A_7 {offsets = [3, 0, 0], sizes = [1, 32, 128], strides = [1, 1, 1]} : vector<8x32x128xf32> to vector<1x32x128xf32>
    %squeeze3A_278 = vector.shape_cast %slice3A_277 : vector<1x32x128xf32> to vector<32x128xf32>
    %dot_general3A_279 = arith.constant dense<0.000000e+00> : vector<32x4913xf32>
    %dot_general3A_280 = tpu.matmul %squeeze3A_278, %concatenate3A_276, %dot_general3A_279 {dimension_numbers = #tpu.dot_dimension_numbers<[1], [0], [0], [1], [0, 0, 1, 1], [], []>, transpose_lhs_hint = false} : vector<32x128xf32>, vector<128x4913xf32>, vector<32x4913xf32> -> vector<32x4913xf32>
    %add3A_281 = arith.addf %add3A_259, %dot_general3A_280 : vector<32x4913xf32>
    %slice3A_282 = vector.extract_strided_slice %get3A_3 {offsets = [0, 1, 0, 289], sizes = [1, 1, 16, 4913], strides = [1, 1, 1, 1]} : vector<8x2x16x5220xf32> to vector<1x1x16x4913xf32>
    %squeeze3A_283 = vector.shape_cast %slice3A_282 : vector<1x1x16x4913xf32> to vector<16x4913xf32>
    %slice3A_284 = vector.extract_strided_slice %get3A_3 {offsets = [1, 1, 0, 289], sizes = [1, 1, 16, 4913], strides = [1, 1, 1, 1]} : vector<8x2x16x5220xf32> to vector<1x1x16x4913xf32>
    %squeeze3A_285 = vector.shape_cast %slice3A_284 : vector<1x1x16x4913xf32> to vector<16x4913xf32>
    %slice3A_286 = vector.extract_strided_slice %get3A_3 {offsets = [2, 1, 0, 289], sizes = [1, 1, 16, 4913], strides = [1, 1, 1, 1]} : vector<8x2x16x5220xf32> to vector<1x1x16x4913xf32>
    %squeeze3A_287 = vector.shape_cast %slice3A_286 : vector<1x1x16x4913xf32> to vector<16x4913xf32>
    %slice3A_288 = vector.extract_strided_slice %get3A_3 {offsets = [3, 1, 0, 289], sizes = [1, 1, 16, 4913], strides = [1, 1, 1, 1]} : vector<8x2x16x5220xf32> to vector<1x1x16x4913xf32>
    %squeeze3A_289 = vector.shape_cast %slice3A_288 : vector<1x1x16x4913xf32> to vector<16x4913xf32>
    %slice3A_290 = vector.extract_strided_slice %get3A_3 {offsets = [4, 1, 0, 289], sizes = [1, 1, 16, 4913], strides = [1, 1, 1, 1]} : vector<8x2x16x5220xf32> to vector<1x1x16x4913xf32>
    %squeeze3A_291 = vector.shape_cast %slice3A_290 : vector<1x1x16x4913xf32> to vector<16x4913xf32>
    %slice3A_292 = vector.extract_strided_slice %get3A_3 {offsets = [5, 1, 0, 289], sizes = [1, 1, 16, 4913], strides = [1, 1, 1, 1]} : vector<8x2x16x5220xf32> to vector<1x1x16x4913xf32>
    %squeeze3A_293 = vector.shape_cast %slice3A_292 : vector<1x1x16x4913xf32> to vector<16x4913xf32>
    %slice3A_294 = vector.extract_strided_slice %get3A_3 {offsets = [6, 1, 0, 289], sizes = [1, 1, 16, 4913], strides = [1, 1, 1, 1]} : vector<8x2x16x5220xf32> to vector<1x1x16x4913xf32>
    %squeeze3A_295 = vector.shape_cast %slice3A_294 : vector<1x1x16x4913xf32> to vector<16x4913xf32>
    %slice3A_296 = vector.extract_strided_slice %get3A_3 {offsets = [7, 1, 0, 289], sizes = [1, 1, 16, 4913], strides = [1, 1, 1, 1]} : vector<8x2x16x5220xf32> to vector<1x1x16x4913xf32>
    %squeeze3A_297 = vector.shape_cast %slice3A_296 : vector<1x1x16x4913xf32> to vector<16x4913xf32>
    %concatenate3A_298 = tpu.concatenate %squeeze3A_283, %squeeze3A_285, %squeeze3A_287, %squeeze3A_289, %squeeze3A_291, %squeeze3A_293, %squeeze3A_295, %squeeze3A_297 in 0 : vector<16x4913xf32>, vector<16x4913xf32>, vector<16x4913xf32>, vector<16x4913xf32>, vector<16x4913xf32>, vector<16x4913xf32>, vector<16x4913xf32>, vector<16x4913xf32> -> vector<128x4913xf32>
    %slice3A_299 = vector.extract_strided_slice %get3A_7 {offsets = [4, 0, 0], sizes = [1, 32, 128], strides = [1, 1, 1]} : vector<8x32x128xf32> to vector<1x32x128xf32>
    %squeeze3A_300 = vector.shape_cast %slice3A_299 : vector<1x32x128xf32> to vector<32x128xf32>
    %dot_general3A_301 = arith.constant dense<0.000000e+00> : vector<32x4913xf32>
    %dot_general3A_302 = tpu.matmul %squeeze3A_300, %concatenate3A_298, %dot_general3A_301 {dimension_numbers = #tpu.dot_dimension_numbers<[1], [0], [0], [1], [0, 0, 1, 1], [], []>, transpose_lhs_hint = false} : vector<32x128xf32>, vector<128x4913xf32>, vector<32x4913xf32> -> vector<32x4913xf32>
    %add3A_303 = arith.addf %add3A_281, %dot_general3A_302 : vector<32x4913xf32>
    %slice3A_304 = vector.extract_strided_slice %get3A_3 {offsets = [0, 1, 0, 290], sizes = [1, 1, 16, 4913], strides = [1, 1, 1, 1]} : vector<8x2x16x5220xf32> to vector<1x1x16x4913xf32>
    %squeeze3A_305 = vector.shape_cast %slice3A_304 : vector<1x1x16x4913xf32> to vector<16x4913xf32>
    %slice3A_306 = vector.extract_strided_slice %get3A_3 {offsets = [1, 1, 0, 290], sizes = [1, 1, 16, 4913], strides = [1, 1, 1, 1]} : vector<8x2x16x5220xf32> to vector<1x1x16x4913xf32>
    %squeeze3A_307 = vector.shape_cast %slice3A_306 : vector<1x1x16x4913xf32> to vector<16x4913xf32>
    %slice3A_308 = vector.extract_strided_slice %get3A_3 {offsets = [2, 1, 0, 290], sizes = [1, 1, 16, 4913], strides = [1, 1, 1, 1]} : vector<8x2x16x5220xf32> to vector<1x1x16x4913xf32>
    %squeeze3A_309 = vector.shape_cast %slice3A_308 : vector<1x1x16x4913xf32> to vector<16x4913xf32>
    %slice3A_310 = vector.extract_strided_slice %get3A_3 {offsets = [3, 1, 0, 290], sizes = [1, 1, 16, 4913], strides = [1, 1, 1, 1]} : vector<8x2x16x5220xf32> to vector<1x1x16x4913xf32>
    %squeeze3A_311 = vector.shape_cast %slice3A_310 : vector<1x1x16x4913xf32> to vector<16x4913xf32>
    %slice3A_312 = vector.extract_strided_slice %get3A_3 {offsets = [4, 1, 0, 290], sizes = [1, 1, 16, 4913], strides = [1, 1, 1, 1]} : vector<8x2x16x5220xf32> to vector<1x1x16x4913xf32>
    %squeeze3A_313 = vector.shape_cast %slice3A_312 : vector<1x1x16x4913xf32> to vector<16x4913xf32>
    %slice3A_314 = vector.extract_strided_slice %get3A_3 {offsets = [5, 1, 0, 290], sizes = [1, 1, 16, 4913], strides = [1, 1, 1, 1]} : vector<8x2x16x5220xf32> to vector<1x1x16x4913xf32>
    %squeeze3A_315 = vector.shape_cast %slice3A_314 : vector<1x1x16x4913xf32> to vector<16x4913xf32>
    %slice3A_316 = vector.extract_strided_slice %get3A_3 {offsets = [6, 1, 0, 290], sizes = [1, 1, 16, 4913], strides = [1, 1, 1, 1]} : vector<8x2x16x5220xf32> to vector<1x1x16x4913xf32>
    %squeeze3A_317 = vector.shape_cast %slice3A_316 : vector<1x1x16x4913xf32> to vector<16x4913xf32>
    %slice3A_318 = vector.extract_strided_slice %get3A_3 {offsets = [7, 1, 0, 290], sizes = [1, 1, 16, 4913], strides = [1, 1, 1, 1]} : vector<8x2x16x5220xf32> to vector<1x1x16x4913xf32>
    %squeeze3A_319 = vector.shape_cast %slice3A_318 : vector<1x1x16x4913xf32> to vector<16x4913xf32>
    %concatenate3A_320 = tpu.concatenate %squeeze3A_305, %squeeze3A_307, %squeeze3A_309, %squeeze3A_311, %squeeze3A_313, %squeeze3A_315, %squeeze3A_317, %squeeze3A_319 in 0 : vector<16x4913xf32>, vector<16x4913xf32>, vector<16x4913xf32>, vector<16x4913xf32>, vector<16x4913xf32>, vector<16x4913xf32>, vector<16x4913xf32>, vector<16x4913xf32> -> vector<128x4913xf32>
    %slice3A_321 = vector.extract_strided_slice %get3A_7 {offsets = [5, 0, 0], sizes = [1, 32, 128], strides = [1, 1, 1]} : vector<8x32x128xf32> to vector<1x32x128xf32>
    %squeeze3A_322 = vector.shape_cast %slice3A_321 : vector<1x32x128xf32> to vector<32x128xf32>
    %dot_general3A_323 = arith.constant dense<0.000000e+00> : vector<32x4913xf32>
    %dot_general3A_324 = tpu.matmul %squeeze3A_322, %concatenate3A_320, %dot_general3A_323 {dimension_numbers = #tpu.dot_dimension_numbers<[1], [0], [0], [1], [0, 0, 1, 1], [], []>, transpose_lhs_hint = false} : vector<32x128xf32>, vector<128x4913xf32>, vector<32x4913xf32> -> vector<32x4913xf32>
    %add3A_325 = arith.addf %add3A_303, %dot_general3A_324 : vector<32x4913xf32>
    %slice3A_326 = vector.extract_strided_slice %get3A_3 {offsets = [0, 1, 0, 306], sizes = [1, 1, 16, 4913], strides = [1, 1, 1, 1]} : vector<8x2x16x5220xf32> to vector<1x1x16x4913xf32>
    %squeeze3A_327 = vector.shape_cast %slice3A_326 : vector<1x1x16x4913xf32> to vector<16x4913xf32>
    %slice3A_328 = vector.extract_strided_slice %get3A_3 {offsets = [1, 1, 0, 306], sizes = [1, 1, 16, 4913], strides = [1, 1, 1, 1]} : vector<8x2x16x5220xf32> to vector<1x1x16x4913xf32>
    %squeeze3A_329 = vector.shape_cast %slice3A_328 : vector<1x1x16x4913xf32> to vector<16x4913xf32>
    %slice3A_330 = vector.extract_strided_slice %get3A_3 {offsets = [2, 1, 0, 306], sizes = [1, 1, 16, 4913], strides = [1, 1, 1, 1]} : vector<8x2x16x5220xf32> to vector<1x1x16x4913xf32>
    %squeeze3A_331 = vector.shape_cast %slice3A_330 : vector<1x1x16x4913xf32> to vector<16x4913xf32>
    %slice3A_332 = vector.extract_strided_slice %get3A_3 {offsets = [3, 1, 0, 306], sizes = [1, 1, 16, 4913], strides = [1, 1, 1, 1]} : vector<8x2x16x5220xf32> to vector<1x1x16x4913xf32>
    %squeeze3A_333 = vector.shape_cast %slice3A_332 : vector<1x1x16x4913xf32> to vector<16x4913xf32>
    %slice3A_334 = vector.extract_strided_slice %get3A_3 {offsets = [4, 1, 0, 306], sizes = [1, 1, 16, 4913], strides = [1, 1, 1, 1]} : vector<8x2x16x5220xf32> to vector<1x1x16x4913xf32>
    %squeeze3A_335 = vector.shape_cast %slice3A_334 : vector<1x1x16x4913xf32> to vector<16x4913xf32>
    %slice3A_336 = vector.extract_strided_slice %get3A_3 {offsets = [5, 1, 0, 306], sizes = [1, 1, 16, 4913], strides = [1, 1, 1, 1]} : vector<8x2x16x5220xf32> to vector<1x1x16x4913xf32>
    %squeeze3A_337 = vector.shape_cast %slice3A_336 : vector<1x1x16x4913xf32> to vector<16x4913xf32>
    %slice3A_338 = vector.extract_strided_slice %get3A_3 {offsets = [6, 1, 0, 306], sizes = [1, 1, 16, 4913], strides = [1, 1, 1, 1]} : vector<8x2x16x5220xf32> to vector<1x1x16x4913xf32>
    %squeeze3A_339 = vector.shape_cast %slice3A_338 : vector<1x1x16x4913xf32> to vector<16x4913xf32>
    %slice3A_340 = vector.extract_strided_slice %get3A_3 {offsets = [7, 1, 0, 306], sizes = [1, 1, 16, 4913], strides = [1, 1, 1, 1]} : vector<8x2x16x5220xf32> to vector<1x1x16x4913xf32>
    %squeeze3A_341 = vector.shape_cast %slice3A_340 : vector<1x1x16x4913xf32> to vector<16x4913xf32>
    %concatenate3A_342 = tpu.concatenate %squeeze3A_327, %squeeze3A_329, %squeeze3A_331, %squeeze3A_333, %squeeze3A_335, %squeeze3A_337, %squeeze3A_339, %squeeze3A_341 in 0 : vector<16x4913xf32>, vector<16x4913xf32>, vector<16x4913xf32>, vector<16x4913xf32>, vector<16x4913xf32>, vector<16x4913xf32>, vector<16x4913xf32>, vector<16x4913xf32> -> vector<128x4913xf32>
    %slice3A_343 = vector.extract_strided_slice %get3A_7 {offsets = [6, 0, 0], sizes = [1, 32, 128], strides = [1, 1, 1]} : vector<8x32x128xf32> to vector<1x32x128xf32>
    %squeeze3A_344 = vector.shape_cast %slice3A_343 : vector<1x32x128xf32> to vector<32x128xf32>
    %dot_general3A_345 = arith.constant dense<0.000000e+00> : vector<32x4913xf32>
    %dot_general3A_346 = tpu.matmul %squeeze3A_344, %concatenate3A_342, %dot_general3A_345 {dimension_numbers = #tpu.dot_dimension_numbers<[1], [0], [0], [1], [0, 0, 1, 1], [], []>, transpose_lhs_hint = false} : vector<32x128xf32>, vector<128x4913xf32>, vector<32x4913xf32> -> vector<32x4913xf32>
    %add3A_347 = arith.addf %add3A_325, %dot_general3A_346 : vector<32x4913xf32>
    %slice3A_348 = vector.extract_strided_slice %get3A_3 {offsets = [0, 1, 0, 307], sizes = [1, 1, 16, 4913], strides = [1, 1, 1, 1]} : vector<8x2x16x5220xf32> to vector<1x1x16x4913xf32>
    %squeeze3A_349 = vector.shape_cast %slice3A_348 : vector<1x1x16x4913xf32> to vector<16x4913xf32>
    %slice3A_350 = vector.extract_strided_slice %get3A_3 {offsets = [1, 1, 0, 307], sizes = [1, 1, 16, 4913], strides = [1, 1, 1, 1]} : vector<8x2x16x5220xf32> to vector<1x1x16x4913xf32>
    %squeeze3A_351 = vector.shape_cast %slice3A_350 : vector<1x1x16x4913xf32> to vector<16x4913xf32>
    %slice3A_352 = vector.extract_strided_slice %get3A_3 {offsets = [2, 1, 0, 307], sizes = [1, 1, 16, 4913], strides = [1, 1, 1, 1]} : vector<8x2x16x5220xf32> to vector<1x1x16x4913xf32>
    %squeeze3A_353 = vector.shape_cast %slice3A_352 : vector<1x1x16x4913xf32> to vector<16x4913xf32>
    %slice3A_354 = vector.extract_strided_slice %get3A_3 {offsets = [3, 1, 0, 307], sizes = [1, 1, 16, 4913], strides = [1, 1, 1, 1]} : vector<8x2x16x5220xf32> to vector<1x1x16x4913xf32>
    %squeeze3A_355 = vector.shape_cast %slice3A_354 : vector<1x1x16x4913xf32> to vector<16x4913xf32>
    %slice3A_356 = vector.extract_strided_slice %get3A_3 {offsets = [4, 1, 0, 307], sizes = [1, 1, 16, 4913], strides = [1, 1, 1, 1]} : vector<8x2x16x5220xf32> to vector<1x1x16x4913xf32>
    %squeeze3A_357 = vector.shape_cast %slice3A_356 : vector<1x1x16x4913xf32> to vector<16x4913xf32>
    %slice3A_358 = vector.extract_strided_slice %get3A_3 {offsets = [5, 1, 0, 307], sizes = [1, 1, 16, 4913], strides = [1, 1, 1, 1]} : vector<8x2x16x5220xf32> to vector<1x1x16x4913xf32>
    %squeeze3A_359 = vector.shape_cast %slice3A_358 : vector<1x1x16x4913xf32> to vector<16x4913xf32>
    %slice3A_360 = vector.extract_strided_slice %get3A_3 {offsets = [6, 1, 0, 307], sizes = [1, 1, 16, 4913], strides = [1, 1, 1, 1]} : vector<8x2x16x5220xf32> to vector<1x1x16x4913xf32>
    %squeeze3A_361 = vector.shape_cast %slice3A_360 : vector<1x1x16x4913xf32> to vector<16x4913xf32>
    %slice3A_362 = vector.extract_strided_slice %get3A_3 {offsets = [7, 1, 0, 307], sizes = [1, 1, 16, 4913], strides = [1, 1, 1, 1]} : vector<8x2x16x5220xf32> to vector<1x1x16x4913xf32>
    %squeeze3A_363 = vector.shape_cast %slice3A_362 : vector<1x1x16x4913xf32> to vector<16x4913xf32>
    %concatenate3A_364 = tpu.concatenate %squeeze3A_349, %squeeze3A_351, %squeeze3A_353, %squeeze3A_355, %squeeze3A_357, %squeeze3A_359, %squeeze3A_361, %squeeze3A_363 in 0 : vector<16x4913xf32>, vector<16x4913xf32>, vector<16x4913xf32>, vector<16x4913xf32>, vector<16x4913xf32>, vector<16x4913xf32>, vector<16x4913xf32>, vector<16x4913xf32> -> vector<128x4913xf32>
    %slice3A_365 = vector.extract_strided_slice %get3A_7 {offsets = [7, 0, 0], sizes = [1, 32, 128], strides = [1, 1, 1]} : vector<8x32x128xf32> to vector<1x32x128xf32>
    %squeeze3A_366 = vector.shape_cast %slice3A_365 : vector<1x32x128xf32> to vector<32x128xf32>
    %dot_general3A_367 = arith.constant dense<0.000000e+00> : vector<32x4913xf32>
    %dot_general3A_368 = tpu.matmul %squeeze3A_366, %concatenate3A_364, %dot_general3A_367 {dimension_numbers = #tpu.dot_dimension_numbers<[1], [0], [0], [1], [0, 0, 1, 1], [], []>, transpose_lhs_hint = false} : vector<32x128xf32>, vector<128x4913xf32>, vector<32x4913xf32> -> vector<32x4913xf32>
    %add3A_369 = arith.addf %add3A_347, %dot_general3A_368 : vector<32x4913xf32>
    %get3A_370 = arith.constant 0 : index
    %get3A_371 = arith.constant 0 : index
    %get3A_372 = vector.load %arg2[%get3A_370, %get3A_371] : memref<32x1xf32, #tpu.memory_space<vmem>>, vector<32x1xf32>
    %add3A_373 = vector.broadcast %get3A_372 : vector<32x1xf32> to vector<32x4913xf32>
    %add3A_374 = arith.addf %add3A_369, %add3A_373 : vector<32x4913xf32>
    %max3A_375 = arith.constant 0.000000e+00 : f32
    %max3A_376 = vector.broadcast %max3A_375 : f32 to vector<32x4913xf32>
    %max3A_377 = arith.maximumf %add3A_374, %max3A_376 : vector<32x4913xf32>
    %swap3A_378 = arith.constant 0 : index
    %swap3A_379 = arith.constant 1 : index
    %swap3A_380 = arith.constant 0 : index
    %swap3A_381 = vector.load %arg3[%swap3A_378, %swap3A_379, %swap3A_380] : memref<32x2x4913xf32, #tpu.memory_space<vmem>>, vector<32x1x4913xf32>
    %swap3A_382 = vector.shape_cast %swap3A_381 : vector<32x1x4913xf32> to vector<32x4913xf32>
    %swap3A_383 = vector.shape_cast %max3A_377 : vector<32x4913xf32> to vector<32x1x4913xf32>
    tpu.vector_store %arg3[%swap3A_378, %swap3A_379, %swap3A_380], %swap3A_383 {strides = array<i32>} : memref<32x2x4913xf32, #tpu.memory_space<vmem>>, vector<32x1x4913xf32>,
    return
  }
}

module attributes {stable_mosaic.version = 14 : i64} {
  func.func @body(%arg0: memref<8x2x32x820xf32, #tpu.memory_space<vmem>>, %arg1: memref<8x64x256xf32, #tpu.memory_space<vmem>>, %arg2: memref<64x1xf32, #tpu.memory_space<vmem>>, %arg3: memref<64x2x729xf32, #tpu.memory_space<vmem>>) attributes {dimension_semantics = [], scalar_prefetch = 0 : i64, scratch_operands = 0 : i64, tpu.core_type = #tpu.core_type<tc>} {
    %get3A = arith.constant 0 : index
    %get3A_0 = arith.constant 0 : index
    %get3A_1 = arith.constant 0 : index
    %get3A_2 = arith.constant 0 : index
    %get3A_3 = vector.load %arg0[%get3A, %get3A_0, %get3A_1, %get3A_2] : memref<8x2x32x820xf32, #tpu.memory_space<vmem>>, vector<8x2x32x820xf32>
    %get3A_4 = arith.constant 0 : index
    %get3A_5 = arith.constant 0 : index
    %get3A_6 = arith.constant 0 : index
    %get3A_7 = vector.load %arg1[%get3A_4, %get3A_5, %get3A_6] : memref<8x64x256xf32, #tpu.memory_space<vmem>>, vector<8x64x256xf32>
    %broadcast_in_dim3A = arith.constant 0.000000e+00 : f32
    %broadcast_in_dim3A_8 = vector.broadcast %broadcast_in_dim3A : f32 to vector<64x729xf32>
    %slice3A = vector.extract_strided_slice %get3A_3 {offsets = [0, 0, 0, 0], sizes = [1, 1, 32, 729], strides = [1, 1, 1, 1]} : vector<8x2x32x820xf32> to vector<1x1x32x729xf32>
    %squeeze3A = vector.shape_cast %slice3A : vector<1x1x32x729xf32> to vector<32x729xf32>
    %slice3A_9 = vector.extract_strided_slice %get3A_3 {offsets = [1, 0, 0, 0], sizes = [1, 1, 32, 729], strides = [1, 1, 1, 1]} : vector<8x2x32x820xf32> to vector<1x1x32x729xf32>
    %squeeze3A_10 = vector.shape_cast %slice3A_9 : vector<1x1x32x729xf32> to vector<32x729xf32>
    %slice3A_11 = vector.extract_strided_slice %get3A_3 {offsets = [2, 0, 0, 0], sizes = [1, 1, 32, 729], strides = [1, 1, 1, 1]} : vector<8x2x32x820xf32> to vector<1x1x32x729xf32>
    %squeeze3A_12 = vector.shape_cast %slice3A_11 : vector<1x1x32x729xf32> to vector<32x729xf32>
    %slice3A_13 = vector.extract_strided_slice %get3A_3 {offsets = [3, 0, 0, 0], sizes = [1, 1, 32, 729], strides = [1, 1, 1, 1]} : vector<8x2x32x820xf32> to vector<1x1x32x729xf32>
    %squeeze3A_14 = vector.shape_cast %slice3A_13 : vector<1x1x32x729xf32> to vector<32x729xf32>
    %slice3A_15 = vector.extract_strided_slice %get3A_3 {offsets = [4, 0, 0, 0], sizes = [1, 1, 32, 729], strides = [1, 1, 1, 1]} : vector<8x2x32x820xf32> to vector<1x1x32x729xf32>
    %squeeze3A_16 = vector.shape_cast %slice3A_15 : vector<1x1x32x729xf32> to vector<32x729xf32>
    %slice3A_17 = vector.extract_strided_slice %get3A_3 {offsets = [5, 0, 0, 0], sizes = [1, 1, 32, 729], strides = [1, 1, 1, 1]} : vector<8x2x32x820xf32> to vector<1x1x32x729xf32>
    %squeeze3A_18 = vector.shape_cast %slice3A_17 : vector<1x1x32x729xf32> to vector<32x729xf32>
    %slice3A_19 = vector.extract_strided_slice %get3A_3 {offsets = [6, 0, 0, 0], sizes = [1, 1, 32, 729], strides = [1, 1, 1, 1]} : vector<8x2x32x820xf32> to vector<1x1x32x729xf32>
    %squeeze3A_20 = vector.shape_cast %slice3A_19 : vector<1x1x32x729xf32> to vector<32x729xf32>
    %slice3A_21 = vector.extract_strided_slice %get3A_3 {offsets = [7, 0, 0, 0], sizes = [1, 1, 32, 729], strides = [1, 1, 1, 1]} : vector<8x2x32x820xf32> to vector<1x1x32x729xf32>
    %squeeze3A_22 = vector.shape_cast %slice3A_21 : vector<1x1x32x729xf32> to vector<32x729xf32>
    %concatenate3A = tpu.concatenate %squeeze3A, %squeeze3A_10, %squeeze3A_12, %squeeze3A_14, %squeeze3A_16, %squeeze3A_18, %squeeze3A_20, %squeeze3A_22 in 0 : vector<32x729xf32>, vector<32x729xf32>, vector<32x729xf32>, vector<32x729xf32>, vector<32x729xf32>, vector<32x729xf32>, vector<32x729xf32>, vector<32x729xf32> -> vector<256x729xf32>
    %slice3A_23 = vector.extract_strided_slice %get3A_7 {offsets = [0, 0, 0], sizes = [1, 64, 256], strides = [1, 1, 1]} : vector<8x64x256xf32> to vector<1x64x256xf32>
    %squeeze3A_24 = vector.shape_cast %slice3A_23 : vector<1x64x256xf32> to vector<64x256xf32>
    %dot_general3A = arith.constant dense<0.000000e+00> : vector<64x729xf32>
    %dot_general3A_25 = tpu.matmul %squeeze3A_24, %concatenate3A, %dot_general3A {dimension_numbers = #tpu.dot_dimension_numbers<[1], [0], [0], [1], [0, 0, 1, 1], [], []>, transpose_lhs_hint = false} : vector<64x256xf32>, vector<256x729xf32>, vector<64x729xf32> -> vector<64x729xf32>
    %add3A = arith.addf %broadcast_in_dim3A_8, %dot_general3A_25 : vector<64x729xf32>
    %slice3A_26 = vector.extract_strided_slice %get3A_3 {offsets = [0, 0, 0, 1], sizes = [1, 1, 32, 729], strides = [1, 1, 1, 1]} : vector<8x2x32x820xf32> to vector<1x1x32x729xf32>
    %squeeze3A_27 = vector.shape_cast %slice3A_26 : vector<1x1x32x729xf32> to vector<32x729xf32>
    %slice3A_28 = vector.extract_strided_slice %get3A_3 {offsets = [1, 0, 0, 1], sizes = [1, 1, 32, 729], strides = [1, 1, 1, 1]} : vector<8x2x32x820xf32> to vector<1x1x32x729xf32>
    %squeeze3A_29 = vector.shape_cast %slice3A_28 : vector<1x1x32x729xf32> to vector<32x729xf32>
    %slice3A_30 = vector.extract_strided_slice %get3A_3 {offsets = [2, 0, 0, 1], sizes = [1, 1, 32, 729], strides = [1, 1, 1, 1]} : vector<8x2x32x820xf32> to vector<1x1x32x729xf32>
    %squeeze3A_31 = vector.shape_cast %slice3A_30 : vector<1x1x32x729xf32> to vector<32x729xf32>
    %slice3A_32 = vector.extract_strided_slice %get3A_3 {offsets = [3, 0, 0, 1], sizes = [1, 1, 32, 729], strides = [1, 1, 1, 1]} : vector<8x2x32x820xf32> to vector<1x1x32x729xf32>
    %squeeze3A_33 = vector.shape_cast %slice3A_32 : vector<1x1x32x729xf32> to vector<32x729xf32>
    %slice3A_34 = vector.extract_strided_slice %get3A_3 {offsets = [4, 0, 0, 1], sizes = [1, 1, 32, 729], strides = [1, 1, 1, 1]} : vector<8x2x32x820xf32> to vector<1x1x32x729xf32>
    %squeeze3A_35 = vector.shape_cast %slice3A_34 : vector<1x1x32x729xf32> to vector<32x729xf32>
    %slice3A_36 = vector.extract_strided_slice %get3A_3 {offsets = [5, 0, 0, 1], sizes = [1, 1, 32, 729], strides = [1, 1, 1, 1]} : vector<8x2x32x820xf32> to vector<1x1x32x729xf32>
    %squeeze3A_37 = vector.shape_cast %slice3A_36 : vector<1x1x32x729xf32> to vector<32x729xf32>
    %slice3A_38 = vector.extract_strided_slice %get3A_3 {offsets = [6, 0, 0, 1], sizes = [1, 1, 32, 729], strides = [1, 1, 1, 1]} : vector<8x2x32x820xf32> to vector<1x1x32x729xf32>
    %squeeze3A_39 = vector.shape_cast %slice3A_38 : vector<1x1x32x729xf32> to vector<32x729xf32>
    %slice3A_40 = vector.extract_strided_slice %get3A_3 {offsets = [7, 0, 0, 1], sizes = [1, 1, 32, 729], strides = [1, 1, 1, 1]} : vector<8x2x32x820xf32> to vector<1x1x32x729xf32>
    %squeeze3A_41 = vector.shape_cast %slice3A_40 : vector<1x1x32x729xf32> to vector<32x729xf32>
    %concatenate3A_42 = tpu.concatenate %squeeze3A_27, %squeeze3A_29, %squeeze3A_31, %squeeze3A_33, %squeeze3A_35, %squeeze3A_37, %squeeze3A_39, %squeeze3A_41 in 0 : vector<32x729xf32>, vector<32x729xf32>, vector<32x729xf32>, vector<32x729xf32>, vector<32x729xf32>, vector<32x729xf32>, vector<32x729xf32>, vector<32x729xf32> -> vector<256x729xf32>
    %slice3A_43 = vector.extract_strided_slice %get3A_7 {offsets = [1, 0, 0], sizes = [1, 64, 256], strides = [1, 1, 1]} : vector<8x64x256xf32> to vector<1x64x256xf32>
    %squeeze3A_44 = vector.shape_cast %slice3A_43 : vector<1x64x256xf32> to vector<64x256xf32>
    %dot_general3A_45 = arith.constant dense<0.000000e+00> : vector<64x729xf32>
    %dot_general3A_46 = tpu.matmul %squeeze3A_44, %concatenate3A_42, %dot_general3A_45 {dimension_numbers = #tpu.dot_dimension_numbers<[1], [0], [0], [1], [0, 0, 1, 1], [], []>, transpose_lhs_hint = false} : vector<64x256xf32>, vector<256x729xf32>, vector<64x729xf32> -> vector<64x729xf32>
    %add3A_47 = arith.addf %add3A, %dot_general3A_46 : vector<64x729xf32>
    %slice3A_48 = vector.extract_strided_slice %get3A_3 {offsets = [0, 0, 0, 9], sizes = [1, 1, 32, 729], strides = [1, 1, 1, 1]} : vector<8x2x32x820xf32> to vector<1x1x32x729xf32>
    %squeeze3A_49 = vector.shape_cast %slice3A_48 : vector<1x1x32x729xf32> to vector<32x729xf32>
    %slice3A_50 = vector.extract_strided_slice %get3A_3 {offsets = [1, 0, 0, 9], sizes = [1, 1, 32, 729], strides = [1, 1, 1, 1]} : vector<8x2x32x820xf32> to vector<1x1x32x729xf32>
    %squeeze3A_51 = vector.shape_cast %slice3A_50 : vector<1x1x32x729xf32> to vector<32x729xf32>
    %slice3A_52 = vector.extract_strided_slice %get3A_3 {offsets = [2, 0, 0, 9], sizes = [1, 1, 32, 729], strides = [1, 1, 1, 1]} : vector<8x2x32x820xf32> to vector<1x1x32x729xf32>
    %squeeze3A_53 = vector.shape_cast %slice3A_52 : vector<1x1x32x729xf32> to vector<32x729xf32>
    %slice3A_54 = vector.extract_strided_slice %get3A_3 {offsets = [3, 0, 0, 9], sizes = [1, 1, 32, 729], strides = [1, 1, 1, 1]} : vector<8x2x32x820xf32> to vector<1x1x32x729xf32>
    %squeeze3A_55 = vector.shape_cast %slice3A_54 : vector<1x1x32x729xf32> to vector<32x729xf32>
    %slice3A_56 = vector.extract_strided_slice %get3A_3 {offsets = [4, 0, 0, 9], sizes = [1, 1, 32, 729], strides = [1, 1, 1, 1]} : vector<8x2x32x820xf32> to vector<1x1x32x729xf32>
    %squeeze3A_57 = vector.shape_cast %slice3A_56 : vector<1x1x32x729xf32> to vector<32x729xf32>
    %slice3A_58 = vector.extract_strided_slice %get3A_3 {offsets = [5, 0, 0, 9], sizes = [1, 1, 32, 729], strides = [1, 1, 1, 1]} : vector<8x2x32x820xf32> to vector<1x1x32x729xf32>
    %squeeze3A_59 = vector.shape_cast %slice3A_58 : vector<1x1x32x729xf32> to vector<32x729xf32>
    %slice3A_60 = vector.extract_strided_slice %get3A_3 {offsets = [6, 0, 0, 9], sizes = [1, 1, 32, 729], strides = [1, 1, 1, 1]} : vector<8x2x32x820xf32> to vector<1x1x32x729xf32>
    %squeeze3A_61 = vector.shape_cast %slice3A_60 : vector<1x1x32x729xf32> to vector<32x729xf32>
    %slice3A_62 = vector.extract_strided_slice %get3A_3 {offsets = [7, 0, 0, 9], sizes = [1, 1, 32, 729], strides = [1, 1, 1, 1]} : vector<8x2x32x820xf32> to vector<1x1x32x729xf32>
    %squeeze3A_63 = vector.shape_cast %slice3A_62 : vector<1x1x32x729xf32> to vector<32x729xf32>
    %concatenate3A_64 = tpu.concatenate %squeeze3A_49, %squeeze3A_51, %squeeze3A_53, %squeeze3A_55, %squeeze3A_57, %squeeze3A_59, %squeeze3A_61, %squeeze3A_63 in 0 : vector<32x729xf32>, vector<32x729xf32>, vector<32x729xf32>, vector<32x729xf32>, vector<32x729xf32>, vector<32x729xf32>, vector<32x729xf32>, vector<32x729xf32> -> vector<256x729xf32>
    %slice3A_65 = vector.extract_strided_slice %get3A_7 {offsets = [2, 0, 0], sizes = [1, 64, 256], strides = [1, 1, 1]} : vector<8x64x256xf32> to vector<1x64x256xf32>
    %squeeze3A_66 = vector.shape_cast %slice3A_65 : vector<1x64x256xf32> to vector<64x256xf32>
    %dot_general3A_67 = arith.constant dense<0.000000e+00> : vector<64x729xf32>
    %dot_general3A_68 = tpu.matmul %squeeze3A_66, %concatenate3A_64, %dot_general3A_67 {dimension_numbers = #tpu.dot_dimension_numbers<[1], [0], [0], [1], [0, 0, 1, 1], [], []>, transpose_lhs_hint = false} : vector<64x256xf32>, vector<256x729xf32>, vector<64x729xf32> -> vector<64x729xf32>
    %add3A_69 = arith.addf %add3A_47, %dot_general3A_68 : vector<64x729xf32>
    %slice3A_70 = vector.extract_strided_slice %get3A_3 {offsets = [0, 0, 0, 10], sizes = [1, 1, 32, 729], strides = [1, 1, 1, 1]} : vector<8x2x32x820xf32> to vector<1x1x32x729xf32>
    %squeeze3A_71 = vector.shape_cast %slice3A_70 : vector<1x1x32x729xf32> to vector<32x729xf32>
    %slice3A_72 = vector.extract_strided_slice %get3A_3 {offsets = [1, 0, 0, 10], sizes = [1, 1, 32, 729], strides = [1, 1, 1, 1]} : vector<8x2x32x820xf32> to vector<1x1x32x729xf32>
    %squeeze3A_73 = vector.shape_cast %slice3A_72 : vector<1x1x32x729xf32> to vector<32x729xf32>
    %slice3A_74 = vector.extract_strided_slice %get3A_3 {offsets = [2, 0, 0, 10], sizes = [1, 1, 32, 729], strides = [1, 1, 1, 1]} : vector<8x2x32x820xf32> to vector<1x1x32x729xf32>
    %squeeze3A_75 = vector.shape_cast %slice3A_74 : vector<1x1x32x729xf32> to vector<32x729xf32>
    %slice3A_76 = vector.extract_strided_slice %get3A_3 {offsets = [3, 0, 0, 10], sizes = [1, 1, 32, 729], strides = [1, 1, 1, 1]} : vector<8x2x32x820xf32> to vector<1x1x32x729xf32>
    %squeeze3A_77 = vector.shape_cast %slice3A_76 : vector<1x1x32x729xf32> to vector<32x729xf32>
    %slice3A_78 = vector.extract_strided_slice %get3A_3 {offsets = [4, 0, 0, 10], sizes = [1, 1, 32, 729], strides = [1, 1, 1, 1]} : vector<8x2x32x820xf32> to vector<1x1x32x729xf32>
    %squeeze3A_79 = vector.shape_cast %slice3A_78 : vector<1x1x32x729xf32> to vector<32x729xf32>
    %slice3A_80 = vector.extract_strided_slice %get3A_3 {offsets = [5, 0, 0, 10], sizes = [1, 1, 32, 729], strides = [1, 1, 1, 1]} : vector<8x2x32x820xf32> to vector<1x1x32x729xf32>
    %squeeze3A_81 = vector.shape_cast %slice3A_80 : vector<1x1x32x729xf32> to vector<32x729xf32>
    %slice3A_82 = vector.extract_strided_slice %get3A_3 {offsets = [6, 0, 0, 10], sizes = [1, 1, 32, 729], strides = [1, 1, 1, 1]} : vector<8x2x32x820xf32> to vector<1x1x32x729xf32>
    %squeeze3A_83 = vector.shape_cast %slice3A_82 : vector<1x1x32x729xf32> to vector<32x729xf32>
    %slice3A_84 = vector.extract_strided_slice %get3A_3 {offsets = [7, 0, 0, 10], sizes = [1, 1, 32, 729], strides = [1, 1, 1, 1]} : vector<8x2x32x820xf32> to vector<1x1x32x729xf32>
    %squeeze3A_85 = vector.shape_cast %slice3A_84 : vector<1x1x32x729xf32> to vector<32x729xf32>
    %concatenate3A_86 = tpu.concatenate %squeeze3A_71, %squeeze3A_73, %squeeze3A_75, %squeeze3A_77, %squeeze3A_79, %squeeze3A_81, %squeeze3A_83, %squeeze3A_85 in 0 : vector<32x729xf32>, vector<32x729xf32>, vector<32x729xf32>, vector<32x729xf32>, vector<32x729xf32>, vector<32x729xf32>, vector<32x729xf32>, vector<32x729xf32> -> vector<256x729xf32>
    %slice3A_87 = vector.extract_strided_slice %get3A_7 {offsets = [3, 0, 0], sizes = [1, 64, 256], strides = [1, 1, 1]} : vector<8x64x256xf32> to vector<1x64x256xf32>
    %squeeze3A_88 = vector.shape_cast %slice3A_87 : vector<1x64x256xf32> to vector<64x256xf32>
    %dot_general3A_89 = arith.constant dense<0.000000e+00> : vector<64x729xf32>
    %dot_general3A_90 = tpu.matmul %squeeze3A_88, %concatenate3A_86, %dot_general3A_89 {dimension_numbers = #tpu.dot_dimension_numbers<[1], [0], [0], [1], [0, 0, 1, 1], [], []>, transpose_lhs_hint = false} : vector<64x256xf32>, vector<256x729xf32>, vector<64x729xf32> -> vector<64x729xf32>
    %add3A_91 = arith.addf %add3A_69, %dot_general3A_90 : vector<64x729xf32>
    %slice3A_92 = vector.extract_strided_slice %get3A_3 {offsets = [0, 0, 0, 81], sizes = [1, 1, 32, 729], strides = [1, 1, 1, 1]} : vector<8x2x32x820xf32> to vector<1x1x32x729xf32>
    %squeeze3A_93 = vector.shape_cast %slice3A_92 : vector<1x1x32x729xf32> to vector<32x729xf32>
    %slice3A_94 = vector.extract_strided_slice %get3A_3 {offsets = [1, 0, 0, 81], sizes = [1, 1, 32, 729], strides = [1, 1, 1, 1]} : vector<8x2x32x820xf32> to vector<1x1x32x729xf32>
    %squeeze3A_95 = vector.shape_cast %slice3A_94 : vector<1x1x32x729xf32> to vector<32x729xf32>
    %slice3A_96 = vector.extract_strided_slice %get3A_3 {offsets = [2, 0, 0, 81], sizes = [1, 1, 32, 729], strides = [1, 1, 1, 1]} : vector<8x2x32x820xf32> to vector<1x1x32x729xf32>
    %squeeze3A_97 = vector.shape_cast %slice3A_96 : vector<1x1x32x729xf32> to vector<32x729xf32>
    %slice3A_98 = vector.extract_strided_slice %get3A_3 {offsets = [3, 0, 0, 81], sizes = [1, 1, 32, 729], strides = [1, 1, 1, 1]} : vector<8x2x32x820xf32> to vector<1x1x32x729xf32>
    %squeeze3A_99 = vector.shape_cast %slice3A_98 : vector<1x1x32x729xf32> to vector<32x729xf32>
    %slice3A_100 = vector.extract_strided_slice %get3A_3 {offsets = [4, 0, 0, 81], sizes = [1, 1, 32, 729], strides = [1, 1, 1, 1]} : vector<8x2x32x820xf32> to vector<1x1x32x729xf32>
    %squeeze3A_101 = vector.shape_cast %slice3A_100 : vector<1x1x32x729xf32> to vector<32x729xf32>
    %slice3A_102 = vector.extract_strided_slice %get3A_3 {offsets = [5, 0, 0, 81], sizes = [1, 1, 32, 729], strides = [1, 1, 1, 1]} : vector<8x2x32x820xf32> to vector<1x1x32x729xf32>
    %squeeze3A_103 = vector.shape_cast %slice3A_102 : vector<1x1x32x729xf32> to vector<32x729xf32>
    %slice3A_104 = vector.extract_strided_slice %get3A_3 {offsets = [6, 0, 0, 81], sizes = [1, 1, 32, 729], strides = [1, 1, 1, 1]} : vector<8x2x32x820xf32> to vector<1x1x32x729xf32>
    %squeeze3A_105 = vector.shape_cast %slice3A_104 : vector<1x1x32x729xf32> to vector<32x729xf32>
    %slice3A_106 = vector.extract_strided_slice %get3A_3 {offsets = [7, 0, 0, 81], sizes = [1, 1, 32, 729], strides = [1, 1, 1, 1]} : vector<8x2x32x820xf32> to vector<1x1x32x729xf32>
    %squeeze3A_107 = vector.shape_cast %slice3A_106 : vector<1x1x32x729xf32> to vector<32x729xf32>
    %concatenate3A_108 = tpu.concatenate %squeeze3A_93, %squeeze3A_95, %squeeze3A_97, %squeeze3A_99, %squeeze3A_101, %squeeze3A_103, %squeeze3A_105, %squeeze3A_107 in 0 : vector<32x729xf32>, vector<32x729xf32>, vector<32x729xf32>, vector<32x729xf32>, vector<32x729xf32>, vector<32x729xf32>, vector<32x729xf32>, vector<32x729xf32> -> vector<256x729xf32>
    %slice3A_109 = vector.extract_strided_slice %get3A_7 {offsets = [4, 0, 0], sizes = [1, 64, 256], strides = [1, 1, 1]} : vector<8x64x256xf32> to vector<1x64x256xf32>
    %squeeze3A_110 = vector.shape_cast %slice3A_109 : vector<1x64x256xf32> to vector<64x256xf32>
    %dot_general3A_111 = arith.constant dense<0.000000e+00> : vector<64x729xf32>
    %dot_general3A_112 = tpu.matmul %squeeze3A_110, %concatenate3A_108, %dot_general3A_111 {dimension_numbers = #tpu.dot_dimension_numbers<[1], [0], [0], [1], [0, 0, 1, 1], [], []>, transpose_lhs_hint = false} : vector<64x256xf32>, vector<256x729xf32>, vector<64x729xf32> -> vector<64x729xf32>
    %add3A_113 = arith.addf %add3A_91, %dot_general3A_112 : vector<64x729xf32>
    %slice3A_114 = vector.extract_strided_slice %get3A_3 {offsets = [0, 0, 0, 82], sizes = [1, 1, 32, 729], strides = [1, 1, 1, 1]} : vector<8x2x32x820xf32> to vector<1x1x32x729xf32>
    %squeeze3A_115 = vector.shape_cast %slice3A_114 : vector<1x1x32x729xf32> to vector<32x729xf32>
    %slice3A_116 = vector.extract_strided_slice %get3A_3 {offsets = [1, 0, 0, 82], sizes = [1, 1, 32, 729], strides = [1, 1, 1, 1]} : vector<8x2x32x820xf32> to vector<1x1x32x729xf32>
    %squeeze3A_117 = vector.shape_cast %slice3A_116 : vector<1x1x32x729xf32> to vector<32x729xf32>
    %slice3A_118 = vector.extract_strided_slice %get3A_3 {offsets = [2, 0, 0, 82], sizes = [1, 1, 32, 729], strides = [1, 1, 1, 1]} : vector<8x2x32x820xf32> to vector<1x1x32x729xf32>
    %squeeze3A_119 = vector.shape_cast %slice3A_118 : vector<1x1x32x729xf32> to vector<32x729xf32>
    %slice3A_120 = vector.extract_strided_slice %get3A_3 {offsets = [3, 0, 0, 82], sizes = [1, 1, 32, 729], strides = [1, 1, 1, 1]} : vector<8x2x32x820xf32> to vector<1x1x32x729xf32>
    %squeeze3A_121 = vector.shape_cast %slice3A_120 : vector<1x1x32x729xf32> to vector<32x729xf32>
    %slice3A_122 = vector.extract_strided_slice %get3A_3 {offsets = [4, 0, 0, 82], sizes = [1, 1, 32, 729], strides = [1, 1, 1, 1]} : vector<8x2x32x820xf32> to vector<1x1x32x729xf32>
    %squeeze3A_123 = vector.shape_cast %slice3A_122 : vector<1x1x32x729xf32> to vector<32x729xf32>
    %slice3A_124 = vector.extract_strided_slice %get3A_3 {offsets = [5, 0, 0, 82], sizes = [1, 1, 32, 729], strides = [1, 1, 1, 1]} : vector<8x2x32x820xf32> to vector<1x1x32x729xf32>
    %squeeze3A_125 = vector.shape_cast %slice3A_124 : vector<1x1x32x729xf32> to vector<32x729xf32>
    %slice3A_126 = vector.extract_strided_slice %get3A_3 {offsets = [6, 0, 0, 82], sizes = [1, 1, 32, 729], strides = [1, 1, 1, 1]} : vector<8x2x32x820xf32> to vector<1x1x32x729xf32>
    %squeeze3A_127 = vector.shape_cast %slice3A_126 : vector<1x1x32x729xf32> to vector<32x729xf32>
    %slice3A_128 = vector.extract_strided_slice %get3A_3 {offsets = [7, 0, 0, 82], sizes = [1, 1, 32, 729], strides = [1, 1, 1, 1]} : vector<8x2x32x820xf32> to vector<1x1x32x729xf32>
    %squeeze3A_129 = vector.shape_cast %slice3A_128 : vector<1x1x32x729xf32> to vector<32x729xf32>
    %concatenate3A_130 = tpu.concatenate %squeeze3A_115, %squeeze3A_117, %squeeze3A_119, %squeeze3A_121, %squeeze3A_123, %squeeze3A_125, %squeeze3A_127, %squeeze3A_129 in 0 : vector<32x729xf32>, vector<32x729xf32>, vector<32x729xf32>, vector<32x729xf32>, vector<32x729xf32>, vector<32x729xf32>, vector<32x729xf32>, vector<32x729xf32> -> vector<256x729xf32>
    %slice3A_131 = vector.extract_strided_slice %get3A_7 {offsets = [5, 0, 0], sizes = [1, 64, 256], strides = [1, 1, 1]} : vector<8x64x256xf32> to vector<1x64x256xf32>
    %squeeze3A_132 = vector.shape_cast %slice3A_131 : vector<1x64x256xf32> to vector<64x256xf32>
    %dot_general3A_133 = arith.constant dense<0.000000e+00> : vector<64x729xf32>
    %dot_general3A_134 = tpu.matmul %squeeze3A_132, %concatenate3A_130, %dot_general3A_133 {dimension_numbers = #tpu.dot_dimension_numbers<[1], [0], [0], [1], [0, 0, 1, 1], [], []>, transpose_lhs_hint = false} : vector<64x256xf32>, vector<256x729xf32>, vector<64x729xf32> -> vector<64x729xf32>
    %add3A_135 = arith.addf %add3A_113, %dot_general3A_134 : vector<64x729xf32>
    %slice3A_136 = vector.extract_strided_slice %get3A_3 {offsets = [0, 0, 0, 90], sizes = [1, 1, 32, 729], strides = [1, 1, 1, 1]} : vector<8x2x32x820xf32> to vector<1x1x32x729xf32>
    %squeeze3A_137 = vector.shape_cast %slice3A_136 : vector<1x1x32x729xf32> to vector<32x729xf32>
    %slice3A_138 = vector.extract_strided_slice %get3A_3 {offsets = [1, 0, 0, 90], sizes = [1, 1, 32, 729], strides = [1, 1, 1, 1]} : vector<8x2x32x820xf32> to vector<1x1x32x729xf32>
    %squeeze3A_139 = vector.shape_cast %slice3A_138 : vector<1x1x32x729xf32> to vector<32x729xf32>
    %slice3A_140 = vector.extract_strided_slice %get3A_3 {offsets = [2, 0, 0, 90], sizes = [1, 1, 32, 729], strides = [1, 1, 1, 1]} : vector<8x2x32x820xf32> to vector<1x1x32x729xf32>
    %squeeze3A_141 = vector.shape_cast %slice3A_140 : vector<1x1x32x729xf32> to vector<32x729xf32>
    %slice3A_142 = vector.extract_strided_slice %get3A_3 {offsets = [3, 0, 0, 90], sizes = [1, 1, 32, 729], strides = [1, 1, 1, 1]} : vector<8x2x32x820xf32> to vector<1x1x32x729xf32>
    %squeeze3A_143 = vector.shape_cast %slice3A_142 : vector<1x1x32x729xf32> to vector<32x729xf32>
    %slice3A_144 = vector.extract_strided_slice %get3A_3 {offsets = [4, 0, 0, 90], sizes = [1, 1, 32, 729], strides = [1, 1, 1, 1]} : vector<8x2x32x820xf32> to vector<1x1x32x729xf32>
    %squeeze3A_145 = vector.shape_cast %slice3A_144 : vector<1x1x32x729xf32> to vector<32x729xf32>
    %slice3A_146 = vector.extract_strided_slice %get3A_3 {offsets = [5, 0, 0, 90], sizes = [1, 1, 32, 729], strides = [1, 1, 1, 1]} : vector<8x2x32x820xf32> to vector<1x1x32x729xf32>
    %squeeze3A_147 = vector.shape_cast %slice3A_146 : vector<1x1x32x729xf32> to vector<32x729xf32>
    %slice3A_148 = vector.extract_strided_slice %get3A_3 {offsets = [6, 0, 0, 90], sizes = [1, 1, 32, 729], strides = [1, 1, 1, 1]} : vector<8x2x32x820xf32> to vector<1x1x32x729xf32>
    %squeeze3A_149 = vector.shape_cast %slice3A_148 : vector<1x1x32x729xf32> to vector<32x729xf32>
    %slice3A_150 = vector.extract_strided_slice %get3A_3 {offsets = [7, 0, 0, 90], sizes = [1, 1, 32, 729], strides = [1, 1, 1, 1]} : vector<8x2x32x820xf32> to vector<1x1x32x729xf32>
    %squeeze3A_151 = vector.shape_cast %slice3A_150 : vector<1x1x32x729xf32> to vector<32x729xf32>
    %concatenate3A_152 = tpu.concatenate %squeeze3A_137, %squeeze3A_139, %squeeze3A_141, %squeeze3A_143, %squeeze3A_145, %squeeze3A_147, %squeeze3A_149, %squeeze3A_151 in 0 : vector<32x729xf32>, vector<32x729xf32>, vector<32x729xf32>, vector<32x729xf32>, vector<32x729xf32>, vector<32x729xf32>, vector<32x729xf32>, vector<32x729xf32> -> vector<256x729xf32>
    %slice3A_153 = vector.extract_strided_slice %get3A_7 {offsets = [6, 0, 0], sizes = [1, 64, 256], strides = [1, 1, 1]} : vector<8x64x256xf32> to vector<1x64x256xf32>
    %squeeze3A_154 = vector.shape_cast %slice3A_153 : vector<1x64x256xf32> to vector<64x256xf32>
    %dot_general3A_155 = arith.constant dense<0.000000e+00> : vector<64x729xf32>
    %dot_general3A_156 = tpu.matmul %squeeze3A_154, %concatenate3A_152, %dot_general3A_155 {dimension_numbers = #tpu.dot_dimension_numbers<[1], [0], [0], [1], [0, 0, 1, 1], [], []>, transpose_lhs_hint = false} : vector<64x256xf32>, vector<256x729xf32>, vector<64x729xf32> -> vector<64x729xf32>
    %add3A_157 = arith.addf %add3A_135, %dot_general3A_156 : vector<64x729xf32>
    %slice3A_158 = vector.extract_strided_slice %get3A_3 {offsets = [0, 0, 0, 91], sizes = [1, 1, 32, 729], strides = [1, 1, 1, 1]} : vector<8x2x32x820xf32> to vector<1x1x32x729xf32>
    %squeeze3A_159 = vector.shape_cast %slice3A_158 : vector<1x1x32x729xf32> to vector<32x729xf32>
    %slice3A_160 = vector.extract_strided_slice %get3A_3 {offsets = [1, 0, 0, 91], sizes = [1, 1, 32, 729], strides = [1, 1, 1, 1]} : vector<8x2x32x820xf32> to vector<1x1x32x729xf32>
    %squeeze3A_161 = vector.shape_cast %slice3A_160 : vector<1x1x32x729xf32> to vector<32x729xf32>
    %slice3A_162 = vector.extract_strided_slice %get3A_3 {offsets = [2, 0, 0, 91], sizes = [1, 1, 32, 729], strides = [1, 1, 1, 1]} : vector<8x2x32x820xf32> to vector<1x1x32x729xf32>
    %squeeze3A_163 = vector.shape_cast %slice3A_162 : vector<1x1x32x729xf32> to vector<32x729xf32>
    %slice3A_164 = vector.extract_strided_slice %get3A_3 {offsets = [3, 0, 0, 91], sizes = [1, 1, 32, 729], strides = [1, 1, 1, 1]} : vector<8x2x32x820xf32> to vector<1x1x32x729xf32>
    %squeeze3A_165 = vector.shape_cast %slice3A_164 : vector<1x1x32x729xf32> to vector<32x729xf32>
    %slice3A_166 = vector.extract_strided_slice %get3A_3 {offsets = [4, 0, 0, 91], sizes = [1, 1, 32, 729], strides = [1, 1, 1, 1]} : vector<8x2x32x820xf32> to vector<1x1x32x729xf32>
    %squeeze3A_167 = vector.shape_cast %slice3A_166 : vector<1x1x32x729xf32> to vector<32x729xf32>
    %slice3A_168 = vector.extract_strided_slice %get3A_3 {offsets = [5, 0, 0, 91], sizes = [1, 1, 32, 729], strides = [1, 1, 1, 1]} : vector<8x2x32x820xf32> to vector<1x1x32x729xf32>
    %squeeze3A_169 = vector.shape_cast %slice3A_168 : vector<1x1x32x729xf32> to vector<32x729xf32>
    %slice3A_170 = vector.extract_strided_slice %get3A_3 {offsets = [6, 0, 0, 91], sizes = [1, 1, 32, 729], strides = [1, 1, 1, 1]} : vector<8x2x32x820xf32> to vector<1x1x32x729xf32>
    %squeeze3A_171 = vector.shape_cast %slice3A_170 : vector<1x1x32x729xf32> to vector<32x729xf32>
    %slice3A_172 = vector.extract_strided_slice %get3A_3 {offsets = [7, 0, 0, 91], sizes = [1, 1, 32, 729], strides = [1, 1, 1, 1]} : vector<8x2x32x820xf32> to vector<1x1x32x729xf32>
    %squeeze3A_173 = vector.shape_cast %slice3A_172 : vector<1x1x32x729xf32> to vector<32x729xf32>
    %concatenate3A_174 = tpu.concatenate %squeeze3A_159, %squeeze3A_161, %squeeze3A_163, %squeeze3A_165, %squeeze3A_167, %squeeze3A_169, %squeeze3A_171, %squeeze3A_173 in 0 : vector<32x729xf32>, vector<32x729xf32>, vector<32x729xf32>, vector<32x729xf32>, vector<32x729xf32>, vector<32x729xf32>, vector<32x729xf32>, vector<32x729xf32> -> vector<256x729xf32>
    %slice3A_175 = vector.extract_strided_slice %get3A_7 {offsets = [7, 0, 0], sizes = [1, 64, 256], strides = [1, 1, 1]} : vector<8x64x256xf32> to vector<1x64x256xf32>
    %squeeze3A_176 = vector.shape_cast %slice3A_175 : vector<1x64x256xf32> to vector<64x256xf32>
    %dot_general3A_177 = arith.constant dense<0.000000e+00> : vector<64x729xf32>
    %dot_general3A_178 = tpu.matmul %squeeze3A_176, %concatenate3A_174, %dot_general3A_177 {dimension_numbers = #tpu.dot_dimension_numbers<[1], [0], [0], [1], [0, 0, 1, 1], [], []>, transpose_lhs_hint = false} : vector<64x256xf32>, vector<256x729xf32>, vector<64x729xf32> -> vector<64x729xf32>
    %add3A_179 = arith.addf %add3A_157, %dot_general3A_178 : vector<64x729xf32>
    %get3A_180 = arith.constant 0 : index
    %get3A_181 = arith.constant 0 : index
    %get3A_182 = vector.load %arg2[%get3A_180, %get3A_181] : memref<64x1xf32, #tpu.memory_space<vmem>>, vector<64x1xf32>
    %add3A_183 = vector.broadcast %get3A_182 : vector<64x1xf32> to vector<64x729xf32>
    %add3A_184 = arith.addf %add3A_179, %add3A_183 : vector<64x729xf32>
    %swap3A = arith.constant 0 : index
    %swap3A_185 = arith.constant 0 : index
    %swap3A_186 = arith.constant 0 : index
    %swap3A_187 = vector.load %arg3[%swap3A, %swap3A_185, %swap3A_186] : memref<64x2x729xf32, #tpu.memory_space<vmem>>, vector<64x1x729xf32>
    %swap3A_188 = vector.shape_cast %swap3A_187 : vector<64x1x729xf32> to vector<64x729xf32>
    %swap3A_189 = vector.shape_cast %add3A_184 : vector<64x729xf32> to vector<64x1x729xf32>
    tpu.vector_store %arg3[%swap3A, %swap3A_185, %swap3A_186], %swap3A_189 {strides = array<i32>} : memref<64x2x729xf32, #tpu.memory_space<vmem>>, vector<64x1x729xf32>,
    %broadcast_in_dim3A_190 = arith.constant 0.000000e+00 : f32
    %broadcast_in_dim3A_191 = vector.broadcast %broadcast_in_dim3A_190 : f32 to vector<64x729xf32>
    %slice3A_192 = vector.extract_strided_slice %get3A_3 {offsets = [0, 1, 0, 0], sizes = [1, 1, 32, 729], strides = [1, 1, 1, 1]} : vector<8x2x32x820xf32> to vector<1x1x32x729xf32>
    %squeeze3A_193 = vector.shape_cast %slice3A_192 : vector<1x1x32x729xf32> to vector<32x729xf32>
    %slice3A_194 = vector.extract_strided_slice %get3A_3 {offsets = [1, 1, 0, 0], sizes = [1, 1, 32, 729], strides = [1, 1, 1, 1]} : vector<8x2x32x820xf32> to vector<1x1x32x729xf32>
    %squeeze3A_195 = vector.shape_cast %slice3A_194 : vector<1x1x32x729xf32> to vector<32x729xf32>
    %slice3A_196 = vector.extract_strided_slice %get3A_3 {offsets = [2, 1, 0, 0], sizes = [1, 1, 32, 729], strides = [1, 1, 1, 1]} : vector<8x2x32x820xf32> to vector<1x1x32x729xf32>
    %squeeze3A_197 = vector.shape_cast %slice3A_196 : vector<1x1x32x729xf32> to vector<32x729xf32>
    %slice3A_198 = vector.extract_strided_slice %get3A_3 {offsets = [3, 1, 0, 0], sizes = [1, 1, 32, 729], strides = [1, 1, 1, 1]} : vector<8x2x32x820xf32> to vector<1x1x32x729xf32>
    %squeeze3A_199 = vector.shape_cast %slice3A_198 : vector<1x1x32x729xf32> to vector<32x729xf32>
    %slice3A_200 = vector.extract_strided_slice %get3A_3 {offsets = [4, 1, 0, 0], sizes = [1, 1, 32, 729], strides = [1, 1, 1, 1]} : vector<8x2x32x820xf32> to vector<1x1x32x729xf32>
    %squeeze3A_201 = vector.shape_cast %slice3A_200 : vector<1x1x32x729xf32> to vector<32x729xf32>
    %slice3A_202 = vector.extract_strided_slice %get3A_3 {offsets = [5, 1, 0, 0], sizes = [1, 1, 32, 729], strides = [1, 1, 1, 1]} : vector<8x2x32x820xf32> to vector<1x1x32x729xf32>
    %squeeze3A_203 = vector.shape_cast %slice3A_202 : vector<1x1x32x729xf32> to vector<32x729xf32>
    %slice3A_204 = vector.extract_strided_slice %get3A_3 {offsets = [6, 1, 0, 0], sizes = [1, 1, 32, 729], strides = [1, 1, 1, 1]} : vector<8x2x32x820xf32> to vector<1x1x32x729xf32>
    %squeeze3A_205 = vector.shape_cast %slice3A_204 : vector<1x1x32x729xf32> to vector<32x729xf32>
    %slice3A_206 = vector.extract_strided_slice %get3A_3 {offsets = [7, 1, 0, 0], sizes = [1, 1, 32, 729], strides = [1, 1, 1, 1]} : vector<8x2x32x820xf32> to vector<1x1x32x729xf32>
    %squeeze3A_207 = vector.shape_cast %slice3A_206 : vector<1x1x32x729xf32> to vector<32x729xf32>
    %concatenate3A_208 = tpu.concatenate %squeeze3A_193, %squeeze3A_195, %squeeze3A_197, %squeeze3A_199, %squeeze3A_201, %squeeze3A_203, %squeeze3A_205, %squeeze3A_207 in 0 : vector<32x729xf32>, vector<32x729xf32>, vector<32x729xf32>, vector<32x729xf32>, vector<32x729xf32>, vector<32x729xf32>, vector<32x729xf32>, vector<32x729xf32> -> vector<256x729xf32>
    %slice3A_209 = vector.extract_strided_slice %get3A_7 {offsets = [0, 0, 0], sizes = [1, 64, 256], strides = [1, 1, 1]} : vector<8x64x256xf32> to vector<1x64x256xf32>
    %squeeze3A_210 = vector.shape_cast %slice3A_209 : vector<1x64x256xf32> to vector<64x256xf32>
    %dot_general3A_211 = arith.constant dense<0.000000e+00> : vector<64x729xf32>
    %dot_general3A_212 = tpu.matmul %squeeze3A_210, %concatenate3A_208, %dot_general3A_211 {dimension_numbers = #tpu.dot_dimension_numbers<[1], [0], [0], [1], [0, 0, 1, 1], [], []>, transpose_lhs_hint = false} : vector<64x256xf32>, vector<256x729xf32>, vector<64x729xf32> -> vector<64x729xf32>
    %add3A_213 = arith.addf %broadcast_in_dim3A_191, %dot_general3A_212 : vector<64x729xf32>
    %slice3A_214 = vector.extract_strided_slice %get3A_3 {offsets = [0, 1, 0, 1], sizes = [1, 1, 32, 729], strides = [1, 1, 1, 1]} : vector<8x2x32x820xf32> to vector<1x1x32x729xf32>
    %squeeze3A_215 = vector.shape_cast %slice3A_214 : vector<1x1x32x729xf32> to vector<32x729xf32>
    %slice3A_216 = vector.extract_strided_slice %get3A_3 {offsets = [1, 1, 0, 1], sizes = [1, 1, 32, 729], strides = [1, 1, 1, 1]} : vector<8x2x32x820xf32> to vector<1x1x32x729xf32>
    %squeeze3A_217 = vector.shape_cast %slice3A_216 : vector<1x1x32x729xf32> to vector<32x729xf32>
    %slice3A_218 = vector.extract_strided_slice %get3A_3 {offsets = [2, 1, 0, 1], sizes = [1, 1, 32, 729], strides = [1, 1, 1, 1]} : vector<8x2x32x820xf32> to vector<1x1x32x729xf32>
    %squeeze3A_219 = vector.shape_cast %slice3A_218 : vector<1x1x32x729xf32> to vector<32x729xf32>
    %slice3A_220 = vector.extract_strided_slice %get3A_3 {offsets = [3, 1, 0, 1], sizes = [1, 1, 32, 729], strides = [1, 1, 1, 1]} : vector<8x2x32x820xf32> to vector<1x1x32x729xf32>
    %squeeze3A_221 = vector.shape_cast %slice3A_220 : vector<1x1x32x729xf32> to vector<32x729xf32>
    %slice3A_222 = vector.extract_strided_slice %get3A_3 {offsets = [4, 1, 0, 1], sizes = [1, 1, 32, 729], strides = [1, 1, 1, 1]} : vector<8x2x32x820xf32> to vector<1x1x32x729xf32>
    %squeeze3A_223 = vector.shape_cast %slice3A_222 : vector<1x1x32x729xf32> to vector<32x729xf32>
    %slice3A_224 = vector.extract_strided_slice %get3A_3 {offsets = [5, 1, 0, 1], sizes = [1, 1, 32, 729], strides = [1, 1, 1, 1]} : vector<8x2x32x820xf32> to vector<1x1x32x729xf32>
    %squeeze3A_225 = vector.shape_cast %slice3A_224 : vector<1x1x32x729xf32> to vector<32x729xf32>
    %slice3A_226 = vector.extract_strided_slice %get3A_3 {offsets = [6, 1, 0, 1], sizes = [1, 1, 32, 729], strides = [1, 1, 1, 1]} : vector<8x2x32x820xf32> to vector<1x1x32x729xf32>
    %squeeze3A_227 = vector.shape_cast %slice3A_226 : vector<1x1x32x729xf32> to vector<32x729xf32>
    %slice3A_228 = vector.extract_strided_slice %get3A_3 {offsets = [7, 1, 0, 1], sizes = [1, 1, 32, 729], strides = [1, 1, 1, 1]} : vector<8x2x32x820xf32> to vector<1x1x32x729xf32>
    %squeeze3A_229 = vector.shape_cast %slice3A_228 : vector<1x1x32x729xf32> to vector<32x729xf32>
    %concatenate3A_230 = tpu.concatenate %squeeze3A_215, %squeeze3A_217, %squeeze3A_219, %squeeze3A_221, %squeeze3A_223, %squeeze3A_225, %squeeze3A_227, %squeeze3A_229 in 0 : vector<32x729xf32>, vector<32x729xf32>, vector<32x729xf32>, vector<32x729xf32>, vector<32x729xf32>, vector<32x729xf32>, vector<32x729xf32>, vector<32x729xf32> -> vector<256x729xf32>
    %slice3A_231 = vector.extract_strided_slice %get3A_7 {offsets = [1, 0, 0], sizes = [1, 64, 256], strides = [1, 1, 1]} : vector<8x64x256xf32> to vector<1x64x256xf32>
    %squeeze3A_232 = vector.shape_cast %slice3A_231 : vector<1x64x256xf32> to vector<64x256xf32>
    %dot_general3A_233 = arith.constant dense<0.000000e+00> : vector<64x729xf32>
    %dot_general3A_234 = tpu.matmul %squeeze3A_232, %concatenate3A_230, %dot_general3A_233 {dimension_numbers = #tpu.dot_dimension_numbers<[1], [0], [0], [1], [0, 0, 1, 1], [], []>, transpose_lhs_hint = false} : vector<64x256xf32>, vector<256x729xf32>, vector<64x729xf32> -> vector<64x729xf32>
    %add3A_235 = arith.addf %add3A_213, %dot_general3A_234 : vector<64x729xf32>
    %slice3A_236 = vector.extract_strided_slice %get3A_3 {offsets = [0, 1, 0, 9], sizes = [1, 1, 32, 729], strides = [1, 1, 1, 1]} : vector<8x2x32x820xf32> to vector<1x1x32x729xf32>
    %squeeze3A_237 = vector.shape_cast %slice3A_236 : vector<1x1x32x729xf32> to vector<32x729xf32>
    %slice3A_238 = vector.extract_strided_slice %get3A_3 {offsets = [1, 1, 0, 9], sizes = [1, 1, 32, 729], strides = [1, 1, 1, 1]} : vector<8x2x32x820xf32> to vector<1x1x32x729xf32>
    %squeeze3A_239 = vector.shape_cast %slice3A_238 : vector<1x1x32x729xf32> to vector<32x729xf32>
    %slice3A_240 = vector.extract_strided_slice %get3A_3 {offsets = [2, 1, 0, 9], sizes = [1, 1, 32, 729], strides = [1, 1, 1, 1]} : vector<8x2x32x820xf32> to vector<1x1x32x729xf32>
    %squeeze3A_241 = vector.shape_cast %slice3A_240 : vector<1x1x32x729xf32> to vector<32x729xf32>
    %slice3A_242 = vector.extract_strided_slice %get3A_3 {offsets = [3, 1, 0, 9], sizes = [1, 1, 32, 729], strides = [1, 1, 1, 1]} : vector<8x2x32x820xf32> to vector<1x1x32x729xf32>
    %squeeze3A_243 = vector.shape_cast %slice3A_242 : vector<1x1x32x729xf32> to vector<32x729xf32>
    %slice3A_244 = vector.extract_strided_slice %get3A_3 {offsets = [4, 1, 0, 9], sizes = [1, 1, 32, 729], strides = [1, 1, 1, 1]} : vector<8x2x32x820xf32> to vector<1x1x32x729xf32>
    %squeeze3A_245 = vector.shape_cast %slice3A_244 : vector<1x1x32x729xf32> to vector<32x729xf32>
    %slice3A_246 = vector.extract_strided_slice %get3A_3 {offsets = [5, 1, 0, 9], sizes = [1, 1, 32, 729], strides = [1, 1, 1, 1]} : vector<8x2x32x820xf32> to vector<1x1x32x729xf32>
    %squeeze3A_247 = vector.shape_cast %slice3A_246 : vector<1x1x32x729xf32> to vector<32x729xf32>
    %slice3A_248 = vector.extract_strided_slice %get3A_3 {offsets = [6, 1, 0, 9], sizes = [1, 1, 32, 729], strides = [1, 1, 1, 1]} : vector<8x2x32x820xf32> to vector<1x1x32x729xf32>
    %squeeze3A_249 = vector.shape_cast %slice3A_248 : vector<1x1x32x729xf32> to vector<32x729xf32>
    %slice3A_250 = vector.extract_strided_slice %get3A_3 {offsets = [7, 1, 0, 9], sizes = [1, 1, 32, 729], strides = [1, 1, 1, 1]} : vector<8x2x32x820xf32> to vector<1x1x32x729xf32>
    %squeeze3A_251 = vector.shape_cast %slice3A_250 : vector<1x1x32x729xf32> to vector<32x729xf32>
    %concatenate3A_252 = tpu.concatenate %squeeze3A_237, %squeeze3A_239, %squeeze3A_241, %squeeze3A_243, %squeeze3A_245, %squeeze3A_247, %squeeze3A_249, %squeeze3A_251 in 0 : vector<32x729xf32>, vector<32x729xf32>, vector<32x729xf32>, vector<32x729xf32>, vector<32x729xf32>, vector<32x729xf32>, vector<32x729xf32>, vector<32x729xf32> -> vector<256x729xf32>
    %slice3A_253 = vector.extract_strided_slice %get3A_7 {offsets = [2, 0, 0], sizes = [1, 64, 256], strides = [1, 1, 1]} : vector<8x64x256xf32> to vector<1x64x256xf32>
    %squeeze3A_254 = vector.shape_cast %slice3A_253 : vector<1x64x256xf32> to vector<64x256xf32>
    %dot_general3A_255 = arith.constant dense<0.000000e+00> : vector<64x729xf32>
    %dot_general3A_256 = tpu.matmul %squeeze3A_254, %concatenate3A_252, %dot_general3A_255 {dimension_numbers = #tpu.dot_dimension_numbers<[1], [0], [0], [1], [0, 0, 1, 1], [], []>, transpose_lhs_hint = false} : vector<64x256xf32>, vector<256x729xf32>, vector<64x729xf32> -> vector<64x729xf32>
    %add3A_257 = arith.addf %add3A_235, %dot_general3A_256 : vector<64x729xf32>
    %slice3A_258 = vector.extract_strided_slice %get3A_3 {offsets = [0, 1, 0, 10], sizes = [1, 1, 32, 729], strides = [1, 1, 1, 1]} : vector<8x2x32x820xf32> to vector<1x1x32x729xf32>
    %squeeze3A_259 = vector.shape_cast %slice3A_258 : vector<1x1x32x729xf32> to vector<32x729xf32>
    %slice3A_260 = vector.extract_strided_slice %get3A_3 {offsets = [1, 1, 0, 10], sizes = [1, 1, 32, 729], strides = [1, 1, 1, 1]} : vector<8x2x32x820xf32> to vector<1x1x32x729xf32>
    %squeeze3A_261 = vector.shape_cast %slice3A_260 : vector<1x1x32x729xf32> to vector<32x729xf32>
    %slice3A_262 = vector.extract_strided_slice %get3A_3 {offsets = [2, 1, 0, 10], sizes = [1, 1, 32, 729], strides = [1, 1, 1, 1]} : vector<8x2x32x820xf32> to vector<1x1x32x729xf32>
    %squeeze3A_263 = vector.shape_cast %slice3A_262 : vector<1x1x32x729xf32> to vector<32x729xf32>
    %slice3A_264 = vector.extract_strided_slice %get3A_3 {offsets = [3, 1, 0, 10], sizes = [1, 1, 32, 729], strides = [1, 1, 1, 1]} : vector<8x2x32x820xf32> to vector<1x1x32x729xf32>
    %squeeze3A_265 = vector.shape_cast %slice3A_264 : vector<1x1x32x729xf32> to vector<32x729xf32>
    %slice3A_266 = vector.extract_strided_slice %get3A_3 {offsets = [4, 1, 0, 10], sizes = [1, 1, 32, 729], strides = [1, 1, 1, 1]} : vector<8x2x32x820xf32> to vector<1x1x32x729xf32>
    %squeeze3A_267 = vector.shape_cast %slice3A_266 : vector<1x1x32x729xf32> to vector<32x729xf32>
    %slice3A_268 = vector.extract_strided_slice %get3A_3 {offsets = [5, 1, 0, 10], sizes = [1, 1, 32, 729], strides = [1, 1, 1, 1]} : vector<8x2x32x820xf32> to vector<1x1x32x729xf32>
    %squeeze3A_269 = vector.shape_cast %slice3A_268 : vector<1x1x32x729xf32> to vector<32x729xf32>
    %slice3A_270 = vector.extract_strided_slice %get3A_3 {offsets = [6, 1, 0, 10], sizes = [1, 1, 32, 729], strides = [1, 1, 1, 1]} : vector<8x2x32x820xf32> to vector<1x1x32x729xf32>
    %squeeze3A_271 = vector.shape_cast %slice3A_270 : vector<1x1x32x729xf32> to vector<32x729xf32>
    %slice3A_272 = vector.extract_strided_slice %get3A_3 {offsets = [7, 1, 0, 10], sizes = [1, 1, 32, 729], strides = [1, 1, 1, 1]} : vector<8x2x32x820xf32> to vector<1x1x32x729xf32>
    %squeeze3A_273 = vector.shape_cast %slice3A_272 : vector<1x1x32x729xf32> to vector<32x729xf32>
    %concatenate3A_274 = tpu.concatenate %squeeze3A_259, %squeeze3A_261, %squeeze3A_263, %squeeze3A_265, %squeeze3A_267, %squeeze3A_269, %squeeze3A_271, %squeeze3A_273 in 0 : vector<32x729xf32>, vector<32x729xf32>, vector<32x729xf32>, vector<32x729xf32>, vector<32x729xf32>, vector<32x729xf32>, vector<32x729xf32>, vector<32x729xf32> -> vector<256x729xf32>
    %slice3A_275 = vector.extract_strided_slice %get3A_7 {offsets = [3, 0, 0], sizes = [1, 64, 256], strides = [1, 1, 1]} : vector<8x64x256xf32> to vector<1x64x256xf32>
    %squeeze3A_276 = vector.shape_cast %slice3A_275 : vector<1x64x256xf32> to vector<64x256xf32>
    %dot_general3A_277 = arith.constant dense<0.000000e+00> : vector<64x729xf32>
    %dot_general3A_278 = tpu.matmul %squeeze3A_276, %concatenate3A_274, %dot_general3A_277 {dimension_numbers = #tpu.dot_dimension_numbers<[1], [0], [0], [1], [0, 0, 1, 1], [], []>, transpose_lhs_hint = false} : vector<64x256xf32>, vector<256x729xf32>, vector<64x729xf32> -> vector<64x729xf32>
    %add3A_279 = arith.addf %add3A_257, %dot_general3A_278 : vector<64x729xf32>
    %slice3A_280 = vector.extract_strided_slice %get3A_3 {offsets = [0, 1, 0, 81], sizes = [1, 1, 32, 729], strides = [1, 1, 1, 1]} : vector<8x2x32x820xf32> to vector<1x1x32x729xf32>
    %squeeze3A_281 = vector.shape_cast %slice3A_280 : vector<1x1x32x729xf32> to vector<32x729xf32>
    %slice3A_282 = vector.extract_strided_slice %get3A_3 {offsets = [1, 1, 0, 81], sizes = [1, 1, 32, 729], strides = [1, 1, 1, 1]} : vector<8x2x32x820xf32> to vector<1x1x32x729xf32>
    %squeeze3A_283 = vector.shape_cast %slice3A_282 : vector<1x1x32x729xf32> to vector<32x729xf32>
    %slice3A_284 = vector.extract_strided_slice %get3A_3 {offsets = [2, 1, 0, 81], sizes = [1, 1, 32, 729], strides = [1, 1, 1, 1]} : vector<8x2x32x820xf32> to vector<1x1x32x729xf32>
    %squeeze3A_285 = vector.shape_cast %slice3A_284 : vector<1x1x32x729xf32> to vector<32x729xf32>
    %slice3A_286 = vector.extract_strided_slice %get3A_3 {offsets = [3, 1, 0, 81], sizes = [1, 1, 32, 729], strides = [1, 1, 1, 1]} : vector<8x2x32x820xf32> to vector<1x1x32x729xf32>
    %squeeze3A_287 = vector.shape_cast %slice3A_286 : vector<1x1x32x729xf32> to vector<32x729xf32>
    %slice3A_288 = vector.extract_strided_slice %get3A_3 {offsets = [4, 1, 0, 81], sizes = [1, 1, 32, 729], strides = [1, 1, 1, 1]} : vector<8x2x32x820xf32> to vector<1x1x32x729xf32>
    %squeeze3A_289 = vector.shape_cast %slice3A_288 : vector<1x1x32x729xf32> to vector<32x729xf32>
    %slice3A_290 = vector.extract_strided_slice %get3A_3 {offsets = [5, 1, 0, 81], sizes = [1, 1, 32, 729], strides = [1, 1, 1, 1]} : vector<8x2x32x820xf32> to vector<1x1x32x729xf32>
    %squeeze3A_291 = vector.shape_cast %slice3A_290 : vector<1x1x32x729xf32> to vector<32x729xf32>
    %slice3A_292 = vector.extract_strided_slice %get3A_3 {offsets = [6, 1, 0, 81], sizes = [1, 1, 32, 729], strides = [1, 1, 1, 1]} : vector<8x2x32x820xf32> to vector<1x1x32x729xf32>
    %squeeze3A_293 = vector.shape_cast %slice3A_292 : vector<1x1x32x729xf32> to vector<32x729xf32>
    %slice3A_294 = vector.extract_strided_slice %get3A_3 {offsets = [7, 1, 0, 81], sizes = [1, 1, 32, 729], strides = [1, 1, 1, 1]} : vector<8x2x32x820xf32> to vector<1x1x32x729xf32>
    %squeeze3A_295 = vector.shape_cast %slice3A_294 : vector<1x1x32x729xf32> to vector<32x729xf32>
    %concatenate3A_296 = tpu.concatenate %squeeze3A_281, %squeeze3A_283, %squeeze3A_285, %squeeze3A_287, %squeeze3A_289, %squeeze3A_291, %squeeze3A_293, %squeeze3A_295 in 0 : vector<32x729xf32>, vector<32x729xf32>, vector<32x729xf32>, vector<32x729xf32>, vector<32x729xf32>, vector<32x729xf32>, vector<32x729xf32>, vector<32x729xf32> -> vector<256x729xf32>
    %slice3A_297 = vector.extract_strided_slice %get3A_7 {offsets = [4, 0, 0], sizes = [1, 64, 256], strides = [1, 1, 1]} : vector<8x64x256xf32> to vector<1x64x256xf32>
    %squeeze3A_298 = vector.shape_cast %slice3A_297 : vector<1x64x256xf32> to vector<64x256xf32>
    %dot_general3A_299 = arith.constant dense<0.000000e+00> : vector<64x729xf32>
    %dot_general3A_300 = tpu.matmul %squeeze3A_298, %concatenate3A_296, %dot_general3A_299 {dimension_numbers = #tpu.dot_dimension_numbers<[1], [0], [0], [1], [0, 0, 1, 1], [], []>, transpose_lhs_hint = false} : vector<64x256xf32>, vector<256x729xf32>, vector<64x729xf32> -> vector<64x729xf32>
    %add3A_301 = arith.addf %add3A_279, %dot_general3A_300 : vector<64x729xf32>
    %slice3A_302 = vector.extract_strided_slice %get3A_3 {offsets = [0, 1, 0, 82], sizes = [1, 1, 32, 729], strides = [1, 1, 1, 1]} : vector<8x2x32x820xf32> to vector<1x1x32x729xf32>
    %squeeze3A_303 = vector.shape_cast %slice3A_302 : vector<1x1x32x729xf32> to vector<32x729xf32>
    %slice3A_304 = vector.extract_strided_slice %get3A_3 {offsets = [1, 1, 0, 82], sizes = [1, 1, 32, 729], strides = [1, 1, 1, 1]} : vector<8x2x32x820xf32> to vector<1x1x32x729xf32>
    %squeeze3A_305 = vector.shape_cast %slice3A_304 : vector<1x1x32x729xf32> to vector<32x729xf32>
    %slice3A_306 = vector.extract_strided_slice %get3A_3 {offsets = [2, 1, 0, 82], sizes = [1, 1, 32, 729], strides = [1, 1, 1, 1]} : vector<8x2x32x820xf32> to vector<1x1x32x729xf32>
    %squeeze3A_307 = vector.shape_cast %slice3A_306 : vector<1x1x32x729xf32> to vector<32x729xf32>
    %slice3A_308 = vector.extract_strided_slice %get3A_3 {offsets = [3, 1, 0, 82], sizes = [1, 1, 32, 729], strides = [1, 1, 1, 1]} : vector<8x2x32x820xf32> to vector<1x1x32x729xf32>
    %squeeze3A_309 = vector.shape_cast %slice3A_308 : vector<1x1x32x729xf32> to vector<32x729xf32>
    %slice3A_310 = vector.extract_strided_slice %get3A_3 {offsets = [4, 1, 0, 82], sizes = [1, 1, 32, 729], strides = [1, 1, 1, 1]} : vector<8x2x32x820xf32> to vector<1x1x32x729xf32>
    %squeeze3A_311 = vector.shape_cast %slice3A_310 : vector<1x1x32x729xf32> to vector<32x729xf32>
    %slice3A_312 = vector.extract_strided_slice %get3A_3 {offsets = [5, 1, 0, 82], sizes = [1, 1, 32, 729], strides = [1, 1, 1, 1]} : vector<8x2x32x820xf32> to vector<1x1x32x729xf32>
    %squeeze3A_313 = vector.shape_cast %slice3A_312 : vector<1x1x32x729xf32> to vector<32x729xf32>
    %slice3A_314 = vector.extract_strided_slice %get3A_3 {offsets = [6, 1, 0, 82], sizes = [1, 1, 32, 729], strides = [1, 1, 1, 1]} : vector<8x2x32x820xf32> to vector<1x1x32x729xf32>
    %squeeze3A_315 = vector.shape_cast %slice3A_314 : vector<1x1x32x729xf32> to vector<32x729xf32>
    %slice3A_316 = vector.extract_strided_slice %get3A_3 {offsets = [7, 1, 0, 82], sizes = [1, 1, 32, 729], strides = [1, 1, 1, 1]} : vector<8x2x32x820xf32> to vector<1x1x32x729xf32>
    %squeeze3A_317 = vector.shape_cast %slice3A_316 : vector<1x1x32x729xf32> to vector<32x729xf32>
    %concatenate3A_318 = tpu.concatenate %squeeze3A_303, %squeeze3A_305, %squeeze3A_307, %squeeze3A_309, %squeeze3A_311, %squeeze3A_313, %squeeze3A_315, %squeeze3A_317 in 0 : vector<32x729xf32>, vector<32x729xf32>, vector<32x729xf32>, vector<32x729xf32>, vector<32x729xf32>, vector<32x729xf32>, vector<32x729xf32>, vector<32x729xf32> -> vector<256x729xf32>
    %slice3A_319 = vector.extract_strided_slice %get3A_7 {offsets = [5, 0, 0], sizes = [1, 64, 256], strides = [1, 1, 1]} : vector<8x64x256xf32> to vector<1x64x256xf32>
    %squeeze3A_320 = vector.shape_cast %slice3A_319 : vector<1x64x256xf32> to vector<64x256xf32>
    %dot_general3A_321 = arith.constant dense<0.000000e+00> : vector<64x729xf32>
    %dot_general3A_322 = tpu.matmul %squeeze3A_320, %concatenate3A_318, %dot_general3A_321 {dimension_numbers = #tpu.dot_dimension_numbers<[1], [0], [0], [1], [0, 0, 1, 1], [], []>, transpose_lhs_hint = false} : vector<64x256xf32>, vector<256x729xf32>, vector<64x729xf32> -> vector<64x729xf32>
    %add3A_323 = arith.addf %add3A_301, %dot_general3A_322 : vector<64x729xf32>
    %slice3A_324 = vector.extract_strided_slice %get3A_3 {offsets = [0, 1, 0, 90], sizes = [1, 1, 32, 729], strides = [1, 1, 1, 1]} : vector<8x2x32x820xf32> to vector<1x1x32x729xf32>
    %squeeze3A_325 = vector.shape_cast %slice3A_324 : vector<1x1x32x729xf32> to vector<32x729xf32>
    %slice3A_326 = vector.extract_strided_slice %get3A_3 {offsets = [1, 1, 0, 90], sizes = [1, 1, 32, 729], strides = [1, 1, 1, 1]} : vector<8x2x32x820xf32> to vector<1x1x32x729xf32>
    %squeeze3A_327 = vector.shape_cast %slice3A_326 : vector<1x1x32x729xf32> to vector<32x729xf32>
    %slice3A_328 = vector.extract_strided_slice %get3A_3 {offsets = [2, 1, 0, 90], sizes = [1, 1, 32, 729], strides = [1, 1, 1, 1]} : vector<8x2x32x820xf32> to vector<1x1x32x729xf32>
    %squeeze3A_329 = vector.shape_cast %slice3A_328 : vector<1x1x32x729xf32> to vector<32x729xf32>
    %slice3A_330 = vector.extract_strided_slice %get3A_3 {offsets = [3, 1, 0, 90], sizes = [1, 1, 32, 729], strides = [1, 1, 1, 1]} : vector<8x2x32x820xf32> to vector<1x1x32x729xf32>
    %squeeze3A_331 = vector.shape_cast %slice3A_330 : vector<1x1x32x729xf32> to vector<32x729xf32>
    %slice3A_332 = vector.extract_strided_slice %get3A_3 {offsets = [4, 1, 0, 90], sizes = [1, 1, 32, 729], strides = [1, 1, 1, 1]} : vector<8x2x32x820xf32> to vector<1x1x32x729xf32>
    %squeeze3A_333 = vector.shape_cast %slice3A_332 : vector<1x1x32x729xf32> to vector<32x729xf32>
    %slice3A_334 = vector.extract_strided_slice %get3A_3 {offsets = [5, 1, 0, 90], sizes = [1, 1, 32, 729], strides = [1, 1, 1, 1]} : vector<8x2x32x820xf32> to vector<1x1x32x729xf32>
    %squeeze3A_335 = vector.shape_cast %slice3A_334 : vector<1x1x32x729xf32> to vector<32x729xf32>
    %slice3A_336 = vector.extract_strided_slice %get3A_3 {offsets = [6, 1, 0, 90], sizes = [1, 1, 32, 729], strides = [1, 1, 1, 1]} : vector<8x2x32x820xf32> to vector<1x1x32x729xf32>
    %squeeze3A_337 = vector.shape_cast %slice3A_336 : vector<1x1x32x729xf32> to vector<32x729xf32>
    %slice3A_338 = vector.extract_strided_slice %get3A_3 {offsets = [7, 1, 0, 90], sizes = [1, 1, 32, 729], strides = [1, 1, 1, 1]} : vector<8x2x32x820xf32> to vector<1x1x32x729xf32>
    %squeeze3A_339 = vector.shape_cast %slice3A_338 : vector<1x1x32x729xf32> to vector<32x729xf32>
    %concatenate3A_340 = tpu.concatenate %squeeze3A_325, %squeeze3A_327, %squeeze3A_329, %squeeze3A_331, %squeeze3A_333, %squeeze3A_335, %squeeze3A_337, %squeeze3A_339 in 0 : vector<32x729xf32>, vector<32x729xf32>, vector<32x729xf32>, vector<32x729xf32>, vector<32x729xf32>, vector<32x729xf32>, vector<32x729xf32>, vector<32x729xf32> -> vector<256x729xf32>
    %slice3A_341 = vector.extract_strided_slice %get3A_7 {offsets = [6, 0, 0], sizes = [1, 64, 256], strides = [1, 1, 1]} : vector<8x64x256xf32> to vector<1x64x256xf32>
    %squeeze3A_342 = vector.shape_cast %slice3A_341 : vector<1x64x256xf32> to vector<64x256xf32>
    %dot_general3A_343 = arith.constant dense<0.000000e+00> : vector<64x729xf32>
    %dot_general3A_344 = tpu.matmul %squeeze3A_342, %concatenate3A_340, %dot_general3A_343 {dimension_numbers = #tpu.dot_dimension_numbers<[1], [0], [0], [1], [0, 0, 1, 1], [], []>, transpose_lhs_hint = false} : vector<64x256xf32>, vector<256x729xf32>, vector<64x729xf32> -> vector<64x729xf32>
    %add3A_345 = arith.addf %add3A_323, %dot_general3A_344 : vector<64x729xf32>
    %slice3A_346 = vector.extract_strided_slice %get3A_3 {offsets = [0, 1, 0, 91], sizes = [1, 1, 32, 729], strides = [1, 1, 1, 1]} : vector<8x2x32x820xf32> to vector<1x1x32x729xf32>
    %squeeze3A_347 = vector.shape_cast %slice3A_346 : vector<1x1x32x729xf32> to vector<32x729xf32>
    %slice3A_348 = vector.extract_strided_slice %get3A_3 {offsets = [1, 1, 0, 91], sizes = [1, 1, 32, 729], strides = [1, 1, 1, 1]} : vector<8x2x32x820xf32> to vector<1x1x32x729xf32>
    %squeeze3A_349 = vector.shape_cast %slice3A_348 : vector<1x1x32x729xf32> to vector<32x729xf32>
    %slice3A_350 = vector.extract_strided_slice %get3A_3 {offsets = [2, 1, 0, 91], sizes = [1, 1, 32, 729], strides = [1, 1, 1, 1]} : vector<8x2x32x820xf32> to vector<1x1x32x729xf32>
    %squeeze3A_351 = vector.shape_cast %slice3A_350 : vector<1x1x32x729xf32> to vector<32x729xf32>
    %slice3A_352 = vector.extract_strided_slice %get3A_3 {offsets = [3, 1, 0, 91], sizes = [1, 1, 32, 729], strides = [1, 1, 1, 1]} : vector<8x2x32x820xf32> to vector<1x1x32x729xf32>
    %squeeze3A_353 = vector.shape_cast %slice3A_352 : vector<1x1x32x729xf32> to vector<32x729xf32>
    %slice3A_354 = vector.extract_strided_slice %get3A_3 {offsets = [4, 1, 0, 91], sizes = [1, 1, 32, 729], strides = [1, 1, 1, 1]} : vector<8x2x32x820xf32> to vector<1x1x32x729xf32>
    %squeeze3A_355 = vector.shape_cast %slice3A_354 : vector<1x1x32x729xf32> to vector<32x729xf32>
    %slice3A_356 = vector.extract_strided_slice %get3A_3 {offsets = [5, 1, 0, 91], sizes = [1, 1, 32, 729], strides = [1, 1, 1, 1]} : vector<8x2x32x820xf32> to vector<1x1x32x729xf32>
    %squeeze3A_357 = vector.shape_cast %slice3A_356 : vector<1x1x32x729xf32> to vector<32x729xf32>
    %slice3A_358 = vector.extract_strided_slice %get3A_3 {offsets = [6, 1, 0, 91], sizes = [1, 1, 32, 729], strides = [1, 1, 1, 1]} : vector<8x2x32x820xf32> to vector<1x1x32x729xf32>
    %squeeze3A_359 = vector.shape_cast %slice3A_358 : vector<1x1x32x729xf32> to vector<32x729xf32>
    %slice3A_360 = vector.extract_strided_slice %get3A_3 {offsets = [7, 1, 0, 91], sizes = [1, 1, 32, 729], strides = [1, 1, 1, 1]} : vector<8x2x32x820xf32> to vector<1x1x32x729xf32>
    %squeeze3A_361 = vector.shape_cast %slice3A_360 : vector<1x1x32x729xf32> to vector<32x729xf32>
    %concatenate3A_362 = tpu.concatenate %squeeze3A_347, %squeeze3A_349, %squeeze3A_351, %squeeze3A_353, %squeeze3A_355, %squeeze3A_357, %squeeze3A_359, %squeeze3A_361 in 0 : vector<32x729xf32>, vector<32x729xf32>, vector<32x729xf32>, vector<32x729xf32>, vector<32x729xf32>, vector<32x729xf32>, vector<32x729xf32>, vector<32x729xf32> -> vector<256x729xf32>
    %slice3A_363 = vector.extract_strided_slice %get3A_7 {offsets = [7, 0, 0], sizes = [1, 64, 256], strides = [1, 1, 1]} : vector<8x64x256xf32> to vector<1x64x256xf32>
    %squeeze3A_364 = vector.shape_cast %slice3A_363 : vector<1x64x256xf32> to vector<64x256xf32>
    %dot_general3A_365 = arith.constant dense<0.000000e+00> : vector<64x729xf32>
    %dot_general3A_366 = tpu.matmul %squeeze3A_364, %concatenate3A_362, %dot_general3A_365 {dimension_numbers = #tpu.dot_dimension_numbers<[1], [0], [0], [1], [0, 0, 1, 1], [], []>, transpose_lhs_hint = false} : vector<64x256xf32>, vector<256x729xf32>, vector<64x729xf32> -> vector<64x729xf32>
    %add3A_367 = arith.addf %add3A_345, %dot_general3A_366 : vector<64x729xf32>
    %get3A_368 = arith.constant 0 : index
    %get3A_369 = arith.constant 0 : index
    %get3A_370 = vector.load %arg2[%get3A_368, %get3A_369] : memref<64x1xf32, #tpu.memory_space<vmem>>, vector<64x1xf32>
    %add3A_371 = vector.broadcast %get3A_370 : vector<64x1xf32> to vector<64x729xf32>
    %add3A_372 = arith.addf %add3A_367, %add3A_371 : vector<64x729xf32>
    %swap3A_373 = arith.constant 0 : index
    %swap3A_374 = arith.constant 1 : index
    %swap3A_375 = arith.constant 0 : index
    %swap3A_376 = vector.load %arg3[%swap3A_373, %swap3A_374, %swap3A_375] : memref<64x2x729xf32, #tpu.memory_space<vmem>>, vector<64x1x729xf32>
    %swap3A_377 = vector.shape_cast %swap3A_376 : vector<64x1x729xf32> to vector<64x729xf32>
    %swap3A_378 = vector.shape_cast %add3A_372 : vector<64x729xf32> to vector<64x1x729xf32>
    tpu.vector_store %arg3[%swap3A_373, %swap3A_374, %swap3A_375], %swap3A_378 {strides = array<i32>} : memref<64x2x729xf32, #tpu.memory_space<vmem>>, vector<64x1x729xf32>,
    return
  }
}

module attributes {stable_mosaic.version = 14 : i64} {
  func.func @_vq_body(%arg0: memref<512x64xf32, #tpu.memory_space<vmem>>, %arg1: memref<64x1024xf32, #tpu.memory_space<vmem>>, %arg2: memref<1x1024xi32, #tpu.memory_space<vmem>>) attributes {dimension_semantics = [], scalar_prefetch = 0 : i64, scratch_operands = 0 : i64, tpu.core_type = #tpu.core_type<tc>} {
    %get3A = arith.constant 0 : index
    %get3A_0 = arith.constant 0 : index
    %get3A_1 = vector.load %arg0[%get3A, %get3A_0] : memref<512x64xf32, #tpu.memory_space<vmem>>, vector<512x64xf32>
    %get3A_2 = arith.constant 0 : index
    %get3A_3 = arith.constant 0 : index
    %get3A_4 = vector.load %arg1[%get3A_2, %get3A_3] : memref<64x1024xf32, #tpu.memory_space<vmem>>, vector<64x1024xf32>
    %dot_general3A = arith.constant dense<0.000000e+00> : vector<512x1024xf32>
    %dot_general3A_5 = tpu.matmul %get3A_1, %get3A_4, %dot_general3A {dimension_numbers = #tpu.dot_dimension_numbers<[1], [0], [0], [1], [0, 0, 1, 1], [], []>, transpose_lhs_hint = false} : vector<512x64xf32>, vector<64x1024xf32>, vector<512x1024xf32> -> vector<512x1024xf32>
    %mul3A = arith.mulf %get3A_1, %get3A_1 : vector<512x64xf32>
    %reduce_sum3A = arith.constant dense<0.000000e+00> : vector<512xf32>
    %reduce_sum3A_6 = vector.multi_reduction <add>, %mul3A, %reduce_sum3A [1] : vector<512x64xf32> to vector<512xf32>
    %broadcast_in_dim3A = vector.shape_cast %reduce_sum3A_6 : vector<512xf32> to vector<512x1xf32>
    %mul3A_7 = arith.mulf %get3A_4, %get3A_4 : vector<64x1024xf32>
    %reduce_sum3A_8 = arith.constant dense<0.000000e+00> : vector<1024xf32>
    %reduce_sum3A_9 = vector.multi_reduction <add>, %mul3A_7, %reduce_sum3A_8 [0] : vector<64x1024xf32> to vector<1024xf32>
    %broadcast_in_dim3A_10 = vector.shape_cast %reduce_sum3A_9 : vector<1024xf32> to vector<1x1024xf32>
    %add3A = vector.broadcast %broadcast_in_dim3A_10 : vector<1x1024xf32> to vector<512x1024xf32>
    %add3A_11 = vector.broadcast %broadcast_in_dim3A : vector<512x1xf32> to vector<512x1024xf32>
    %add3A_12 = arith.addf %add3A, %add3A_11 : vector<512x1024xf32>
    %mul3A_13 = arith.constant 2.000000e+00 : f32
    %mul3A_14 = vector.broadcast %mul3A_13 : f32 to vector<512x1024xf32>
    %mul3A_15 = arith.mulf %mul3A_14, %dot_general3A_5 : vector<512x1024xf32>
    %sub3A = arith.subf %add3A_12, %mul3A_15 : vector<512x1024xf32>
    %max3A = arith.constant 0.000000e+00 : f32
    %max3A_16 = vector.broadcast %max3A : f32 to vector<512x1024xf32>
    %max3A_17 = arith.maximumf %sub3A, %max3A_16 : vector<512x1024xf32>
    %sqrt3A = math.sqrt %max3A_17 : vector<512x1024xf32>
    %reduce_min3A = arith.constant dense<0x7F800000> : vector<1024xf32>
    %reduce_min3A_18 = vector.multi_reduction <minimumf>, %sqrt3A, %reduce_min3A [0] : vector<512x1024xf32> to vector<1024xf32>
    %broadcast_in_dim3A_19 = vector.shape_cast %reduce_min3A_18 : vector<1024xf32> to vector<1x1024xf32>
    %iota3A = tpu.iota {dimensions = array<i32: 0>} : vector<512x1024xi32>
    %le3A = vector.broadcast %broadcast_in_dim3A_19 : vector<1x1024xf32> to vector<512x1024xf32>
    %le3A_20 = arith.cmpf ole, %sqrt3A, %le3A : vector<512x1024xf32>
    %jit3A = arith.constant 512 : i32
    %broadcast_in_dim3A_21 = vector.broadcast %jit3A : i32 to vector<512x1024xi32>
    %select_n3A = arith.select %le3A_20, %iota3A, %broadcast_in_dim3A_21 : vector<512x1024xi1>, vector<512x1024xi32>
    %reduce_min3A_22 = arith.constant dense<2147483647> : vector<1024xi32>
    %reduce_min3A_23 = vector.multi_reduction <minsi>, %select_n3A, %reduce_min3A_22 [0] : vector<512x1024xi32> to vector<1024xi32>
    %reshape3A = vector.shape_cast %reduce_min3A_23 : vector<1024xi32> to vector<1x1024xi32>
    %swap3A = arith.constant 0 : index
    %swap3A_24 = arith.constant 0 : index
    %swap3A_25 = vector.load %arg2[%swap3A, %swap3A_24] : memref<1x1024xi32, #tpu.memory_space<vmem>>, vector<1x1024xi32>
    tpu.vector_store %arg2[%swap3A, %swap3A_24], %reshape3A {strides = array<i32>} : memref<1x1024xi32, #tpu.memory_space<vmem>>, vector<1x1024xi32>,
    return
  }
}

module attributes {stable_mosaic.version = 14 : i64} {
  func.func @body(%arg0: memref<2x64x1111xf32, #tpu.memory_space<vmem>>, %arg1: memref<8x256x64xf32, #tpu.memory_space<vmem>>, %arg2: memref<256x1xf32, #tpu.memory_space<vmem>>, %arg3: memref<256x2x1000xf32, #tpu.memory_space<vmem>>) attributes {dimension_semantics = [], scalar_prefetch = 0 : i64, scratch_operands = 0 : i64, tpu.core_type = #tpu.core_type<tc>} {
    %get3A = arith.constant 0 : index
    %get3A_0 = arith.constant 0 : index
    %get3A_1 = arith.constant 0 : index
    %get3A_2 = vector.load %arg0[%get3A, %get3A_0, %get3A_1] : memref<2x64x1111xf32, #tpu.memory_space<vmem>>, vector<2x64x1111xf32>
    %get3A_3 = arith.constant 0 : index
    %get3A_4 = arith.constant 0 : index
    %get3A_5 = arith.constant 0 : index
    %get3A_6 = vector.load %arg1[%get3A_3, %get3A_4, %get3A_5] : memref<8x256x64xf32, #tpu.memory_space<vmem>>, vector<8x256x64xf32>
    %broadcast_in_dim3A = arith.constant 0.000000e+00 : f32
    %broadcast_in_dim3A_7 = vector.broadcast %broadcast_in_dim3A : f32 to vector<256x1000xf32>
    %slice3A = vector.extract_strided_slice %get3A_6 {offsets = [0, 0, 0], sizes = [1, 256, 64], strides = [1, 1, 1]} : vector<8x256x64xf32> to vector<1x256x64xf32>
    %squeeze3A = vector.shape_cast %slice3A : vector<1x256x64xf32> to vector<256x64xf32>
    %slice3A_8 = vector.extract_strided_slice %get3A_2 {offsets = [0, 0, 0], sizes = [1, 64, 1000], strides = [1, 1, 1]} : vector<2x64x1111xf32> to vector<1x64x1000xf32>
    %squeeze3A_9 = vector.shape_cast %slice3A_8 : vector<1x64x1000xf32> to vector<64x1000xf32>
    %dot_general3A = arith.constant dense<0.000000e+00> : vector<256x1000xf32>
    %dot_general3A_10 = tpu.matmul %squeeze3A, %squeeze3A_9, %dot_general3A {dimension_numbers = #tpu.dot_dimension_numbers<[1], [0], [0], [1], [0, 0, 1, 1], [], []>, transpose_lhs_hint = false} : vector<256x64xf32>, vector<64x1000xf32>, vector<256x1000xf32> -> vector<256x1000xf32>
    %add3A = arith.addf %broadcast_in_dim3A_7, %dot_general3A_10 : vector<256x1000xf32>
    %slice3A_11 = vector.extract_strided_slice %get3A_6 {offsets = [1, 0, 0], sizes = [1, 256, 64], strides = [1, 1, 1]} : vector<8x256x64xf32> to vector<1x256x64xf32>
    %squeeze3A_12 = vector.shape_cast %slice3A_11 : vector<1x256x64xf32> to vector<256x64xf32>
    %slice3A_13 = vector.extract_strided_slice %get3A_2 {offsets = [0, 0, 1], sizes = [1, 64, 1000], strides = [1, 1, 1]} : vector<2x64x1111xf32> to vector<1x64x1000xf32>
    %squeeze3A_14 = vector.shape_cast %slice3A_13 : vector<1x64x1000xf32> to vector<64x1000xf32>
    %dot_general3A_15 = arith.constant dense<0.000000e+00> : vector<256x1000xf32>
    %dot_general3A_16 = tpu.matmul %squeeze3A_12, %squeeze3A_14, %dot_general3A_15 {dimension_numbers = #tpu.dot_dimension_numbers<[1], [0], [0], [1], [0, 0, 1, 1], [], []>, transpose_lhs_hint = false} : vector<256x64xf32>, vector<64x1000xf32>, vector<256x1000xf32> -> vector<256x1000xf32>
    %add3A_17 = arith.addf %add3A, %dot_general3A_16 : vector<256x1000xf32>
    %slice3A_18 = vector.extract_strided_slice %get3A_6 {offsets = [2, 0, 0], sizes = [1, 256, 64], strides = [1, 1, 1]} : vector<8x256x64xf32> to vector<1x256x64xf32>
    %squeeze3A_19 = vector.shape_cast %slice3A_18 : vector<1x256x64xf32> to vector<256x64xf32>
    %slice3A_20 = vector.extract_strided_slice %get3A_2 {offsets = [0, 0, 10], sizes = [1, 64, 1000], strides = [1, 1, 1]} : vector<2x64x1111xf32> to vector<1x64x1000xf32>
    %squeeze3A_21 = vector.shape_cast %slice3A_20 : vector<1x64x1000xf32> to vector<64x1000xf32>
    %dot_general3A_22 = arith.constant dense<0.000000e+00> : vector<256x1000xf32>
    %dot_general3A_23 = tpu.matmul %squeeze3A_19, %squeeze3A_21, %dot_general3A_22 {dimension_numbers = #tpu.dot_dimension_numbers<[1], [0], [0], [1], [0, 0, 1, 1], [], []>, transpose_lhs_hint = false} : vector<256x64xf32>, vector<64x1000xf32>, vector<256x1000xf32> -> vector<256x1000xf32>
    %add3A_24 = arith.addf %add3A_17, %dot_general3A_23 : vector<256x1000xf32>
    %slice3A_25 = vector.extract_strided_slice %get3A_6 {offsets = [3, 0, 0], sizes = [1, 256, 64], strides = [1, 1, 1]} : vector<8x256x64xf32> to vector<1x256x64xf32>
    %squeeze3A_26 = vector.shape_cast %slice3A_25 : vector<1x256x64xf32> to vector<256x64xf32>
    %slice3A_27 = vector.extract_strided_slice %get3A_2 {offsets = [0, 0, 11], sizes = [1, 64, 1000], strides = [1, 1, 1]} : vector<2x64x1111xf32> to vector<1x64x1000xf32>
    %squeeze3A_28 = vector.shape_cast %slice3A_27 : vector<1x64x1000xf32> to vector<64x1000xf32>
    %dot_general3A_29 = arith.constant dense<0.000000e+00> : vector<256x1000xf32>
    %dot_general3A_30 = tpu.matmul %squeeze3A_26, %squeeze3A_28, %dot_general3A_29 {dimension_numbers = #tpu.dot_dimension_numbers<[1], [0], [0], [1], [0, 0, 1, 1], [], []>, transpose_lhs_hint = false} : vector<256x64xf32>, vector<64x1000xf32>, vector<256x1000xf32> -> vector<256x1000xf32>
    %add3A_31 = arith.addf %add3A_24, %dot_general3A_30 : vector<256x1000xf32>
    %slice3A_32 = vector.extract_strided_slice %get3A_6 {offsets = [4, 0, 0], sizes = [1, 256, 64], strides = [1, 1, 1]} : vector<8x256x64xf32> to vector<1x256x64xf32>
    %squeeze3A_33 = vector.shape_cast %slice3A_32 : vector<1x256x64xf32> to vector<256x64xf32>
    %slice3A_34 = vector.extract_strided_slice %get3A_2 {offsets = [0, 0, 100], sizes = [1, 64, 1000], strides = [1, 1, 1]} : vector<2x64x1111xf32> to vector<1x64x1000xf32>
    %squeeze3A_35 = vector.shape_cast %slice3A_34 : vector<1x64x1000xf32> to vector<64x1000xf32>
    %dot_general3A_36 = arith.constant dense<0.000000e+00> : vector<256x1000xf32>
    %dot_general3A_37 = tpu.matmul %squeeze3A_33, %squeeze3A_35, %dot_general3A_36 {dimension_numbers = #tpu.dot_dimension_numbers<[1], [0], [0], [1], [0, 0, 1, 1], [], []>, transpose_lhs_hint = false} : vector<256x64xf32>, vector<64x1000xf32>, vector<256x1000xf32> -> vector<256x1000xf32>
    %add3A_38 = arith.addf %add3A_31, %dot_general3A_37 : vector<256x1000xf32>
    %slice3A_39 = vector.extract_strided_slice %get3A_6 {offsets = [5, 0, 0], sizes = [1, 256, 64], strides = [1, 1, 1]} : vector<8x256x64xf32> to vector<1x256x64xf32>
    %squeeze3A_40 = vector.shape_cast %slice3A_39 : vector<1x256x64xf32> to vector<256x64xf32>
    %slice3A_41 = vector.extract_strided_slice %get3A_2 {offsets = [0, 0, 101], sizes = [1, 64, 1000], strides = [1, 1, 1]} : vector<2x64x1111xf32> to vector<1x64x1000xf32>
    %squeeze3A_42 = vector.shape_cast %slice3A_41 : vector<1x64x1000xf32> to vector<64x1000xf32>
    %dot_general3A_43 = arith.constant dense<0.000000e+00> : vector<256x1000xf32>
    %dot_general3A_44 = tpu.matmul %squeeze3A_40, %squeeze3A_42, %dot_general3A_43 {dimension_numbers = #tpu.dot_dimension_numbers<[1], [0], [0], [1], [0, 0, 1, 1], [], []>, transpose_lhs_hint = false} : vector<256x64xf32>, vector<64x1000xf32>, vector<256x1000xf32> -> vector<256x1000xf32>
    %add3A_45 = arith.addf %add3A_38, %dot_general3A_44 : vector<256x1000xf32>
    %slice3A_46 = vector.extract_strided_slice %get3A_6 {offsets = [6, 0, 0], sizes = [1, 256, 64], strides = [1, 1, 1]} : vector<8x256x64xf32> to vector<1x256x64xf32>
    %squeeze3A_47 = vector.shape_cast %slice3A_46 : vector<1x256x64xf32> to vector<256x64xf32>
    %slice3A_48 = vector.extract_strided_slice %get3A_2 {offsets = [0, 0, 110], sizes = [1, 64, 1000], strides = [1, 1, 1]} : vector<2x64x1111xf32> to vector<1x64x1000xf32>
    %squeeze3A_49 = vector.shape_cast %slice3A_48 : vector<1x64x1000xf32> to vector<64x1000xf32>
    %dot_general3A_50 = arith.constant dense<0.000000e+00> : vector<256x1000xf32>
    %dot_general3A_51 = tpu.matmul %squeeze3A_47, %squeeze3A_49, %dot_general3A_50 {dimension_numbers = #tpu.dot_dimension_numbers<[1], [0], [0], [1], [0, 0, 1, 1], [], []>, transpose_lhs_hint = false} : vector<256x64xf32>, vector<64x1000xf32>, vector<256x1000xf32> -> vector<256x1000xf32>
    %add3A_52 = arith.addf %add3A_45, %dot_general3A_51 : vector<256x1000xf32>
    %slice3A_53 = vector.extract_strided_slice %get3A_6 {offsets = [7, 0, 0], sizes = [1, 256, 64], strides = [1, 1, 1]} : vector<8x256x64xf32> to vector<1x256x64xf32>
    %squeeze3A_54 = vector.shape_cast %slice3A_53 : vector<1x256x64xf32> to vector<256x64xf32>
    %slice3A_55 = vector.extract_strided_slice %get3A_2 {offsets = [0, 0, 111], sizes = [1, 64, 1000], strides = [1, 1, 1]} : vector<2x64x1111xf32> to vector<1x64x1000xf32>
    %squeeze3A_56 = vector.shape_cast %slice3A_55 : vector<1x64x1000xf32> to vector<64x1000xf32>
    %dot_general3A_57 = arith.constant dense<0.000000e+00> : vector<256x1000xf32>
    %dot_general3A_58 = tpu.matmul %squeeze3A_54, %squeeze3A_56, %dot_general3A_57 {dimension_numbers = #tpu.dot_dimension_numbers<[1], [0], [0], [1], [0, 0, 1, 1], [], []>, transpose_lhs_hint = false} : vector<256x64xf32>, vector<64x1000xf32>, vector<256x1000xf32> -> vector<256x1000xf32>
    %add3A_59 = arith.addf %add3A_52, %dot_general3A_58 : vector<256x1000xf32>
    %get3A_60 = arith.constant 0 : index
    %get3A_61 = arith.constant 0 : index
    %get3A_62 = vector.load %arg2[%get3A_60, %get3A_61] : memref<256x1xf32, #tpu.memory_space<vmem>>, vector<256x1xf32>
    %add3A_63 = vector.broadcast %get3A_62 : vector<256x1xf32> to vector<256x1000xf32>
    %add3A_64 = arith.addf %add3A_59, %add3A_63 : vector<256x1000xf32>
    %max3A = arith.constant 0.000000e+00 : f32
    %max3A_65 = vector.broadcast %max3A : f32 to vector<256x1000xf32>
    %max3A_66 = arith.maximumf %add3A_64, %max3A_65 : vector<256x1000xf32>
    %slice3A_67 = vector.extract_strided_slice %max3A_66 {offsets = [0, 0], sizes = [32, 889], strides = [1, 1]} : vector<256x1000xf32> to vector<32x889xf32>
    %slice3A_68 = vector.extract_strided_slice %max3A_66 {offsets = [32, 1], sizes = [32, 889], strides = [1, 1]} : vector<256x1000xf32> to vector<32x889xf32>
    %slice3A_69 = vector.extract_strided_slice %max3A_66 {offsets = [64, 10], sizes = [32, 889], strides = [1, 1]} : vector<256x1000xf32> to vector<32x889xf32>
    %slice3A_70 = vector.extract_strided_slice %max3A_66 {offsets = [96, 11], sizes = [32, 889], strides = [1, 1]} : vector<256x1000xf32> to vector<32x889xf32>
    %slice3A_71 = vector.extract_strided_slice %max3A_66 {offsets = [128, 100], sizes = [32, 889], strides = [1, 1]} : vector<256x1000xf32> to vector<32x889xf32>
    %slice3A_72 = vector.extract_strided_slice %max3A_66 {offsets = [160, 101], sizes = [32, 889], strides = [1, 1]} : vector<256x1000xf32> to vector<32x889xf32>
    %slice3A_73 = vector.extract_strided_slice %max3A_66 {offsets = [192, 110], sizes = [32, 889], strides = [1, 1]} : vector<256x1000xf32> to vector<32x889xf32>
    %slice3A_74 = vector.extract_strided_slice %max3A_66 {offsets = [224, 111], sizes = [32, 889], strides = [1, 1]} : vector<256x1000xf32> to vector<32x889xf32>
    %concatenate3A = tpu.concatenate %slice3A_67, %slice3A_68, %slice3A_69, %slice3A_70, %slice3A_71, %slice3A_72, %slice3A_73, %slice3A_74 in 0 : vector<32x889xf32>, vector<32x889xf32>, vector<32x889xf32>, vector<32x889xf32>, vector<32x889xf32>, vector<32x889xf32>, vector<32x889xf32>, vector<32x889xf32> -> vector<256x889xf32>
    %jit3A = arith.constant 0 : i32
    %convert_element_type3A = arith.sitofp %jit3A : i32 to f32
    %pad3A = vector.broadcast %convert_element_type3A : f32 to vector<256x111xf32>
    %pad3A_75 = tpu.concatenate %concatenate3A, %pad3A in 1 : vector<256x889xf32>, vector<256x111xf32> -> vector<256x1000xf32>
    %swap3A = arith.constant 0 : index
    %swap3A_76 = arith.constant 0 : index
    %swap3A_77 = arith.constant 0 : index
    %swap3A_78 = vector.load %arg3[%swap3A, %swap3A_76, %swap3A_77] : memref<256x2x1000xf32, #tpu.memory_space<vmem>>, vector<256x1x1000xf32>
    %swap3A_79 = vector.shape_cast %swap3A_78 : vector<256x1x1000xf32> to vector<256x1000xf32>
    %swap3A_80 = vector.shape_cast %pad3A_75 : vector<256x1000xf32> to vector<256x1x1000xf32>
    tpu.vector_store %arg3[%swap3A, %swap3A_76, %swap3A_77], %swap3A_80 {strides = array<i32>} : memref<256x2x1000xf32, #tpu.memory_space<vmem>>, vector<256x1x1000xf32>,
    %broadcast_in_dim3A_81 = arith.constant 0.000000e+00 : f32
    %broadcast_in_dim3A_82 = vector.broadcast %broadcast_in_dim3A_81 : f32 to vector<256x1000xf32>
    %slice3A_83 = vector.extract_strided_slice %get3A_6 {offsets = [0, 0, 0], sizes = [1, 256, 64], strides = [1, 1, 1]} : vector<8x256x64xf32> to vector<1x256x64xf32>
    %squeeze3A_84 = vector.shape_cast %slice3A_83 : vector<1x256x64xf32> to vector<256x64xf32>
    %slice3A_85 = vector.extract_strided_slice %get3A_2 {offsets = [1, 0, 0], sizes = [1, 64, 1000], strides = [1, 1, 1]} : vector<2x64x1111xf32> to vector<1x64x1000xf32>
    %squeeze3A_86 = vector.shape_cast %slice3A_85 : vector<1x64x1000xf32> to vector<64x1000xf32>
    %dot_general3A_87 = arith.constant dense<0.000000e+00> : vector<256x1000xf32>
    %dot_general3A_88 = tpu.matmul %squeeze3A_84, %squeeze3A_86, %dot_general3A_87 {dimension_numbers = #tpu.dot_dimension_numbers<[1], [0], [0], [1], [0, 0, 1, 1], [], []>, transpose_lhs_hint = false} : vector<256x64xf32>, vector<64x1000xf32>, vector<256x1000xf32> -> vector<256x1000xf32>
    %add3A_89 = arith.addf %broadcast_in_dim3A_82, %dot_general3A_88 : vector<256x1000xf32>
    %slice3A_90 = vector.extract_strided_slice %get3A_6 {offsets = [1, 0, 0], sizes = [1, 256, 64], strides = [1, 1, 1]} : vector<8x256x64xf32> to vector<1x256x64xf32>
    %squeeze3A_91 = vector.shape_cast %slice3A_90 : vector<1x256x64xf32> to vector<256x64xf32>
    %slice3A_92 = vector.extract_strided_slice %get3A_2 {offsets = [1, 0, 1], sizes = [1, 64, 1000], strides = [1, 1, 1]} : vector<2x64x1111xf32> to vector<1x64x1000xf32>
    %squeeze3A_93 = vector.shape_cast %slice3A_92 : vector<1x64x1000xf32> to vector<64x1000xf32>
    %dot_general3A_94 = arith.constant dense<0.000000e+00> : vector<256x1000xf32>
    %dot_general3A_95 = tpu.matmul %squeeze3A_91, %squeeze3A_93, %dot_general3A_94 {dimension_numbers = #tpu.dot_dimension_numbers<[1], [0], [0], [1], [0, 0, 1, 1], [], []>, transpose_lhs_hint = false} : vector<256x64xf32>, vector<64x1000xf32>, vector<256x1000xf32> -> vector<256x1000xf32>
    %add3A_96 = arith.addf %add3A_89, %dot_general3A_95 : vector<256x1000xf32>
    %slice3A_97 = vector.extract_strided_slice %get3A_6 {offsets = [2, 0, 0], sizes = [1, 256, 64], strides = [1, 1, 1]} : vector<8x256x64xf32> to vector<1x256x64xf32>
    %squeeze3A_98 = vector.shape_cast %slice3A_97 : vector<1x256x64xf32> to vector<256x64xf32>
    %slice3A_99 = vector.extract_strided_slice %get3A_2 {offsets = [1, 0, 10], sizes = [1, 64, 1000], strides = [1, 1, 1]} : vector<2x64x1111xf32> to vector<1x64x1000xf32>
    %squeeze3A_100 = vector.shape_cast %slice3A_99 : vector<1x64x1000xf32> to vector<64x1000xf32>
    %dot_general3A_101 = arith.constant dense<0.000000e+00> : vector<256x1000xf32>
    %dot_general3A_102 = tpu.matmul %squeeze3A_98, %squeeze3A_100, %dot_general3A_101 {dimension_numbers = #tpu.dot_dimension_numbers<[1], [0], [0], [1], [0, 0, 1, 1], [], []>, transpose_lhs_hint = false} : vector<256x64xf32>, vector<64x1000xf32>, vector<256x1000xf32> -> vector<256x1000xf32>
    %add3A_103 = arith.addf %add3A_96, %dot_general3A_102 : vector<256x1000xf32>
    %slice3A_104 = vector.extract_strided_slice %get3A_6 {offsets = [3, 0, 0], sizes = [1, 256, 64], strides = [1, 1, 1]} : vector<8x256x64xf32> to vector<1x256x64xf32>
    %squeeze3A_105 = vector.shape_cast %slice3A_104 : vector<1x256x64xf32> to vector<256x64xf32>
    %slice3A_106 = vector.extract_strided_slice %get3A_2 {offsets = [1, 0, 11], sizes = [1, 64, 1000], strides = [1, 1, 1]} : vector<2x64x1111xf32> to vector<1x64x1000xf32>
    %squeeze3A_107 = vector.shape_cast %slice3A_106 : vector<1x64x1000xf32> to vector<64x1000xf32>
    %dot_general3A_108 = arith.constant dense<0.000000e+00> : vector<256x1000xf32>
    %dot_general3A_109 = tpu.matmul %squeeze3A_105, %squeeze3A_107, %dot_general3A_108 {dimension_numbers = #tpu.dot_dimension_numbers<[1], [0], [0], [1], [0, 0, 1, 1], [], []>, transpose_lhs_hint = false} : vector<256x64xf32>, vector<64x1000xf32>, vector<256x1000xf32> -> vector<256x1000xf32>
    %add3A_110 = arith.addf %add3A_103, %dot_general3A_109 : vector<256x1000xf32>
    %slice3A_111 = vector.extract_strided_slice %get3A_6 {offsets = [4, 0, 0], sizes = [1, 256, 64], strides = [1, 1, 1]} : vector<8x256x64xf32> to vector<1x256x64xf32>
    %squeeze3A_112 = vector.shape_cast %slice3A_111 : vector<1x256x64xf32> to vector<256x64xf32>
    %slice3A_113 = vector.extract_strided_slice %get3A_2 {offsets = [1, 0, 100], sizes = [1, 64, 1000], strides = [1, 1, 1]} : vector<2x64x1111xf32> to vector<1x64x1000xf32>
    %squeeze3A_114 = vector.shape_cast %slice3A_113 : vector<1x64x1000xf32> to vector<64x1000xf32>
    %dot_general3A_115 = arith.constant dense<0.000000e+00> : vector<256x1000xf32>
    %dot_general3A_116 = tpu.matmul %squeeze3A_112, %squeeze3A_114, %dot_general3A_115 {dimension_numbers = #tpu.dot_dimension_numbers<[1], [0], [0], [1], [0, 0, 1, 1], [], []>, transpose_lhs_hint = false} : vector<256x64xf32>, vector<64x1000xf32>, vector<256x1000xf32> -> vector<256x1000xf32>
    %add3A_117 = arith.addf %add3A_110, %dot_general3A_116 : vector<256x1000xf32>
    %slice3A_118 = vector.extract_strided_slice %get3A_6 {offsets = [5, 0, 0], sizes = [1, 256, 64], strides = [1, 1, 1]} : vector<8x256x64xf32> to vector<1x256x64xf32>
    %squeeze3A_119 = vector.shape_cast %slice3A_118 : vector<1x256x64xf32> to vector<256x64xf32>
    %slice3A_120 = vector.extract_strided_slice %get3A_2 {offsets = [1, 0, 101], sizes = [1, 64, 1000], strides = [1, 1, 1]} : vector<2x64x1111xf32> to vector<1x64x1000xf32>
    %squeeze3A_121 = vector.shape_cast %slice3A_120 : vector<1x64x1000xf32> to vector<64x1000xf32>
    %dot_general3A_122 = arith.constant dense<0.000000e+00> : vector<256x1000xf32>
    %dot_general3A_123 = tpu.matmul %squeeze3A_119, %squeeze3A_121, %dot_general3A_122 {dimension_numbers = #tpu.dot_dimension_numbers<[1], [0], [0], [1], [0, 0, 1, 1], [], []>, transpose_lhs_hint = false} : vector<256x64xf32>, vector<64x1000xf32>, vector<256x1000xf32> -> vector<256x1000xf32>
    %add3A_124 = arith.addf %add3A_117, %dot_general3A_123 : vector<256x1000xf32>
    %slice3A_125 = vector.extract_strided_slice %get3A_6 {offsets = [6, 0, 0], sizes = [1, 256, 64], strides = [1, 1, 1]} : vector<8x256x64xf32> to vector<1x256x64xf32>
    %squeeze3A_126 = vector.shape_cast %slice3A_125 : vector<1x256x64xf32> to vector<256x64xf32>
    %slice3A_127 = vector.extract_strided_slice %get3A_2 {offsets = [1, 0, 110], sizes = [1, 64, 1000], strides = [1, 1, 1]} : vector<2x64x1111xf32> to vector<1x64x1000xf32>
    %squeeze3A_128 = vector.shape_cast %slice3A_127 : vector<1x64x1000xf32> to vector<64x1000xf32>
    %dot_general3A_129 = arith.constant dense<0.000000e+00> : vector<256x1000xf32>
    %dot_general3A_130 = tpu.matmul %squeeze3A_126, %squeeze3A_128, %dot_general3A_129 {dimension_numbers = #tpu.dot_dimension_numbers<[1], [0], [0], [1], [0, 0, 1, 1], [], []>, transpose_lhs_hint = false} : vector<256x64xf32>, vector<64x1000xf32>, vector<256x1000xf32> -> vector<256x1000xf32>
    %add3A_131 = arith.addf %add3A_124, %dot_general3A_130 : vector<256x1000xf32>
    %slice3A_132 = vector.extract_strided_slice %get3A_6 {offsets = [7, 0, 0], sizes = [1, 256, 64], strides = [1, 1, 1]} : vector<8x256x64xf32> to vector<1x256x64xf32>
    %squeeze3A_133 = vector.shape_cast %slice3A_132 : vector<1x256x64xf32> to vector<256x64xf32>
    %slice3A_134 = vector.extract_strided_slice %get3A_2 {offsets = [1, 0, 111], sizes = [1, 64, 1000], strides = [1, 1, 1]} : vector<2x64x1111xf32> to vector<1x64x1000xf32>
    %squeeze3A_135 = vector.shape_cast %slice3A_134 : vector<1x64x1000xf32> to vector<64x1000xf32>
    %dot_general3A_136 = arith.constant dense<0.000000e+00> : vector<256x1000xf32>
    %dot_general3A_137 = tpu.matmul %squeeze3A_133, %squeeze3A_135, %dot_general3A_136 {dimension_numbers = #tpu.dot_dimension_numbers<[1], [0], [0], [1], [0, 0, 1, 1], [], []>, transpose_lhs_hint = false} : vector<256x64xf32>, vector<64x1000xf32>, vector<256x1000xf32> -> vector<256x1000xf32>
    %add3A_138 = arith.addf %add3A_131, %dot_general3A_137 : vector<256x1000xf32>
    %get3A_139 = arith.constant 0 : index
    %get3A_140 = arith.constant 0 : index
    %get3A_141 = vector.load %arg2[%get3A_139, %get3A_140] : memref<256x1xf32, #tpu.memory_space<vmem>>, vector<256x1xf32>
    %add3A_142 = vector.broadcast %get3A_141 : vector<256x1xf32> to vector<256x1000xf32>
    %add3A_143 = arith.addf %add3A_138, %add3A_142 : vector<256x1000xf32>
    %max3A_144 = arith.constant 0.000000e+00 : f32
    %max3A_145 = vector.broadcast %max3A_144 : f32 to vector<256x1000xf32>
    %max3A_146 = arith.maximumf %add3A_143, %max3A_145 : vector<256x1000xf32>
    %slice3A_147 = vector.extract_strided_slice %max3A_146 {offsets = [0, 0], sizes = [32, 889], strides = [1, 1]} : vector<256x1000xf32> to vector<32x889xf32>
    %slice3A_148 = vector.extract_strided_slice %max3A_146 {offsets = [32, 1], sizes = [32, 889], strides = [1, 1]} : vector<256x1000xf32> to vector<32x889xf32>
    %slice3A_149 = vector.extract_strided_slice %max3A_146 {offsets = [64, 10], sizes = [32, 889], strides = [1, 1]} : vector<256x1000xf32> to vector<32x889xf32>
    %slice3A_150 = vector.extract_strided_slice %max3A_146 {offsets = [96, 11], sizes = [32, 889], strides = [1, 1]} : vector<256x1000xf32> to vector<32x889xf32>
    %slice3A_151 = vector.extract_strided_slice %max3A_146 {offsets = [128, 100], sizes = [32, 889], strides = [1, 1]} : vector<256x1000xf32> to vector<32x889xf32>
    %slice3A_152 = vector.extract_strided_slice %max3A_146 {offsets = [160, 101], sizes = [32, 889], strides = [1, 1]} : vector<256x1000xf32> to vector<32x889xf32>
    %slice3A_153 = vector.extract_strided_slice %max3A_146 {offsets = [192, 110], sizes = [32, 889], strides = [1, 1]} : vector<256x1000xf32> to vector<32x889xf32>
    %slice3A_154 = vector.extract_strided_slice %max3A_146 {offsets = [224, 111], sizes = [32, 889], strides = [1, 1]} : vector<256x1000xf32> to vector<32x889xf32>
    %concatenate3A_155 = tpu.concatenate %slice3A_147, %slice3A_148, %slice3A_149, %slice3A_150, %slice3A_151, %slice3A_152, %slice3A_153, %slice3A_154 in 0 : vector<32x889xf32>, vector<32x889xf32>, vector<32x889xf32>, vector<32x889xf32>, vector<32x889xf32>, vector<32x889xf32>, vector<32x889xf32>, vector<32x889xf32> -> vector<256x889xf32>
    %jit3A_156 = arith.constant 0 : i32
    %convert_element_type3A_157 = arith.sitofp %jit3A_156 : i32 to f32
    %pad3A_158 = vector.broadcast %convert_element_type3A_157 : f32 to vector<256x111xf32>
    %pad3A_159 = tpu.concatenate %concatenate3A_155, %pad3A_158 in 1 : vector<256x889xf32>, vector<256x111xf32> -> vector<256x1000xf32>
    %swap3A_160 = arith.constant 0 : index
    %swap3A_161 = arith.constant 1 : index
    %swap3A_162 = arith.constant 0 : index
    %swap3A_163 = vector.load %arg3[%swap3A_160, %swap3A_161, %swap3A_162] : memref<256x2x1000xf32, #tpu.memory_space<vmem>>, vector<256x1x1000xf32>
    %swap3A_164 = vector.shape_cast %swap3A_163 : vector<256x1x1000xf32> to vector<256x1000xf32>
    %swap3A_165 = vector.shape_cast %pad3A_159 : vector<256x1000xf32> to vector<256x1x1000xf32>
    tpu.vector_store %arg3[%swap3A_160, %swap3A_161, %swap3A_162], %swap3A_165 {strides = array<i32>} : memref<256x2x1000xf32, #tpu.memory_space<vmem>>, vector<256x1x1000xf32>,
    return
  }
}

module attributes {stable_mosaic.version = 14 : i64} {
  func.func @body(%arg0: memref<2x32x6175xf32, #tpu.memory_space<vmem>>, %arg1: memref<8x128x32xf32, #tpu.memory_space<vmem>>, %arg2: memref<128x1xf32, #tpu.memory_space<vmem>>, %arg3: memref<128x2x5832xf32, #tpu.memory_space<vmem>>) attributes {dimension_semantics = [], scalar_prefetch = 0 : i64, scratch_operands = 0 : i64, tpu.core_type = #tpu.core_type<tc>} {
    %get3A = arith.constant 0 : index
    %get3A_0 = arith.constant 0 : index
    %get3A_1 = arith.constant 0 : index
    %get3A_2 = vector.load %arg0[%get3A, %get3A_0, %get3A_1] : memref<2x32x6175xf32, #tpu.memory_space<vmem>>, vector<2x32x6175xf32>
    %get3A_3 = arith.constant 0 : index
    %get3A_4 = arith.constant 0 : index
    %get3A_5 = arith.constant 0 : index
    %get3A_6 = vector.load %arg1[%get3A_3, %get3A_4, %get3A_5] : memref<8x128x32xf32, #tpu.memory_space<vmem>>, vector<8x128x32xf32>
    %broadcast_in_dim3A = arith.constant 0.000000e+00 : f32
    %broadcast_in_dim3A_7 = vector.broadcast %broadcast_in_dim3A : f32 to vector<128x5832xf32>
    %slice3A = vector.extract_strided_slice %get3A_6 {offsets = [0, 0, 0], sizes = [1, 128, 32], strides = [1, 1, 1]} : vector<8x128x32xf32> to vector<1x128x32xf32>
    %squeeze3A = vector.shape_cast %slice3A : vector<1x128x32xf32> to vector<128x32xf32>
    %slice3A_8 = vector.extract_strided_slice %get3A_2 {offsets = [0, 0, 0], sizes = [1, 32, 5832], strides = [1, 1, 1]} : vector<2x32x6175xf32> to vector<1x32x5832xf32>
    %squeeze3A_9 = vector.shape_cast %slice3A_8 : vector<1x32x5832xf32> to vector<32x5832xf32>
    %dot_general3A = arith.constant dense<0.000000e+00> : vector<128x5832xf32>
    %dot_general3A_10 = tpu.matmul %squeeze3A, %squeeze3A_9, %dot_general3A {dimension_numbers = #tpu.dot_dimension_numbers<[1], [0], [0], [1], [0, 0, 1, 1], [], []>, transpose_lhs_hint = false} : vector<128x32xf32>, vector<32x5832xf32>, vector<128x5832xf32> -> vector<128x5832xf32>
    %add3A = arith.addf %broadcast_in_dim3A_7, %dot_general3A_10 : vector<128x5832xf32>
    %slice3A_11 = vector.extract_strided_slice %get3A_6 {offsets = [1, 0, 0], sizes = [1, 128, 32], strides = [1, 1, 1]} : vector<8x128x32xf32> to vector<1x128x32xf32>
    %squeeze3A_12 = vector.shape_cast %slice3A_11 : vector<1x128x32xf32> to vector<128x32xf32>
    %slice3A_13 = vector.extract_strided_slice %get3A_2 {offsets = [0, 0, 1], sizes = [1, 32, 5832], strides = [1, 1, 1]} : vector<2x32x6175xf32> to vector<1x32x5832xf32>
    %squeeze3A_14 = vector.shape_cast %slice3A_13 : vector<1x32x5832xf32> to vector<32x5832xf32>
    %dot_general3A_15 = arith.constant dense<0.000000e+00> : vector<128x5832xf32>
    %dot_general3A_16 = tpu.matmul %squeeze3A_12, %squeeze3A_14, %dot_general3A_15 {dimension_numbers = #tpu.dot_dimension_numbers<[1], [0], [0], [1], [0, 0, 1, 1], [], []>, transpose_lhs_hint = false} : vector<128x32xf32>, vector<32x5832xf32>, vector<128x5832xf32> -> vector<128x5832xf32>
    %add3A_17 = arith.addf %add3A, %dot_general3A_16 : vector<128x5832xf32>
    %slice3A_18 = vector.extract_strided_slice %get3A_6 {offsets = [2, 0, 0], sizes = [1, 128, 32], strides = [1, 1, 1]} : vector<8x128x32xf32> to vector<1x128x32xf32>
    %squeeze3A_19 = vector.shape_cast %slice3A_18 : vector<1x128x32xf32> to vector<128x32xf32>
    %slice3A_20 = vector.extract_strided_slice %get3A_2 {offsets = [0, 0, 18], sizes = [1, 32, 5832], strides = [1, 1, 1]} : vector<2x32x6175xf32> to vector<1x32x5832xf32>
    %squeeze3A_21 = vector.shape_cast %slice3A_20 : vector<1x32x5832xf32> to vector<32x5832xf32>
    %dot_general3A_22 = arith.constant dense<0.000000e+00> : vector<128x5832xf32>
    %dot_general3A_23 = tpu.matmul %squeeze3A_19, %squeeze3A_21, %dot_general3A_22 {dimension_numbers = #tpu.dot_dimension_numbers<[1], [0], [0], [1], [0, 0, 1, 1], [], []>, transpose_lhs_hint = false} : vector<128x32xf32>, vector<32x5832xf32>, vector<128x5832xf32> -> vector<128x5832xf32>
    %add3A_24 = arith.addf %add3A_17, %dot_general3A_23 : vector<128x5832xf32>
    %slice3A_25 = vector.extract_strided_slice %get3A_6 {offsets = [3, 0, 0], sizes = [1, 128, 32], strides = [1, 1, 1]} : vector<8x128x32xf32> to vector<1x128x32xf32>
    %squeeze3A_26 = vector.shape_cast %slice3A_25 : vector<1x128x32xf32> to vector<128x32xf32>
    %slice3A_27 = vector.extract_strided_slice %get3A_2 {offsets = [0, 0, 19], sizes = [1, 32, 5832], strides = [1, 1, 1]} : vector<2x32x6175xf32> to vector<1x32x5832xf32>
    %squeeze3A_28 = vector.shape_cast %slice3A_27 : vector<1x32x5832xf32> to vector<32x5832xf32>
    %dot_general3A_29 = arith.constant dense<0.000000e+00> : vector<128x5832xf32>
    %dot_general3A_30 = tpu.matmul %squeeze3A_26, %squeeze3A_28, %dot_general3A_29 {dimension_numbers = #tpu.dot_dimension_numbers<[1], [0], [0], [1], [0, 0, 1, 1], [], []>, transpose_lhs_hint = false} : vector<128x32xf32>, vector<32x5832xf32>, vector<128x5832xf32> -> vector<128x5832xf32>
    %add3A_31 = arith.addf %add3A_24, %dot_general3A_30 : vector<128x5832xf32>
    %slice3A_32 = vector.extract_strided_slice %get3A_6 {offsets = [4, 0, 0], sizes = [1, 128, 32], strides = [1, 1, 1]} : vector<8x128x32xf32> to vector<1x128x32xf32>
    %squeeze3A_33 = vector.shape_cast %slice3A_32 : vector<1x128x32xf32> to vector<128x32xf32>
    %slice3A_34 = vector.extract_strided_slice %get3A_2 {offsets = [0, 0, 324], sizes = [1, 32, 5832], strides = [1, 1, 1]} : vector<2x32x6175xf32> to vector<1x32x5832xf32>
    %squeeze3A_35 = vector.shape_cast %slice3A_34 : vector<1x32x5832xf32> to vector<32x5832xf32>
    %dot_general3A_36 = arith.constant dense<0.000000e+00> : vector<128x5832xf32>
    %dot_general3A_37 = tpu.matmul %squeeze3A_33, %squeeze3A_35, %dot_general3A_36 {dimension_numbers = #tpu.dot_dimension_numbers<[1], [0], [0], [1], [0, 0, 1, 1], [], []>, transpose_lhs_hint = false} : vector<128x32xf32>, vector<32x5832xf32>, vector<128x5832xf32> -> vector<128x5832xf32>
    %add3A_38 = arith.addf %add3A_31, %dot_general3A_37 : vector<128x5832xf32>
    %slice3A_39 = vector.extract_strided_slice %get3A_6 {offsets = [5, 0, 0], sizes = [1, 128, 32], strides = [1, 1, 1]} : vector<8x128x32xf32> to vector<1x128x32xf32>
    %squeeze3A_40 = vector.shape_cast %slice3A_39 : vector<1x128x32xf32> to vector<128x32xf32>
    %slice3A_41 = vector.extract_strided_slice %get3A_2 {offsets = [0, 0, 325], sizes = [1, 32, 5832], strides = [1, 1, 1]} : vector<2x32x6175xf32> to vector<1x32x5832xf32>
    %squeeze3A_42 = vector.shape_cast %slice3A_41 : vector<1x32x5832xf32> to vector<32x5832xf32>
    %dot_general3A_43 = arith.constant dense<0.000000e+00> : vector<128x5832xf32>
    %dot_general3A_44 = tpu.matmul %squeeze3A_40, %squeeze3A_42, %dot_general3A_43 {dimension_numbers = #tpu.dot_dimension_numbers<[1], [0], [0], [1], [0, 0, 1, 1], [], []>, transpose_lhs_hint = false} : vector<128x32xf32>, vector<32x5832xf32>, vector<128x5832xf32> -> vector<128x5832xf32>
    %add3A_45 = arith.addf %add3A_38, %dot_general3A_44 : vector<128x5832xf32>
    %slice3A_46 = vector.extract_strided_slice %get3A_6 {offsets = [6, 0, 0], sizes = [1, 128, 32], strides = [1, 1, 1]} : vector<8x128x32xf32> to vector<1x128x32xf32>
    %squeeze3A_47 = vector.shape_cast %slice3A_46 : vector<1x128x32xf32> to vector<128x32xf32>
    %slice3A_48 = vector.extract_strided_slice %get3A_2 {offsets = [0, 0, 342], sizes = [1, 32, 5832], strides = [1, 1, 1]} : vector<2x32x6175xf32> to vector<1x32x5832xf32>
    %squeeze3A_49 = vector.shape_cast %slice3A_48 : vector<1x32x5832xf32> to vector<32x5832xf32>
    %dot_general3A_50 = arith.constant dense<0.000000e+00> : vector<128x5832xf32>
    %dot_general3A_51 = tpu.matmul %squeeze3A_47, %squeeze3A_49, %dot_general3A_50 {dimension_numbers = #tpu.dot_dimension_numbers<[1], [0], [0], [1], [0, 0, 1, 1], [], []>, transpose_lhs_hint = false} : vector<128x32xf32>, vector<32x5832xf32>, vector<128x5832xf32> -> vector<128x5832xf32>
    %add3A_52 = arith.addf %add3A_45, %dot_general3A_51 : vector<128x5832xf32>
    %slice3A_53 = vector.extract_strided_slice %get3A_6 {offsets = [7, 0, 0], sizes = [1, 128, 32], strides = [1, 1, 1]} : vector<8x128x32xf32> to vector<1x128x32xf32>
    %squeeze3A_54 = vector.shape_cast %slice3A_53 : vector<1x128x32xf32> to vector<128x32xf32>
    %slice3A_55 = vector.extract_strided_slice %get3A_2 {offsets = [0, 0, 343], sizes = [1, 32, 5832], strides = [1, 1, 1]} : vector<2x32x6175xf32> to vector<1x32x5832xf32>
    %squeeze3A_56 = vector.shape_cast %slice3A_55 : vector<1x32x5832xf32> to vector<32x5832xf32>
    %dot_general3A_57 = arith.constant dense<0.000000e+00> : vector<128x5832xf32>
    %dot_general3A_58 = tpu.matmul %squeeze3A_54, %squeeze3A_56, %dot_general3A_57 {dimension_numbers = #tpu.dot_dimension_numbers<[1], [0], [0], [1], [0, 0, 1, 1], [], []>, transpose_lhs_hint = false} : vector<128x32xf32>, vector<32x5832xf32>, vector<128x5832xf32> -> vector<128x5832xf32>
    %add3A_59 = arith.addf %add3A_52, %dot_general3A_58 : vector<128x5832xf32>
    %get3A_60 = arith.constant 0 : index
    %get3A_61 = arith.constant 0 : index
    %get3A_62 = vector.load %arg2[%get3A_60, %get3A_61] : memref<128x1xf32, #tpu.memory_space<vmem>>, vector<128x1xf32>
    %add3A_63 = vector.broadcast %get3A_62 : vector<128x1xf32> to vector<128x5832xf32>
    %add3A_64 = arith.addf %add3A_59, %add3A_63 : vector<128x5832xf32>
    %max3A = arith.constant 0.000000e+00 : f32
    %max3A_65 = vector.broadcast %max3A : f32 to vector<128x5832xf32>
    %max3A_66 = arith.maximumf %add3A_64, %max3A_65 : vector<128x5832xf32>
    %slice3A_67 = vector.extract_strided_slice %max3A_66 {offsets = [0, 0], sizes = [16, 5489], strides = [1, 1]} : vector<128x5832xf32> to vector<16x5489xf32>
    %slice3A_68 = vector.extract_strided_slice %max3A_66 {offsets = [16, 1], sizes = [16, 5489], strides = [1, 1]} : vector<128x5832xf32> to vector<16x5489xf32>
    %slice3A_69 = vector.extract_strided_slice %max3A_66 {offsets = [32, 18], sizes = [16, 5489], strides = [1, 1]} : vector<128x5832xf32> to vector<16x5489xf32>
    %slice3A_70 = vector.extract_strided_slice %max3A_66 {offsets = [48, 19], sizes = [16, 5489], strides = [1, 1]} : vector<128x5832xf32> to vector<16x5489xf32>
    %slice3A_71 = vector.extract_strided_slice %max3A_66 {offsets = [64, 324], sizes = [16, 5489], strides = [1, 1]} : vector<128x5832xf32> to vector<16x5489xf32>
    %slice3A_72 = vector.extract_strided_slice %max3A_66 {offsets = [80, 325], sizes = [16, 5489], strides = [1, 1]} : vector<128x5832xf32> to vector<16x5489xf32>
    %slice3A_73 = vector.extract_strided_slice %max3A_66 {offsets = [96, 342], sizes = [16, 5489], strides = [1, 1]} : vector<128x5832xf32> to vector<16x5489xf32>
    %slice3A_74 = vector.extract_strided_slice %max3A_66 {offsets = [112, 343], sizes = [16, 5489], strides = [1, 1]} : vector<128x5832xf32> to vector<16x5489xf32>
    %concatenate3A = tpu.concatenate %slice3A_67, %slice3A_68, %slice3A_69, %slice3A_70, %slice3A_71, %slice3A_72, %slice3A_73, %slice3A_74 in 0 : vector<16x5489xf32>, vector<16x5489xf32>, vector<16x5489xf32>, vector<16x5489xf32>, vector<16x5489xf32>, vector<16x5489xf32>, vector<16x5489xf32>, vector<16x5489xf32> -> vector<128x5489xf32>
    %jit3A = arith.constant 0 : i32
    %convert_element_type3A = arith.sitofp %jit3A : i32 to f32
    %pad3A = vector.broadcast %convert_element_type3A : f32 to vector<128x343xf32>
    %pad3A_75 = tpu.concatenate %concatenate3A, %pad3A in 1 : vector<128x5489xf32>, vector<128x343xf32> -> vector<128x5832xf32>
    %swap3A = arith.constant 0 : index
    %swap3A_76 = arith.constant 0 : index
    %swap3A_77 = arith.constant 0 : index
    %swap3A_78 = vector.load %arg3[%swap3A, %swap3A_76, %swap3A_77] : memref<128x2x5832xf32, #tpu.memory_space<vmem>>, vector<128x1x5832xf32>
    %swap3A_79 = vector.shape_cast %swap3A_78 : vector<128x1x5832xf32> to vector<128x5832xf32>
    %swap3A_80 = vector.shape_cast %pad3A_75 : vector<128x5832xf32> to vector<128x1x5832xf32>
    tpu.vector_store %arg3[%swap3A, %swap3A_76, %swap3A_77], %swap3A_80 {strides = array<i32>} : memref<128x2x5832xf32, #tpu.memory_space<vmem>>, vector<128x1x5832xf32>,
    %broadcast_in_dim3A_81 = arith.constant 0.000000e+00 : f32
    %broadcast_in_dim3A_82 = vector.broadcast %broadcast_in_dim3A_81 : f32 to vector<128x5832xf32>
    %slice3A_83 = vector.extract_strided_slice %get3A_6 {offsets = [0, 0, 0], sizes = [1, 128, 32], strides = [1, 1, 1]} : vector<8x128x32xf32> to vector<1x128x32xf32>
    %squeeze3A_84 = vector.shape_cast %slice3A_83 : vector<1x128x32xf32> to vector<128x32xf32>
    %slice3A_85 = vector.extract_strided_slice %get3A_2 {offsets = [1, 0, 0], sizes = [1, 32, 5832], strides = [1, 1, 1]} : vector<2x32x6175xf32> to vector<1x32x5832xf32>
    %squeeze3A_86 = vector.shape_cast %slice3A_85 : vector<1x32x5832xf32> to vector<32x5832xf32>
    %dot_general3A_87 = arith.constant dense<0.000000e+00> : vector<128x5832xf32>
    %dot_general3A_88 = tpu.matmul %squeeze3A_84, %squeeze3A_86, %dot_general3A_87 {dimension_numbers = #tpu.dot_dimension_numbers<[1], [0], [0], [1], [0, 0, 1, 1], [], []>, transpose_lhs_hint = false} : vector<128x32xf32>, vector<32x5832xf32>, vector<128x5832xf32> -> vector<128x5832xf32>
    %add3A_89 = arith.addf %broadcast_in_dim3A_82, %dot_general3A_88 : vector<128x5832xf32>
    %slice3A_90 = vector.extract_strided_slice %get3A_6 {offsets = [1, 0, 0], sizes = [1, 128, 32], strides = [1, 1, 1]} : vector<8x128x32xf32> to vector<1x128x32xf32>
    %squeeze3A_91 = vector.shape_cast %slice3A_90 : vector<1x128x32xf32> to vector<128x32xf32>
    %slice3A_92 = vector.extract_strided_slice %get3A_2 {offsets = [1, 0, 1], sizes = [1, 32, 5832], strides = [1, 1, 1]} : vector<2x32x6175xf32> to vector<1x32x5832xf32>
    %squeeze3A_93 = vector.shape_cast %slice3A_92 : vector<1x32x5832xf32> to vector<32x5832xf32>
    %dot_general3A_94 = arith.constant dense<0.000000e+00> : vector<128x5832xf32>
    %dot_general3A_95 = tpu.matmul %squeeze3A_91, %squeeze3A_93, %dot_general3A_94 {dimension_numbers = #tpu.dot_dimension_numbers<[1], [0], [0], [1], [0, 0, 1, 1], [], []>, transpose_lhs_hint = false} : vector<128x32xf32>, vector<32x5832xf32>, vector<128x5832xf32> -> vector<128x5832xf32>
    %add3A_96 = arith.addf %add3A_89, %dot_general3A_95 : vector<128x5832xf32>
    %slice3A_97 = vector.extract_strided_slice %get3A_6 {offsets = [2, 0, 0], sizes = [1, 128, 32], strides = [1, 1, 1]} : vector<8x128x32xf32> to vector<1x128x32xf32>
    %squeeze3A_98 = vector.shape_cast %slice3A_97 : vector<1x128x32xf32> to vector<128x32xf32>
    %slice3A_99 = vector.extract_strided_slice %get3A_2 {offsets = [1, 0, 18], sizes = [1, 32, 5832], strides = [1, 1, 1]} : vector<2x32x6175xf32> to vector<1x32x5832xf32>
    %squeeze3A_100 = vector.shape_cast %slice3A_99 : vector<1x32x5832xf32> to vector<32x5832xf32>
    %dot_general3A_101 = arith.constant dense<0.000000e+00> : vector<128x5832xf32>
    %dot_general3A_102 = tpu.matmul %squeeze3A_98, %squeeze3A_100, %dot_general3A_101 {dimension_numbers = #tpu.dot_dimension_numbers<[1], [0], [0], [1], [0, 0, 1, 1], [], []>, transpose_lhs_hint = false} : vector<128x32xf32>, vector<32x5832xf32>, vector<128x5832xf32> -> vector<128x5832xf32>
    %add3A_103 = arith.addf %add3A_96, %dot_general3A_102 : vector<128x5832xf32>
    %slice3A_104 = vector.extract_strided_slice %get3A_6 {offsets = [3, 0, 0], sizes = [1, 128, 32], strides = [1, 1, 1]} : vector<8x128x32xf32> to vector<1x128x32xf32>
    %squeeze3A_105 = vector.shape_cast %slice3A_104 : vector<1x128x32xf32> to vector<128x32xf32>
    %slice3A_106 = vector.extract_strided_slice %get3A_2 {offsets = [1, 0, 19], sizes = [1, 32, 5832], strides = [1, 1, 1]} : vector<2x32x6175xf32> to vector<1x32x5832xf32>
    %squeeze3A_107 = vector.shape_cast %slice3A_106 : vector<1x32x5832xf32> to vector<32x5832xf32>
    %dot_general3A_108 = arith.constant dense<0.000000e+00> : vector<128x5832xf32>
    %dot_general3A_109 = tpu.matmul %squeeze3A_105, %squeeze3A_107, %dot_general3A_108 {dimension_numbers = #tpu.dot_dimension_numbers<[1], [0], [0], [1], [0, 0, 1, 1], [], []>, transpose_lhs_hint = false} : vector<128x32xf32>, vector<32x5832xf32>, vector<128x5832xf32> -> vector<128x5832xf32>
    %add3A_110 = arith.addf %add3A_103, %dot_general3A_109 : vector<128x5832xf32>
    %slice3A_111 = vector.extract_strided_slice %get3A_6 {offsets = [4, 0, 0], sizes = [1, 128, 32], strides = [1, 1, 1]} : vector<8x128x32xf32> to vector<1x128x32xf32>
    %squeeze3A_112 = vector.shape_cast %slice3A_111 : vector<1x128x32xf32> to vector<128x32xf32>
    %slice3A_113 = vector.extract_strided_slice %get3A_2 {offsets = [1, 0, 324], sizes = [1, 32, 5832], strides = [1, 1, 1]} : vector<2x32x6175xf32> to vector<1x32x5832xf32>
    %squeeze3A_114 = vector.shape_cast %slice3A_113 : vector<1x32x5832xf32> to vector<32x5832xf32>
    %dot_general3A_115 = arith.constant dense<0.000000e+00> : vector<128x5832xf32>
    %dot_general3A_116 = tpu.matmul %squeeze3A_112, %squeeze3A_114, %dot_general3A_115 {dimension_numbers = #tpu.dot_dimension_numbers<[1], [0], [0], [1], [0, 0, 1, 1], [], []>, transpose_lhs_hint = false} : vector<128x32xf32>, vector<32x5832xf32>, vector<128x5832xf32> -> vector<128x5832xf32>
    %add3A_117 = arith.addf %add3A_110, %dot_general3A_116 : vector<128x5832xf32>
    %slice3A_118 = vector.extract_strided_slice %get3A_6 {offsets = [5, 0, 0], sizes = [1, 128, 32], strides = [1, 1, 1]} : vector<8x128x32xf32> to vector<1x128x32xf32>
    %squeeze3A_119 = vector.shape_cast %slice3A_118 : vector<1x128x32xf32> to vector<128x32xf32>
    %slice3A_120 = vector.extract_strided_slice %get3A_2 {offsets = [1, 0, 325], sizes = [1, 32, 5832], strides = [1, 1, 1]} : vector<2x32x6175xf32> to vector<1x32x5832xf32>
    %squeeze3A_121 = vector.shape_cast %slice3A_120 : vector<1x32x5832xf32> to vector<32x5832xf32>
    %dot_general3A_122 = arith.constant dense<0.000000e+00> : vector<128x5832xf32>
    %dot_general3A_123 = tpu.matmul %squeeze3A_119, %squeeze3A_121, %dot_general3A_122 {dimension_numbers = #tpu.dot_dimension_numbers<[1], [0], [0], [1], [0, 0, 1, 1], [], []>, transpose_lhs_hint = false} : vector<128x32xf32>, vector<32x5832xf32>, vector<128x5832xf32> -> vector<128x5832xf32>
    %add3A_124 = arith.addf %add3A_117, %dot_general3A_123 : vector<128x5832xf32>
    %slice3A_125 = vector.extract_strided_slice %get3A_6 {offsets = [6, 0, 0], sizes = [1, 128, 32], strides = [1, 1, 1]} : vector<8x128x32xf32> to vector<1x128x32xf32>
    %squeeze3A_126 = vector.shape_cast %slice3A_125 : vector<1x128x32xf32> to vector<128x32xf32>
    %slice3A_127 = vector.extract_strided_slice %get3A_2 {offsets = [1, 0, 342], sizes = [1, 32, 5832], strides = [1, 1, 1]} : vector<2x32x6175xf32> to vector<1x32x5832xf32>
    %squeeze3A_128 = vector.shape_cast %slice3A_127 : vector<1x32x5832xf32> to vector<32x5832xf32>
    %dot_general3A_129 = arith.constant dense<0.000000e+00> : vector<128x5832xf32>
    %dot_general3A_130 = tpu.matmul %squeeze3A_126, %squeeze3A_128, %dot_general3A_129 {dimension_numbers = #tpu.dot_dimension_numbers<[1], [0], [0], [1], [0, 0, 1, 1], [], []>, transpose_lhs_hint = false} : vector<128x32xf32>, vector<32x5832xf32>, vector<128x5832xf32> -> vector<128x5832xf32>
    %add3A_131 = arith.addf %add3A_124, %dot_general3A_130 : vector<128x5832xf32>
    %slice3A_132 = vector.extract_strided_slice %get3A_6 {offsets = [7, 0, 0], sizes = [1, 128, 32], strides = [1, 1, 1]} : vector<8x128x32xf32> to vector<1x128x32xf32>
    %squeeze3A_133 = vector.shape_cast %slice3A_132 : vector<1x128x32xf32> to vector<128x32xf32>
    %slice3A_134 = vector.extract_strided_slice %get3A_2 {offsets = [1, 0, 343], sizes = [1, 32, 5832], strides = [1, 1, 1]} : vector<2x32x6175xf32> to vector<1x32x5832xf32>
    %squeeze3A_135 = vector.shape_cast %slice3A_134 : vector<1x32x5832xf32> to vector<32x5832xf32>
    %dot_general3A_136 = arith.constant dense<0.000000e+00> : vector<128x5832xf32>
    %dot_general3A_137 = tpu.matmul %squeeze3A_133, %squeeze3A_135, %dot_general3A_136 {dimension_numbers = #tpu.dot_dimension_numbers<[1], [0], [0], [1], [0, 0, 1, 1], [], []>, transpose_lhs_hint = false} : vector<128x32xf32>, vector<32x5832xf32>, vector<128x5832xf32> -> vector<128x5832xf32>
    %add3A_138 = arith.addf %add3A_131, %dot_general3A_137 : vector<128x5832xf32>
    %get3A_139 = arith.constant 0 : index
    %get3A_140 = arith.constant 0 : index
    %get3A_141 = vector.load %arg2[%get3A_139, %get3A_140] : memref<128x1xf32, #tpu.memory_space<vmem>>, vector<128x1xf32>
    %add3A_142 = vector.broadcast %get3A_141 : vector<128x1xf32> to vector<128x5832xf32>
    %add3A_143 = arith.addf %add3A_138, %add3A_142 : vector<128x5832xf32>
    %max3A_144 = arith.constant 0.000000e+00 : f32
    %max3A_145 = vector.broadcast %max3A_144 : f32 to vector<128x5832xf32>
    %max3A_146 = arith.maximumf %add3A_143, %max3A_145 : vector<128x5832xf32>
    %slice3A_147 = vector.extract_strided_slice %max3A_146 {offsets = [0, 0], sizes = [16, 5489], strides = [1, 1]} : vector<128x5832xf32> to vector<16x5489xf32>
    %slice3A_148 = vector.extract_strided_slice %max3A_146 {offsets = [16, 1], sizes = [16, 5489], strides = [1, 1]} : vector<128x5832xf32> to vector<16x5489xf32>
    %slice3A_149 = vector.extract_strided_slice %max3A_146 {offsets = [32, 18], sizes = [16, 5489], strides = [1, 1]} : vector<128x5832xf32> to vector<16x5489xf32>
    %slice3A_150 = vector.extract_strided_slice %max3A_146 {offsets = [48, 19], sizes = [16, 5489], strides = [1, 1]} : vector<128x5832xf32> to vector<16x5489xf32>
    %slice3A_151 = vector.extract_strided_slice %max3A_146 {offsets = [64, 324], sizes = [16, 5489], strides = [1, 1]} : vector<128x5832xf32> to vector<16x5489xf32>
    %slice3A_152 = vector.extract_strided_slice %max3A_146 {offsets = [80, 325], sizes = [16, 5489], strides = [1, 1]} : vector<128x5832xf32> to vector<16x5489xf32>
    %slice3A_153 = vector.extract_strided_slice %max3A_146 {offsets = [96, 342], sizes = [16, 5489], strides = [1, 1]} : vector<128x5832xf32> to vector<16x5489xf32>
    %slice3A_154 = vector.extract_strided_slice %max3A_146 {offsets = [112, 343], sizes = [16, 5489], strides = [1, 1]} : vector<128x5832xf32> to vector<16x5489xf32>
    %concatenate3A_155 = tpu.concatenate %slice3A_147, %slice3A_148, %slice3A_149, %slice3A_150, %slice3A_151, %slice3A_152, %slice3A_153, %slice3A_154 in 0 : vector<16x5489xf32>, vector<16x5489xf32>, vector<16x5489xf32>, vector<16x5489xf32>, vector<16x5489xf32>, vector<16x5489xf32>, vector<16x5489xf32>, vector<16x5489xf32> -> vector<128x5489xf32>
    %jit3A_156 = arith.constant 0 : i32
    %convert_element_type3A_157 = arith.sitofp %jit3A_156 : i32 to f32
    %pad3A_158 = vector.broadcast %convert_element_type3A_157 : f32 to vector<128x343xf32>
    %pad3A_159 = tpu.concatenate %concatenate3A_155, %pad3A_158 in 1 : vector<128x5489xf32>, vector<128x343xf32> -> vector<128x5832xf32>
    %swap3A_160 = arith.constant 0 : index
    %swap3A_161 = arith.constant 1 : index
    %swap3A_162 = arith.constant 0 : index
    %swap3A_163 = vector.load %arg3[%swap3A_160, %swap3A_161, %swap3A_162] : memref<128x2x5832xf32, #tpu.memory_space<vmem>>, vector<128x1x5832xf32>
    %swap3A_164 = vector.shape_cast %swap3A_163 : vector<128x1x5832xf32> to vector<128x5832xf32>
    %swap3A_165 = vector.shape_cast %pad3A_159 : vector<128x5832xf32> to vector<128x1x5832xf32>
    tpu.vector_store %arg3[%swap3A_160, %swap3A_161, %swap3A_162], %swap3A_165 {strides = array<i32>} : memref<128x2x5832xf32, #tpu.memory_space<vmem>>, vector<128x1x5832xf32>,
    return
  }
}

module attributes {stable_mosaic.version = 14 : i64} {
  func.func @body(%arg0: memref<2x16x40495xf32, #tpu.memory_space<vmem>>, %arg1: memref<8x8x16xf32, #tpu.memory_space<vmem>>, %arg2: memref<8x1xf32, #tpu.memory_space<vmem>>, %arg3: memref<8x2x39304xf32, #tpu.memory_space<vmem>>) attributes {dimension_semantics = [], scalar_prefetch = 0 : i64, scratch_operands = 0 : i64, tpu.core_type = #tpu.core_type<tc>} {
    %get3A = arith.constant 0 : index
    %get3A_0 = arith.constant 0 : index
    %get3A_1 = arith.constant 0 : index
    %get3A_2 = vector.load %arg0[%get3A, %get3A_0, %get3A_1] : memref<2x16x40495xf32, #tpu.memory_space<vmem>>, vector<2x16x40495xf32>
    %get3A_3 = arith.constant 0 : index
    %get3A_4 = arith.constant 0 : index
    %get3A_5 = arith.constant 0 : index
    %get3A_6 = vector.load %arg1[%get3A_3, %get3A_4, %get3A_5] : memref<8x8x16xf32, #tpu.memory_space<vmem>>, vector<8x8x16xf32>
    %broadcast_in_dim3A = arith.constant 0.000000e+00 : f32
    %broadcast_in_dim3A_7 = vector.broadcast %broadcast_in_dim3A : f32 to vector<8x39304xf32>
    %slice3A = vector.extract_strided_slice %get3A_6 {offsets = [0, 0, 0], sizes = [1, 8, 16], strides = [1, 1, 1]} : vector<8x8x16xf32> to vector<1x8x16xf32>
    %squeeze3A = vector.shape_cast %slice3A : vector<1x8x16xf32> to vector<8x16xf32>
    %slice3A_8 = vector.extract_strided_slice %get3A_2 {offsets = [0, 0, 0], sizes = [1, 16, 39304], strides = [1, 1, 1]} : vector<2x16x40495xf32> to vector<1x16x39304xf32>
    %squeeze3A_9 = vector.shape_cast %slice3A_8 : vector<1x16x39304xf32> to vector<16x39304xf32>
    %dot_general3A = arith.constant dense<0.000000e+00> : vector<8x39304xf32>
    %dot_general3A_10 = tpu.matmul %squeeze3A, %squeeze3A_9, %dot_general3A {dimension_numbers = #tpu.dot_dimension_numbers<[1], [0], [0], [1], [0, 0, 1, 1], [], []>, transpose_lhs_hint = false} : vector<8x16xf32>, vector<16x39304xf32>, vector<8x39304xf32> -> vector<8x39304xf32>
    %add3A = arith.addf %broadcast_in_dim3A_7, %dot_general3A_10 : vector<8x39304xf32>
    %slice3A_11 = vector.extract_strided_slice %get3A_6 {offsets = [1, 0, 0], sizes = [1, 8, 16], strides = [1, 1, 1]} : vector<8x8x16xf32> to vector<1x8x16xf32>
    %squeeze3A_12 = vector.shape_cast %slice3A_11 : vector<1x8x16xf32> to vector<8x16xf32>
    %slice3A_13 = vector.extract_strided_slice %get3A_2 {offsets = [0, 0, 1], sizes = [1, 16, 39304], strides = [1, 1, 1]} : vector<2x16x40495xf32> to vector<1x16x39304xf32>
    %squeeze3A_14 = vector.shape_cast %slice3A_13 : vector<1x16x39304xf32> to vector<16x39304xf32>
    %dot_general3A_15 = arith.constant dense<0.000000e+00> : vector<8x39304xf32>
    %dot_general3A_16 = tpu.matmul %squeeze3A_12, %squeeze3A_14, %dot_general3A_15 {dimension_numbers = #tpu.dot_dimension_numbers<[1], [0], [0], [1], [0, 0, 1, 1], [], []>, transpose_lhs_hint = false} : vector<8x16xf32>, vector<16x39304xf32>, vector<8x39304xf32> -> vector<8x39304xf32>
    %add3A_17 = arith.addf %add3A, %dot_general3A_16 : vector<8x39304xf32>
    %slice3A_18 = vector.extract_strided_slice %get3A_6 {offsets = [2, 0, 0], sizes = [1, 8, 16], strides = [1, 1, 1]} : vector<8x8x16xf32> to vector<1x8x16xf32>
    %squeeze3A_19 = vector.shape_cast %slice3A_18 : vector<1x8x16xf32> to vector<8x16xf32>
    %slice3A_20 = vector.extract_strided_slice %get3A_2 {offsets = [0, 0, 34], sizes = [1, 16, 39304], strides = [1, 1, 1]} : vector<2x16x40495xf32> to vector<1x16x39304xf32>
    %squeeze3A_21 = vector.shape_cast %slice3A_20 : vector<1x16x39304xf32> to vector<16x39304xf32>
    %dot_general3A_22 = arith.constant dense<0.000000e+00> : vector<8x39304xf32>
    %dot_general3A_23 = tpu.matmul %squeeze3A_19, %squeeze3A_21, %dot_general3A_22 {dimension_numbers = #tpu.dot_dimension_numbers<[1], [0], [0], [1], [0, 0, 1, 1], [], []>, transpose_lhs_hint = false} : vector<8x16xf32>, vector<16x39304xf32>, vector<8x39304xf32> -> vector<8x39304xf32>
    %add3A_24 = arith.addf %add3A_17, %dot_general3A_23 : vector<8x39304xf32>
    %slice3A_25 = vector.extract_strided_slice %get3A_6 {offsets = [3, 0, 0], sizes = [1, 8, 16], strides = [1, 1, 1]} : vector<8x8x16xf32> to vector<1x8x16xf32>
    %squeeze3A_26 = vector.shape_cast %slice3A_25 : vector<1x8x16xf32> to vector<8x16xf32>
    %slice3A_27 = vector.extract_strided_slice %get3A_2 {offsets = [0, 0, 35], sizes = [1, 16, 39304], strides = [1, 1, 1]} : vector<2x16x40495xf32> to vector<1x16x39304xf32>
    %squeeze3A_28 = vector.shape_cast %slice3A_27 : vector<1x16x39304xf32> to vector<16x39304xf32>
    %dot_general3A_29 = arith.constant dense<0.000000e+00> : vector<8x39304xf32>
    %dot_general3A_30 = tpu.matmul %squeeze3A_26, %squeeze3A_28, %dot_general3A_29 {dimension_numbers = #tpu.dot_dimension_numbers<[1], [0], [0], [1], [0, 0, 1, 1], [], []>, transpose_lhs_hint = false} : vector<8x16xf32>, vector<16x39304xf32>, vector<8x39304xf32> -> vector<8x39304xf32>
    %add3A_31 = arith.addf %add3A_24, %dot_general3A_30 : vector<8x39304xf32>
    %slice3A_32 = vector.extract_strided_slice %get3A_6 {offsets = [4, 0, 0], sizes = [1, 8, 16], strides = [1, 1, 1]} : vector<8x8x16xf32> to vector<1x8x16xf32>
    %squeeze3A_33 = vector.shape_cast %slice3A_32 : vector<1x8x16xf32> to vector<8x16xf32>
    %slice3A_34 = vector.extract_strided_slice %get3A_2 {offsets = [0, 0, 1156], sizes = [1, 16, 39304], strides = [1, 1, 1]} : vector<2x16x40495xf32> to vector<1x16x39304xf32>
    %squeeze3A_35 = vector.shape_cast %slice3A_34 : vector<1x16x39304xf32> to vector<16x39304xf32>
    %dot_general3A_36 = arith.constant dense<0.000000e+00> : vector<8x39304xf32>
    %dot_general3A_37 = tpu.matmul %squeeze3A_33, %squeeze3A_35, %dot_general3A_36 {dimension_numbers = #tpu.dot_dimension_numbers<[1], [0], [0], [1], [0, 0, 1, 1], [], []>, transpose_lhs_hint = false} : vector<8x16xf32>, vector<16x39304xf32>, vector<8x39304xf32> -> vector<8x39304xf32>
    %add3A_38 = arith.addf %add3A_31, %dot_general3A_37 : vector<8x39304xf32>
    %slice3A_39 = vector.extract_strided_slice %get3A_6 {offsets = [5, 0, 0], sizes = [1, 8, 16], strides = [1, 1, 1]} : vector<8x8x16xf32> to vector<1x8x16xf32>
    %squeeze3A_40 = vector.shape_cast %slice3A_39 : vector<1x8x16xf32> to vector<8x16xf32>
    %slice3A_41 = vector.extract_strided_slice %get3A_2 {offsets = [0, 0, 1157], sizes = [1, 16, 39304], strides = [1, 1, 1]} : vector<2x16x40495xf32> to vector<1x16x39304xf32>
    %squeeze3A_42 = vector.shape_cast %slice3A_41 : vector<1x16x39304xf32> to vector<16x39304xf32>
    %dot_general3A_43 = arith.constant dense<0.000000e+00> : vector<8x39304xf32>
    %dot_general3A_44 = tpu.matmul %squeeze3A_40, %squeeze3A_42, %dot_general3A_43 {dimension_numbers = #tpu.dot_dimension_numbers<[1], [0], [0], [1], [0, 0, 1, 1], [], []>, transpose_lhs_hint = false} : vector<8x16xf32>, vector<16x39304xf32>, vector<8x39304xf32> -> vector<8x39304xf32>
    %add3A_45 = arith.addf %add3A_38, %dot_general3A_44 : vector<8x39304xf32>
    %slice3A_46 = vector.extract_strided_slice %get3A_6 {offsets = [6, 0, 0], sizes = [1, 8, 16], strides = [1, 1, 1]} : vector<8x8x16xf32> to vector<1x8x16xf32>
    %squeeze3A_47 = vector.shape_cast %slice3A_46 : vector<1x8x16xf32> to vector<8x16xf32>
    %slice3A_48 = vector.extract_strided_slice %get3A_2 {offsets = [0, 0, 1190], sizes = [1, 16, 39304], strides = [1, 1, 1]} : vector<2x16x40495xf32> to vector<1x16x39304xf32>
    %squeeze3A_49 = vector.shape_cast %slice3A_48 : vector<1x16x39304xf32> to vector<16x39304xf32>
    %dot_general3A_50 = arith.constant dense<0.000000e+00> : vector<8x39304xf32>
    %dot_general3A_51 = tpu.matmul %squeeze3A_47, %squeeze3A_49, %dot_general3A_50 {dimension_numbers = #tpu.dot_dimension_numbers<[1], [0], [0], [1], [0, 0, 1, 1], [], []>, transpose_lhs_hint = false} : vector<8x16xf32>, vector<16x39304xf32>, vector<8x39304xf32> -> vector<8x39304xf32>
    %add3A_52 = arith.addf %add3A_45, %dot_general3A_51 : vector<8x39304xf32>
    %slice3A_53 = vector.extract_strided_slice %get3A_6 {offsets = [7, 0, 0], sizes = [1, 8, 16], strides = [1, 1, 1]} : vector<8x8x16xf32> to vector<1x8x16xf32>
    %squeeze3A_54 = vector.shape_cast %slice3A_53 : vector<1x8x16xf32> to vector<8x16xf32>
    %slice3A_55 = vector.extract_strided_slice %get3A_2 {offsets = [0, 0, 1191], sizes = [1, 16, 39304], strides = [1, 1, 1]} : vector<2x16x40495xf32> to vector<1x16x39304xf32>
    %squeeze3A_56 = vector.shape_cast %slice3A_55 : vector<1x16x39304xf32> to vector<16x39304xf32>
    %dot_general3A_57 = arith.constant dense<0.000000e+00> : vector<8x39304xf32>
    %dot_general3A_58 = tpu.matmul %squeeze3A_54, %squeeze3A_56, %dot_general3A_57 {dimension_numbers = #tpu.dot_dimension_numbers<[1], [0], [0], [1], [0, 0, 1, 1], [], []>, transpose_lhs_hint = false} : vector<8x16xf32>, vector<16x39304xf32>, vector<8x39304xf32> -> vector<8x39304xf32>
    %add3A_59 = arith.addf %add3A_52, %dot_general3A_58 : vector<8x39304xf32>
    %get3A_60 = arith.constant 0 : index
    %get3A_61 = arith.constant 0 : index
    %get3A_62 = vector.load %arg2[%get3A_60, %get3A_61] : memref<8x1xf32, #tpu.memory_space<vmem>>, vector<8x1xf32>
    %add3A_63 = vector.broadcast %get3A_62 : vector<8x1xf32> to vector<8x39304xf32>
    %add3A_64 = arith.addf %add3A_59, %add3A_63 : vector<8x39304xf32>
    %logistic3A = arith.negf %add3A_64 : vector<8x39304xf32>
    %logistic3A_65 = math.exp %logistic3A : vector<8x39304xf32>
    %logistic3A_66 = arith.constant 1.000000e+00 : f32
    %logistic3A_67 = vector.broadcast %logistic3A_66 : f32 to vector<8x39304xf32>
    %logistic3A_68 = arith.addf %logistic3A_67, %logistic3A_65 : vector<8x39304xf32>
    %logistic3A_69 = arith.divf %logistic3A_67, %logistic3A_68 : vector<8x39304xf32>
    %slice3A_70 = vector.extract_strided_slice %logistic3A_69 {offsets = [0, 0], sizes = [1, 38113], strides = [1, 1]} : vector<8x39304xf32> to vector<1x38113xf32>
    %slice3A_71 = vector.extract_strided_slice %logistic3A_69 {offsets = [1, 1], sizes = [1, 38113], strides = [1, 1]} : vector<8x39304xf32> to vector<1x38113xf32>
    %slice3A_72 = vector.extract_strided_slice %logistic3A_69 {offsets = [2, 34], sizes = [1, 38113], strides = [1, 1]} : vector<8x39304xf32> to vector<1x38113xf32>
    %slice3A_73 = vector.extract_strided_slice %logistic3A_69 {offsets = [3, 35], sizes = [1, 38113], strides = [1, 1]} : vector<8x39304xf32> to vector<1x38113xf32>
    %slice3A_74 = vector.extract_strided_slice %logistic3A_69 {offsets = [4, 1156], sizes = [1, 38113], strides = [1, 1]} : vector<8x39304xf32> to vector<1x38113xf32>
    %slice3A_75 = vector.extract_strided_slice %logistic3A_69 {offsets = [5, 1157], sizes = [1, 38113], strides = [1, 1]} : vector<8x39304xf32> to vector<1x38113xf32>
    %slice3A_76 = vector.extract_strided_slice %logistic3A_69 {offsets = [6, 1190], sizes = [1, 38113], strides = [1, 1]} : vector<8x39304xf32> to vector<1x38113xf32>
    %slice3A_77 = vector.extract_strided_slice %logistic3A_69 {offsets = [7, 1191], sizes = [1, 38113], strides = [1, 1]} : vector<8x39304xf32> to vector<1x38113xf32>
    %concatenate3A = tpu.concatenate %slice3A_70, %slice3A_71, %slice3A_72, %slice3A_73, %slice3A_74, %slice3A_75, %slice3A_76, %slice3A_77 in 0 : vector<1x38113xf32>, vector<1x38113xf32>, vector<1x38113xf32>, vector<1x38113xf32>, vector<1x38113xf32>, vector<1x38113xf32>, vector<1x38113xf32>, vector<1x38113xf32> -> vector<8x38113xf32>
    %jit3A = arith.constant 0 : i32
    %convert_element_type3A = arith.sitofp %jit3A : i32 to f32
    %pad3A = vector.broadcast %convert_element_type3A : f32 to vector<8x1191xf32>
    %pad3A_78 = tpu.concatenate %concatenate3A, %pad3A in 1 : vector<8x38113xf32>, vector<8x1191xf32> -> vector<8x39304xf32>
    %swap3A = arith.constant 0 : index
    %swap3A_79 = arith.constant 0 : index
    %swap3A_80 = arith.constant 0 : index
    %swap3A_81 = vector.load %arg3[%swap3A, %swap3A_79, %swap3A_80] : memref<8x2x39304xf32, #tpu.memory_space<vmem>>, vector<8x1x39304xf32>
    %swap3A_82 = vector.shape_cast %swap3A_81 : vector<8x1x39304xf32> to vector<8x39304xf32>
    %swap3A_83 = vector.shape_cast %pad3A_78 : vector<8x39304xf32> to vector<8x1x39304xf32>
    tpu.vector_store %arg3[%swap3A, %swap3A_79, %swap3A_80], %swap3A_83 {strides = array<i32>} : memref<8x2x39304xf32, #tpu.memory_space<vmem>>, vector<8x1x39304xf32>,
    %broadcast_in_dim3A_84 = arith.constant 0.000000e+00 : f32
    %broadcast_in_dim3A_85 = vector.broadcast %broadcast_in_dim3A_84 : f32 to vector<8x39304xf32>
    %slice3A_86 = vector.extract_strided_slice %get3A_6 {offsets = [0, 0, 0], sizes = [1, 8, 16], strides = [1, 1, 1]} : vector<8x8x16xf32> to vector<1x8x16xf32>
    %squeeze3A_87 = vector.shape_cast %slice3A_86 : vector<1x8x16xf32> to vector<8x16xf32>
    %slice3A_88 = vector.extract_strided_slice %get3A_2 {offsets = [1, 0, 0], sizes = [1, 16, 39304], strides = [1, 1, 1]} : vector<2x16x40495xf32> to vector<1x16x39304xf32>
    %squeeze3A_89 = vector.shape_cast %slice3A_88 : vector<1x16x39304xf32> to vector<16x39304xf32>
    %dot_general3A_90 = arith.constant dense<0.000000e+00> : vector<8x39304xf32>
    %dot_general3A_91 = tpu.matmul %squeeze3A_87, %squeeze3A_89, %dot_general3A_90 {dimension_numbers = #tpu.dot_dimension_numbers<[1], [0], [0], [1], [0, 0, 1, 1], [], []>, transpose_lhs_hint = false} : vector<8x16xf32>, vector<16x39304xf32>, vector<8x39304xf32> -> vector<8x39304xf32>
    %add3A_92 = arith.addf %broadcast_in_dim3A_85, %dot_general3A_91 : vector<8x39304xf32>
    %slice3A_93 = vector.extract_strided_slice %get3A_6 {offsets = [1, 0, 0], sizes = [1, 8, 16], strides = [1, 1, 1]} : vector<8x8x16xf32> to vector<1x8x16xf32>
    %squeeze3A_94 = vector.shape_cast %slice3A_93 : vector<1x8x16xf32> to vector<8x16xf32>
    %slice3A_95 = vector.extract_strided_slice %get3A_2 {offsets = [1, 0, 1], sizes = [1, 16, 39304], strides = [1, 1, 1]} : vector<2x16x40495xf32> to vector<1x16x39304xf32>
    %squeeze3A_96 = vector.shape_cast %slice3A_95 : vector<1x16x39304xf32> to vector<16x39304xf32>
    %dot_general3A_97 = arith.constant dense<0.000000e+00> : vector<8x39304xf32>
    %dot_general3A_98 = tpu.matmul %squeeze3A_94, %squeeze3A_96, %dot_general3A_97 {dimension_numbers = #tpu.dot_dimension_numbers<[1], [0], [0], [1], [0, 0, 1, 1], [], []>, transpose_lhs_hint = false} : vector<8x16xf32>, vector<16x39304xf32>, vector<8x39304xf32> -> vector<8x39304xf32>
    %add3A_99 = arith.addf %add3A_92, %dot_general3A_98 : vector<8x39304xf32>
    %slice3A_100 = vector.extract_strided_slice %get3A_6 {offsets = [2, 0, 0], sizes = [1, 8, 16], strides = [1, 1, 1]} : vector<8x8x16xf32> to vector<1x8x16xf32>
    %squeeze3A_101 = vector.shape_cast %slice3A_100 : vector<1x8x16xf32> to vector<8x16xf32>
    %slice3A_102 = vector.extract_strided_slice %get3A_2 {offsets = [1, 0, 34], sizes = [1, 16, 39304], strides = [1, 1, 1]} : vector<2x16x40495xf32> to vector<1x16x39304xf32>
    %squeeze3A_103 = vector.shape_cast %slice3A_102 : vector<1x16x39304xf32> to vector<16x39304xf32>
    %dot_general3A_104 = arith.constant dense<0.000000e+00> : vector<8x39304xf32>
    %dot_general3A_105 = tpu.matmul %squeeze3A_101, %squeeze3A_103, %dot_general3A_104 {dimension_numbers = #tpu.dot_dimension_numbers<[1], [0], [0], [1], [0, 0, 1, 1], [], []>, transpose_lhs_hint = false} : vector<8x16xf32>, vector<16x39304xf32>, vector<8x39304xf32> -> vector<8x39304xf32>
    %add3A_106 = arith.addf %add3A_99, %dot_general3A_105 : vector<8x39304xf32>
    %slice3A_107 = vector.extract_strided_slice %get3A_6 {offsets = [3, 0, 0], sizes = [1, 8, 16], strides = [1, 1, 1]} : vector<8x8x16xf32> to vector<1x8x16xf32>
    %squeeze3A_108 = vector.shape_cast %slice3A_107 : vector<1x8x16xf32> to vector<8x16xf32>
    %slice3A_109 = vector.extract_strided_slice %get3A_2 {offsets = [1, 0, 35], sizes = [1, 16, 39304], strides = [1, 1, 1]} : vector<2x16x40495xf32> to vector<1x16x39304xf32>
    %squeeze3A_110 = vector.shape_cast %slice3A_109 : vector<1x16x39304xf32> to vector<16x39304xf32>
    %dot_general3A_111 = arith.constant dense<0.000000e+00> : vector<8x39304xf32>
    %dot_general3A_112 = tpu.matmul %squeeze3A_108, %squeeze3A_110, %dot_general3A_111 {dimension_numbers = #tpu.dot_dimension_numbers<[1], [0], [0], [1], [0, 0, 1, 1], [], []>, transpose_lhs_hint = false} : vector<8x16xf32>, vector<16x39304xf32>, vector<8x39304xf32> -> vector<8x39304xf32>
    %add3A_113 = arith.addf %add3A_106, %dot_general3A_112 : vector<8x39304xf32>
    %slice3A_114 = vector.extract_strided_slice %get3A_6 {offsets = [4, 0, 0], sizes = [1, 8, 16], strides = [1, 1, 1]} : vector<8x8x16xf32> to vector<1x8x16xf32>
    %squeeze3A_115 = vector.shape_cast %slice3A_114 : vector<1x8x16xf32> to vector<8x16xf32>
    %slice3A_116 = vector.extract_strided_slice %get3A_2 {offsets = [1, 0, 1156], sizes = [1, 16, 39304], strides = [1, 1, 1]} : vector<2x16x40495xf32> to vector<1x16x39304xf32>
    %squeeze3A_117 = vector.shape_cast %slice3A_116 : vector<1x16x39304xf32> to vector<16x39304xf32>
    %dot_general3A_118 = arith.constant dense<0.000000e+00> : vector<8x39304xf32>
    %dot_general3A_119 = tpu.matmul %squeeze3A_115, %squeeze3A_117, %dot_general3A_118 {dimension_numbers = #tpu.dot_dimension_numbers<[1], [0], [0], [1], [0, 0, 1, 1], [], []>, transpose_lhs_hint = false} : vector<8x16xf32>, vector<16x39304xf32>, vector<8x39304xf32> -> vector<8x39304xf32>
    %add3A_120 = arith.addf %add3A_113, %dot_general3A_119 : vector<8x39304xf32>
    %slice3A_121 = vector.extract_strided_slice %get3A_6 {offsets = [5, 0, 0], sizes = [1, 8, 16], strides = [1, 1, 1]} : vector<8x8x16xf32> to vector<1x8x16xf32>
    %squeeze3A_122 = vector.shape_cast %slice3A_121 : vector<1x8x16xf32> to vector<8x16xf32>
    %slice3A_123 = vector.extract_strided_slice %get3A_2 {offsets = [1, 0, 1157], sizes = [1, 16, 39304], strides = [1, 1, 1]} : vector<2x16x40495xf32> to vector<1x16x39304xf32>
    %squeeze3A_124 = vector.shape_cast %slice3A_123 : vector<1x16x39304xf32> to vector<16x39304xf32>
    %dot_general3A_125 = arith.constant dense<0.000000e+00> : vector<8x39304xf32>
    %dot_general3A_126 = tpu.matmul %squeeze3A_122, %squeeze3A_124, %dot_general3A_125 {dimension_numbers = #tpu.dot_dimension_numbers<[1], [0], [0], [1], [0, 0, 1, 1], [], []>, transpose_lhs_hint = false} : vector<8x16xf32>, vector<16x39304xf32>, vector<8x39304xf32> -> vector<8x39304xf32>
    %add3A_127 = arith.addf %add3A_120, %dot_general3A_126 : vector<8x39304xf32>
    %slice3A_128 = vector.extract_strided_slice %get3A_6 {offsets = [6, 0, 0], sizes = [1, 8, 16], strides = [1, 1, 1]} : vector<8x8x16xf32> to vector<1x8x16xf32>
    %squeeze3A_129 = vector.shape_cast %slice3A_128 : vector<1x8x16xf32> to vector<8x16xf32>
    %slice3A_130 = vector.extract_strided_slice %get3A_2 {offsets = [1, 0, 1190], sizes = [1, 16, 39304], strides = [1, 1, 1]} : vector<2x16x40495xf32> to vector<1x16x39304xf32>
    %squeeze3A_131 = vector.shape_cast %slice3A_130 : vector<1x16x39304xf32> to vector<16x39304xf32>
    %dot_general3A_132 = arith.constant dense<0.000000e+00> : vector<8x39304xf32>
    %dot_general3A_133 = tpu.matmul %squeeze3A_129, %squeeze3A_131, %dot_general3A_132 {dimension_numbers = #tpu.dot_dimension_numbers<[1], [0], [0], [1], [0, 0, 1, 1], [], []>, transpose_lhs_hint = false} : vector<8x16xf32>, vector<16x39304xf32>, vector<8x39304xf32> -> vector<8x39304xf32>
    %add3A_134 = arith.addf %add3A_127, %dot_general3A_133 : vector<8x39304xf32>
    %slice3A_135 = vector.extract_strided_slice %get3A_6 {offsets = [7, 0, 0], sizes = [1, 8, 16], strides = [1, 1, 1]} : vector<8x8x16xf32> to vector<1x8x16xf32>
    %squeeze3A_136 = vector.shape_cast %slice3A_135 : vector<1x8x16xf32> to vector<8x16xf32>
    %slice3A_137 = vector.extract_strided_slice %get3A_2 {offsets = [1, 0, 1191], sizes = [1, 16, 39304], strides = [1, 1, 1]} : vector<2x16x40495xf32> to vector<1x16x39304xf32>
    %squeeze3A_138 = vector.shape_cast %slice3A_137 : vector<1x16x39304xf32> to vector<16x39304xf32>
    %dot_general3A_139 = arith.constant dense<0.000000e+00> : vector<8x39304xf32>
    %dot_general3A_140 = tpu.matmul %squeeze3A_136, %squeeze3A_138, %dot_general3A_139 {dimension_numbers = #tpu.dot_dimension_numbers<[1], [0], [0], [1], [0, 0, 1, 1], [], []>, transpose_lhs_hint = false} : vector<8x16xf32>, vector<16x39304xf32>, vector<8x39304xf32> -> vector<8x39304xf32>
    %add3A_141 = arith.addf %add3A_134, %dot_general3A_140 : vector<8x39304xf32>
    %get3A_142 = arith.constant 0 : index
    %get3A_143 = arith.constant 0 : index
    %get3A_144 = vector.load %arg2[%get3A_142, %get3A_143] : memref<8x1xf32, #tpu.memory_space<vmem>>, vector<8x1xf32>
    %add3A_145 = vector.broadcast %get3A_144 : vector<8x1xf32> to vector<8x39304xf32>
    %add3A_146 = arith.addf %add3A_141, %add3A_145 : vector<8x39304xf32>
    %logistic3A_147 = arith.negf %add3A_146 : vector<8x39304xf32>
    %logistic3A_148 = math.exp %logistic3A_147 : vector<8x39304xf32>
    %logistic3A_149 = arith.constant 1.000000e+00 : f32
    %logistic3A_150 = vector.broadcast %logistic3A_149 : f32 to vector<8x39304xf32>
    %logistic3A_151 = arith.addf %logistic3A_150, %logistic3A_148 : vector<8x39304xf32>
    %logistic3A_152 = arith.divf %logistic3A_150, %logistic3A_151 : vector<8x39304xf32>
    %slice3A_153 = vector.extract_strided_slice %logistic3A_152 {offsets = [0, 0], sizes = [1, 38113], strides = [1, 1]} : vector<8x39304xf32> to vector<1x38113xf32>
    %slice3A_154 = vector.extract_strided_slice %logistic3A_152 {offsets = [1, 1], sizes = [1, 38113], strides = [1, 1]} : vector<8x39304xf32> to vector<1x38113xf32>
    %slice3A_155 = vector.extract_strided_slice %logistic3A_152 {offsets = [2, 34], sizes = [1, 38113], strides = [1, 1]} : vector<8x39304xf32> to vector<1x38113xf32>
    %slice3A_156 = vector.extract_strided_slice %logistic3A_152 {offsets = [3, 35], sizes = [1, 38113], strides = [1, 1]} : vector<8x39304xf32> to vector<1x38113xf32>
    %slice3A_157 = vector.extract_strided_slice %logistic3A_152 {offsets = [4, 1156], sizes = [1, 38113], strides = [1, 1]} : vector<8x39304xf32> to vector<1x38113xf32>
    %slice3A_158 = vector.extract_strided_slice %logistic3A_152 {offsets = [5, 1157], sizes = [1, 38113], strides = [1, 1]} : vector<8x39304xf32> to vector<1x38113xf32>
    %slice3A_159 = vector.extract_strided_slice %logistic3A_152 {offsets = [6, 1190], sizes = [1, 38113], strides = [1, 1]} : vector<8x39304xf32> to vector<1x38113xf32>
    %slice3A_160 = vector.extract_strided_slice %logistic3A_152 {offsets = [7, 1191], sizes = [1, 38113], strides = [1, 1]} : vector<8x39304xf32> to vector<1x38113xf32>
    %concatenate3A_161 = tpu.concatenate %slice3A_153, %slice3A_154, %slice3A_155, %slice3A_156, %slice3A_157, %slice3A_158, %slice3A_159, %slice3A_160 in 0 : vector<1x38113xf32>, vector<1x38113xf32>, vector<1x38113xf32>, vector<1x38113xf32>, vector<1x38113xf32>, vector<1x38113xf32>, vector<1x38113xf32>, vector<1x38113xf32> -> vector<8x38113xf32>
    %jit3A_162 = arith.constant 0 : i32
    %convert_element_type3A_163 = arith.sitofp %jit3A_162 : i32 to f32
    %pad3A_164 = vector.broadcast %convert_element_type3A_163 : f32 to vector<8x1191xf32>
    %pad3A_165 = tpu.concatenate %concatenate3A_161, %pad3A_164 in 1 : vector<8x38113xf32>, vector<8x1191xf32> -> vector<8x39304xf32>
    %swap3A_166 = arith.constant 0 : index
    %swap3A_167 = arith.constant 1 : index
    %swap3A_168 = arith.constant 0 : index
    %swap3A_169 = vector.load %arg3[%swap3A_166, %swap3A_167, %swap3A_168] : memref<8x2x39304xf32, #tpu.memory_space<vmem>>, vector<8x1x39304xf32>
    %swap3A_170 = vector.shape_cast %swap3A_169 : vector<8x1x39304xf32> to vector<8x39304xf32>
    %swap3A_171 = vector.shape_cast %pad3A_165 : vector<8x39304xf32> to vector<8x1x39304xf32>
    tpu.vector_store %arg3[%swap3A_166, %swap3A_167, %swap3A_168], %swap3A_171 {strides = array<i32>} : memref<8x2x39304xf32, #tpu.memory_space<vmem>>, vector<8x1x39304xf32>,
    return
  }
}

</mosaic_0001>

<sc_bundles>
// kernel: kernel.10.cloned.1.call-start
scs
__scs_entry_jumppad:
0x0: {  	(pc) =	sbr.rel $0x88, $3  }
0x1: {  	(tag) =	ssettag $0x0;
	lr =	simm.s32 $0x1  }
0x2: {  	[smem:$0x3F93] =	sst lr;
	_ =	strace $0xD0000000  }
0x3: {  	_ = 	snop  }
0x4: {  	_ = 	snop  }
0x5: {  	_ = 	snop  }
0x6: {  	_ = 	snop  }
0x7: {  	_ = 	snop  }
__scs_overlays_trampoline_lowered:
0x8: {  	[smem:$0x3FA2] =	sst s0  }
0x9: {  	[smem:$0x3FA3] =	sst s1  }
0xa: {  	[smem:$0x3FA4] =	sst s2  }
0xb: {  	[smem:$0x3FA5] =	sst s3  }
0xc: {  	[smem:$0x3FA6] =	sst s4  }
0xd: {  	[smem:$0x3FA7] =	sst s5  }
0xe: {  	[smem:$0x3FA8] =	sst s6  }
0xf: {  	[smem:$0x3FA9] =	sst s7  }
0x10: {  	[smem:$0x3FAA] =	sst s8  }
0x11: {  	[smem:$0x3FAB] =	sst s9;
	s0 =	simm.s32 @!p0 $0x0  }
0x12: {  	s1 =	sld [smem:$0x3F91];
	s0 =	simm.s32 @p0 $0x1  }
0x13: {  	[smem:$0x3FAC] =	sst s0;
	s0 =	simm.s32 @!p1 $0x0  }
0x14: {  	s2 =	sld [smem:$0x3F90];
	s0 =	simm.s32 @p1 $0x1  }
0x15: {  	[smem:$0x3FAD] =	sst s0;
	s0 =	simm.s32 @!p2 $0x0  }
0x16: {  	s3 =	sld [smem:$0x3FDB];
	s0 =	simm.s32 @p2 $0x1  }
0x17: {  	s4 =	simm.s32 $0x1BF5;
	[smem:$0x3FAF] =	sst s0  }
0x18: {  	s0 =	sld [smem:$0x3F92];
	_ =	swait.ge [sflag:s4], $0x0  }
0x19: {  	s7 =	sld [smem:$0x3F93]  }
0x1a: {  	s8 =	sadd.s32 $0xFFFFE003, lr  }
0x1b: {  	s9 =	sadd.s32 $0xFFFFFEF7, lr;
	s5 =	simm.s32 $0xFFFFFFFF;
	p2 =	slt.u32 s8, $0xFFFFF086  }
0x1c: {  	p1 =	slt.u32 s9, $0xF7A;
	s5 =	simm.s32 @!p2 $0x0  }
0x1d: {  	s5 =	simm.s32 @p1 $0x1;
	p0 =	seq.s32 s7, s2  }
0x1e: {  	s7 =	smul.u32 @!p0 $0xF7A, s2;
	p2 =	seq.s32 @!p0 s5, $0x0  }
0x1f: {  	s9 =	smul.u32 $0xF7A, s1;
	s8 =	simm.s32 @!p0 $0x1BF5;
	p2 =	por !p2, p0  }
0x20: {  	[sflag:s8] =	ssyncset.s32 @!p0 $0xFFFFF086;
	s6 =	sadd.s32 @!p0 s3, s7;
	s7 =	simm.s32 @!p0 $0x108  }
0x21: {  	s3 =	sadd.s32 s3, s9;
	s6 =	sadd.s32 @!p0 $0x88, s6;
	s7 =	simm.s32 @p2 $0x1082  }
0x22: {  	[simem:s7], [sflag:s8] =	dma.local @!p0 [hbm:s6], $0xF7A  }
0x23: {  	s9 =	sor.u32 $0xD0000000, s2;
	s6 =	simm.s32 $0x108;
	_ =	swait.ge @!p0 [sflag:s8], $0x0  }
0x24: {  	s3 =	sadd.s32 $0x88, s3;
	s6 =	simm.s32 @!p1 $0x1082;
	[sflag:s4] =	ssyncset.s32 $0xFFFFF086  }
0x25: {  	[simem:s6], [sflag:s4] =	dma.local [hbm:s3], $0xF7A  }
0x26: {  	[smem:$0x3F93] =	sst s1;
	(tag) =	ssettag s2;
	_ =	strace s9  }
0x27: {  	s1 =	sld [smem:$0x3FA3]  }
0x28: {  	s2 =	sld [smem:$0x3FA4]  }
0x29: {  	s4 =	sld [smem:$0x3FA6]  }
0x2a: {  	p0 =	seq.s32 s5, $0x0;
	s5 =	sld [smem:$0x3FA7]  }
0x2b: {  	s6 =	sld [smem:$0x3FA8]  }
0x2c: {  	s7 =	sld [smem:$0x3FA9]  }
0x2d: {  	s3 =	simm.s32 $0x108;
	s8 =	sld [smem:$0x3FAA]  }
0x2e: {  	s3 =	simm.s32 @!p0 $0x1082;
	s9 =	sld [smem:$0x3FAB]  }
0x2f: {  	lr =	sadd.s32 s0, s3;
	s0 =	sld [smem:$0x3FA2]  }
0x30: {  	s3 =	sld [smem:$0x3FA5]  }
0x31: {  	[smem:$0x3FAE] =	sst s10  }
0x32: {  	s10 =	sld [smem:$0x3FAC];
	_ =	sdelay $0x3  }
0x33: {  	p0 =	seq.s32 s10, $0x1;
	s10 =	sld [smem:$0x3FAE];
	_ =	sdelay $0x3  }
0x34: {  	[smem:$0x3FAE] =	sst s10  }
0x35: {  	s10 =	sld [smem:$0x3FAD];
	_ =	sdelay $0x3  }
0x36: {  	p1 =	seq.s32 s10, $0x1;
	s10 =	sld [smem:$0x3FAE];
	_ =	sdelay $0x3  }
0x37: {  	[smem:$0x3FAE] =	sst s10  }
0x38: {  	s10 =	sld [smem:$0x3FAF]  }
0x39: {  	_ = 	snop;
	(pc) =	sbr.ind lr, $3  }
0x3a: {  	_ = 	snop  }
0x3b: {  	_ = 	snop  }
0x3c: {  	p2 =	seq.s32 s10, $0x1;
	s10 =	sld [smem:$0x3FAE]  }
0x3d: {  	_ =	shalt  }
0x3e: {  	_ =	shalt  }
0x3f: {  	_ =	shalt  }
0x40: {  	_ =	shalt  }
0x41: {  	_ =	shalt  }
0x42: {  	_ =	shalt  }
0x43: {  	_ =	shalt  }
0x44: {  	_ =	shalt  }
0x45: {  	_ =	shalt  }
0x46: {  	_ =	shalt  }
0x47: {  	_ =	shalt  }
0x48: {  	_ =	shalt  }
0x49: {  	_ =	shalt  }
0x4a: {  	_ =	shalt  }
0x4b: {  	_ =	shalt  }
0x4c: {  	_ =	shalt  }
0x4d: {  	_ =	shalt  }
0x4e: {  	_ =	shalt  }
0x4f: {  	_ =	shalt  }
0x50: {  	_ =	shalt  }
0x51: {  	_ =	shalt  }
0x52: {  	_ =	shalt  }
0x53: {  	_ =	shalt  }
0x54: {  	_ =	shalt  }
0x55: {  	_ =	shalt  }
0x56: {  	_ =	shalt  }
0x57: {  	_ =	shalt  }
0x58: {  	_ =	shalt  }
0x59: {  	_ =	shalt  }
0x5a: {  	_ =	shalt  }
0x5b: {  	_ =	shalt  }
0x5c: {  	_ =	shalt  }
0x5d: {  	_ =	shalt  }
0x5e: {  	_ =	shalt  }
0x5f: {  	_ =	shalt  }
0x60: {  	_ =	shalt  }
0x61: {  	_ =	shalt  }
0x62: {  	_ =	shalt  }
0x63: {  	_ =	shalt  }
0x64: {  	_ =	shalt  }
0x65: {  	_ =	shalt  }
0x66: {  	_ =	shalt  }
0x67: {  	_ =	shalt  }
0x68: {  	_ =	shalt  }
0x69: {  	_ =	shalt  }
0x6a: {  	_ =	shalt  }
0x6b: {  	_ =	shalt  }
0x6c: {  	_ =	shalt  }
0x6d: {  	_ =	shalt  }
0x6e: {  	_ =	shalt  }
0x6f: {  	_ =	shalt  }
0x70: {  	_ =	shalt  }
0x71: {  	_ =	shalt  }
0x72: {  	_ =	shalt  }
0x73: {  	_ =	shalt  }
0x74: {  	_ =	shalt  }
0x75: {  	_ =	shalt  }
0x76: {  	_ =	shalt  }
0x77: {  	_ =	shalt  }
0x78: {  	_ =	shalt  }
0x79: {  	_ =	shalt  }
0x7a: {  	_ =	shalt  }
0x7b: {  	_ =	shalt  }
0x7c: {  	_ =	shalt  }
0x7d: {  	_ =	shalt  }
0x7e: {  	_ =	shalt  }
0x7f: {  	_ =	shalt  }
0x80: {  	_ =	shalt  }
0x81: {  	_ =	shalt  }
0x82: {  	_ =	shalt  }
0x83: {  	_ =	shalt  }
0x84: {  	_ =	shalt  }
0x85: {  	_ =	shalt  }
0x86: {  	_ =	shalt  }
0x87: {  	_ =	shalt  }
.Lfunc_end0:
.L_simem_size_0:
called_computation_lowered:
.L_overlay_start_0:
0x88: {  	s2 =	sld [smem:$0x3FD9]  }
0x89: {  	s3 =	sld [smem:$0x3FFE];
	_ =	sdelay $0x1  }
0x8a: {  	s1 =	srdreg.scid  }
0x8b: {  	s0 =	sand.u32 $0x1, s1  }
0x8c: {  	s14 =	sshll.u32 s0, $0xA;
	s2 =	sadd.s32 s3, s2  }
0x8d: {  	s2 =	sadd.s32 s2, s14  }
0x8e: {  	[smem:$0x3FBA] =	sst s2  }
0x8f: {  	_ = 	snop  }
0x90: {  	s2 =	sld [smem:$0x3FD0];
	_ =	sdelay $0x2  }
0x91: {  	s15 =	simm.s32 $0xA;
	s4 =	simm.s32 $0x10  }
0x92: {  	[smem:s4], [sflag:s15] =	dma.local [hbm:s2], $0x1  }
0x93: {  	_ =	swait.eq [sflag:s15], $0x1  }
0x94: {  	[sflag:s15] =	ssyncset.done $0x0  }
0x95: {  	s16 =	sld [smem:$0x10];
	[sflag:s15] =	ssyncadd.s32 $0xFFFFFFFF  }
0x96: {  	s17 =	sld [smem:$0x11];
	(tm) =	ssettm $0x1  }
0x97: {  	s18 =	sld [smem:$0x3FFB];
	_ =	sdelay $0x3  }
0x98: {  	_ =	strace s18  }
0x99: {  	s4 =	sld [smem:$0x3FFC];
	_ =	sdelay $0x3  }
0x9a: {  	_ =	strace s4  }
0x9b: {  	s4 =	sld [smem:$0x3FFD];
	_ =	sdelay $0x3  }
0x9c: {  	_ =	strace s4  }
0x9d: {  	_ =	strace $0x8FFFFFFF  }
0x9e: {  	s19 =	sld [smem:$0x3FDB];
	_ =	sdelay $0x1  }
0x9f: {  	s5 =	simm.s32 $_scs_section_size  }
0xa0: {  	s6 =	simm.s32 $_size__tile_overlayer_lowered;
	s7 =	simm.s32 $_tile_overlayer_lowered  }
0xa1: {  	s22 =	simm.s32 $0x1BFF;
	s21 =	sshll.u32 s7, $0x1;
	s4 =	sadd.s32 s5, s19  }
0xa2: {  	s8 =	simm.s32 $0x0;
	s20 =	sshll.u32 s6, $0x1;
	s6 =	sadd.s32 s21, s4  }
0xa3: {  	[timem:s8], [sflag:s22] =	dma.local [hbm:s6], s20  }
0xa4: {  	_ =	swait.ge [sflag:s22], s20  }
0xa5: {  	s5 =	ssub.s32 $0x0, s20;
	[sflag:s22] =	ssyncset.done $0x0  }
0xa6: {  	[sflag:s22] =	ssyncadd.s32 s5;
	_ =	sdelay $0x1  }
0xa7: {  	s23 =	simm.s32 $0x1B8B  }
0xa8: {  	_ =	swait.ge [sflag:s23], $0x1  }
0xa9: {  	[sflag:s23] =	ssyncset.done $0x0  }
0xaa: {  	s25 =	simm.s32 $0x1B8E;
	s24 =	sld [smem:$0x3FFE];
	[sflag:s23] =	ssyncadd.s32 $0xFFFFFFFF  }
0xab: {  	s26 =	simm.s32 $execute0_lowered;
	[smem:$0x3FD2] =	sst s25  }
0xac: {  	s6 =	sshll.u32 s26, $0x1;
	_ =	strace $0x80000046;
	[dreg:$0x1] =	wrdreg $0xFFFFFFFF  }
0xad: {  	s28 =	simm.s32 $_size_execute0_lowered;
	s4 =	sadd.s32 s4, s6;
	[dreg:$0x0] =	wrdreg $0x0  }
0xae: {  	s6 =	sshll.u32 s28, $0x1;
	[dreg:$0x2] =	wrdreg s4  }
0xaf: {  	[dreg:$0x3] =	wrdreg s6  }
0xb0: {  	[dreg:$0x4] =	wrdreg $0xC0  }
0xb1: {  	_ =	task [dreg:s8], $0x5FFFF  }
0xb2: {  	[dreg:$0x1] =	wrdreg $0xFFFFFFFF  }
0xb3: {  	[dreg:$0x0] =	wrdreg $0x60  }
0xb4: {  	[dreg:$0x2] =	wrdreg s16  }
0xb5: {  	[dreg:$0x3] =	wrdreg s24  }
0xb6: {  	[dreg:$0x4] =	wrdreg s17  }
0xb7: {  	[dreg:$0x5] =	wrdreg $0x9  }
0xb8: {  	_ =	task.clear_ibuf [dreg:s8], $0x6FFFF;
	_ =	strace $0x90000046  }
0xb9: {  	s29 =	simm.s32 $0x9;
	_ =	strace $0x80000048  }
0xba: {  	_ =	swait.ge [sflag:s29], $0x1  }
0xbb: {  	[sflag:s29] =	ssyncadd.s32 $0xFFFFFFFF  }
0xbc: {  	_ =	strace $0x90000048  }
0xbd: {  	_ =	sfence  }
0xbe: {  	s30 =	sld [smem:$0x0];
	_ =	sdelay $0x2  }
0xbf: {  	s31 =	sshll.u32 s1, $0xD;
	s1 =	sshrl.u32 s1, $0x2  }
0xc0: {  	s3 =	sand.u32 $0x4000, s31;
	s1 =	sadd.s32 s1, s30  }
0xc1: {  	s0 =	sor.u32 s3, s0;
	s1 =	sshll.u32 s1, $0x11  }
0xc2: {  	s0 =	sor.u32 s1, s0  }
0xc3: {  	s0 =	sadd.s32 $0x8F2B, s0  }
0xc4: {  	[sflag:s0] =	ssyncadd.remote.s32 $0x1  }
0xc5: {  	_ =	sfence.sel $0xFFFF  }
0xc6: {  	[dreg:$0x0] =	wrdreg $0xFFFFFFFF;
	(pc) =	sbr.abs _section_cstart, $3  }
0xc7: {  	[dreg:$0x1] =	wrdreg $0xFFFFFFFF  }
0xc8: {  	_ =	task.clear_ibuf [dreg:s8], $0x2FFFF;
	_ =	strace $0x9FFFFFFF  }
0xc9: {  	(tm) =	ssettm $0x7FFFFFFF  }
tec
execute0_lowered:
.L_overlay_start_1:
0x0: {  	(tag) =	ssettag $0x1  }
0x1: {  	s2 =	srdreg.scid  }
0x2: {  	s1 =	rddreg [dreg:$0x0];
	s0 =	stileid.u32;
	s6 =	sand.u32 $0x1, s2  }
0x3: {  	s4 =	rddreg [dreg:$0x1];
	s30 =	sshll.u32 s0, $0x6;
	s3 =	sshll.u32 s6, $0x5  }
0x4: {  	s9 =	rddreg [dreg:$0x2];
	s10 =	sor.u32 s3, s30  }
0x5: {  	s2 =	rddreg [dreg:$0x3];
	s3 =	simm.s32 $0x0;
	s5 =	sshrl.u32 s10, $0x3  }
0x6: {  	s11 =	ssub.s32 $0x2, s6;
	[smem:$0x7FF] =	sst s3;
	s4 =	sadd.s32 s5, s4  }
0x7: {  	_ =	strace $0x80000047;
	s5 =	sadd.s32 $0x1C00, s4;
	s4 =	simm.s32 $0x2  }
0x8: {  	[tilespmem:s3], [sflag:$0x2] =	stream.linear.gather [hbm4b:s5+s3], $0x20, $0x38;
	[tilespmem:$0x1080] =	vst v63  }
0x9: {  	s7 =	simm.s32 $0x80;
	s12 =	sshrl.u32 s11, $0x1;
	_ =	swait.ge [sflag:s4], $0x20  }
0xa: {  	s8 =	simm.s32 $0x1;
	s11 =	ssub.s32 s11, s12;
	[sflag:s4] =	ssyncset.done $0x0  }
0xb: {  	s6 =	simm.s32 $0x20;
	s31 =	smax.u32 s11, $0x1;
	[sflag:s4] =	ssyncadd.s32 $0xFFFFFFE0  }
0xc: {  	[tilespmem:s7], [sflag:$0x1] =	stream.indirect.gather [hbm4b:s1+s6], $0x80, s3, s6, $0xb8;
	[tilespmem:$0x1080] =	vst v63  }
0xd: {  	p0 =	sne.s32 s31, $0x1;
	_ =	swait.ge [sflag:s8], $0x1000  }
.Ltmp0:
0xe: {  	s10 =	sshll.u32 s10, $0x4;
	[sflag:s8] =	ssyncset.done $0x0;
	(pc) =	sbr.rel @!p0 .LBB2_2-.Ltmp0, $4  }
0xf: {  	s9 =	sadd.s32 s9, s10;
	[sflag:s8] =	ssyncadd.s32 $0xFFFFF000  }
0x10: {  	[hbm4b:s9+s3] =	stream.linear.scatter [tilespmem:s7], [sflag:$0x2], $0x1000, $0x38;
	[tilespmem:$0x1080] =	vst v63  }
0x11: {  	_ =	swait.ge [sflag:s4], $0x1000  }
0x12: {  	s10 =	sadd.s32 $0xFFFFFFFF, s31;
	[sflag:s4] =	ssyncset.done $0x0  }
.LBB2_1:
0x13: {  	p0 =	sne.s32 s10, $0x1;
	s10 =	sadd.s32 $0xFFFFFFFF, s10;
	[sflag:s4] =	ssyncadd.s32 $0xFFFFF000  }
0x14: {  	[tilespmem:s3], [sflag:$0x2] =	stream.linear.gather [hbm4b:s5+s3], $0x20, $0x38;
	[tilespmem:$0x1080] =	vst v63  }
0x15: {  	_ =	swait.ge [sflag:s4], $0x20  }
0x16: {  	[sflag:s4] =	ssyncset.done $0x0  }
0x17: {  	[sflag:s4] =	ssyncadd.s32 $0xFFFFFFE0  }
0x18: {  	[tilespmem:s7], [sflag:$0x1] =	stream.indirect.gather [hbm4b:s1+s6], $0x80, s3, s6, $0xb8;
	[tilespmem:$0x1080] =	vst v63  }
0x19: {  	_ =	swait.ge [sflag:s8], $0x1000  }
.Ltmp1:
0x1a: {  	[sflag:s8] =	ssyncset.done $0x0;
	(pc) =	sbr.rel @p0 .LBB2_1-.Ltmp1, $4  }
0x1b: {  	[sflag:s8] =	ssyncadd.s32 $0xFFFFF000  }
0x1c: {  	[hbm4b:s9+s3] =	stream.linear.scatter [tilespmem:s7], [sflag:$0x2], $0x1000, $0x38;
	[tilespmem:$0x1080] =	vst v63  }
0x1d: {  	_ =	swait.ge [sflag:s4], $0x1000  }
0x1e: {  	[sflag:s4] =	ssyncset.done $0x0  }
.LBB2_2:
0x1f: {  	[sflag:s4] =	ssyncadd.s32 $0xFFFFF000  }
0x20: {  	_ =	sfence.sel $0x180000  }
0x21: {  	[bflag:$0x0] =	sbarrier.arrive $0xFFFF  }
0x22: {  	p0 =	sne.s32 s0, $0x0;
	_ =	strace $0x90000047  }
0x23: {  	s0 =	sadd.s32 @!p0 $0x100000, s2;
	[bflag:$0x2] =	sbarrier.arrive $0xFFFF  }
0x24: {  	[sflag:s0] =	ssyncadd.tile.s32 @!p0 $0x1;
	_ =	shalt  }
.Lfunc_end2:
_tile_overlayer_lowered:
.L_overlay_start_2:
0x25: {  	(tag) =	ssettag $0x2  }
0x26: {  	s0 =	rddreg [dreg:$0x0];
	s2 =	stileid.u32  }
0x27: {  	s1 =	rddreg [dreg:$0x1];
	p0 =	sne.s32 s2, $0x0  }
0x28: {  	s3 =	rddreg [dreg:$0x2];
	[bflag:$0x3] =	sbarrier.arrive $0xFFFF;
	s2 =	simm.s32 @!p0 $0x1C02  }
0x29: {  	[timem:s3], [sflag:s2] =	dma.local @!p0 [hbm:s0], s1  }
0x2a: {  	s0 =	simm.s32 @!p0 $0x2  }
0x2b: {  	_ =	swait.ge @!p0 [sflag:s0], s1  }
0x2c: {  	s1 =	ssub.s32 @!p0 $0x0, s1;
	[sflag:s0] =	ssyncset.done @!p0 $0x0  }
0x2d: {  	[sflag:s0] =	ssyncadd.s32 @!p0 s1  }
0x2e: {  	[bflag:$0x3] =	sbarrier.arrive $0xFFFF  }
0x2f: {  	_ =	shalt  }

</sc_bundles>
